<compile_context>
chip_gen: v7x
topology: tpu7x:2x2x1
jax: 0.10.2.dev20260603
libtpu: 0.0.44.dev20260713+nightly
codegen_flags: <defaults>
</compile_context>

<pallas_src>
import functools

import jax
import jax.numpy as jnp
from jax import lax
from jax.experimental import pallas as pl
from jax.experimental.pallas import tpu as pltpu
from jax.experimental.pallas import tpu_sc as plsc

NC = 2
NS = 16
CH = 128
BR = 5120


def _cdiv(a, b):
  return (a + b - 1) // b




def _make_deg_kernel(N, NP, K):
  WR = NP // NS
  mesh = plsc.VectorSubcoreMesh(core_axis_name="c", subcore_axis_name="s")

  @functools.partial(
      pl.kernel,
      mesh=mesh,
      out_type=jax.ShapeDtypeStruct((NC, 1, NP), jnp.float32),
      scratch_types=[
          pltpu.VMEM((K, CH), jnp.int32),
          pltpu.VMEM((CH,), jnp.int32),
          pltpu.VMEM((CH,), jnp.float32),
          pltpu.VMEM((CH,), jnp.float32),
          pltpu.VMEM_SHARED((NP,), jnp.float32),
      ],
  )
  def deg_kernel(packed_hbm, out_hbm, pk_v, dst_b, ones_v, zero_v, acc):
    c = lax.axis_index("c")
    s = lax.axis_index("s")
    pltpu.sync_copy(packed_hbm.at[c, s], pk_v)
    for i in range(CH // 16):
      ones_v[pl.ds(i * 16, 16)] = jnp.ones((16,), jnp.float32)
      zero_v[pl.ds(i * 16, 16)] = jnp.zeros((16,), jnp.float32)
    for i in range(WR // CH):
      pltpu.sync_copy(zero_v, acc.at[pl.ds(s * WR + i * CH, CH)])
    plsc.subcore_barrier()

    def body(j, carry):
      for i in range(CH // 16):
        dst_b[pl.ds(i * 16, 16)] = lax.shift_right_logical(
            pk_v[j, pl.ds(i * 16, 16)], 15)
      pltpu.sync_copy(ones_v, acc.at[dst_b], add=True)
      return carry

    lax.fori_loop(0, K, body, 0)
    plsc.subcore_barrier()
    pltpu.sync_copy(acc.at[pl.ds(s * WR, WR)],
                    out_hbm.at[c, 0, pl.ds(s * WR, WR)])

  return deg_kernel


def _make_prop_kernel(N, NP, Dc, K, split_cols):
  assert K % 2 == 1
  RPT = NP // NS
  mesh = plsc.VectorSubcoreMesh(core_axis_name="c", subcore_axis_name="s")

  @functools.partial(
      pl.kernel,
      mesh=mesh,
      out_type=jax.ShapeDtypeStruct((NC, NP, Dc), jnp.float32),
      scratch_types=[
          pltpu.VMEM((K, CH), jnp.int32),
          pltpu.VMEM((CH,), jnp.int32),
          pltpu.VMEM((CH,), jnp.int32),
          pltpu.VMEM((CH,), jnp.int32),
          pltpu.VMEM((CH,), jnp.int32),
          pltpu.VMEM((CH, Dc), jnp.float32),
          pltpu.VMEM((CH, Dc), jnp.float32),
          pltpu.VMEM_SHARED((NP, Dc), jnp.float32),
          pltpu.SemaphoreType.DMA,
          pltpu.SemaphoreType.DMA,
      ],
  )
  def prop_kernel(table_hbm, packed_hbm, out_hbm, packed_v,
                  src0, dst0, src1, dst1, rows0, rows1, acc, sem0, sem1):
    c = lax.axis_index("c")
    s = lax.axis_index("s")
    off = c * NP if split_cols else 0
    pltpu.sync_copy(packed_hbm.at[s] if split_cols else packed_hbm.at[c, s],
                    packed_v)
    base = c * NP + s * RPT if split_cols else s * RPT
    pltpu.sync_copy(table_hbm.at[pl.ds(base, RPT)], acc.at[pl.ds(s * RPT, RPT)])
    plsc.subcore_barrier()

    def unpack(j, src_b, dst_b):
      for i in range(CH // 16):
        p = packed_v[j, pl.ds(i * 16, 16)]
        src_b[pl.ds(i * 16, 16)] = (p & 0x7FFF) + off
        dst_b[pl.ds(i * 16, 16)] = lax.shift_right_logical(p, 15)

    def gather(src_b, rows, sem):
      pltpu.async_copy(table_hbm.at[src_b], rows, sem)

    def drain_g(src_b, rows, sem):
      pltpu.make_async_copy(table_hbm.at[src_b], rows, sem).wait()

    def scatter(dst_b, rows):
      pltpu.sync_copy(rows, acc.at[dst_b], add=True)

    unpack(0, src0, dst0)
    gather(src0, rows0, sem0)

    def body(k, carry):
      j0 = 2 * k
      unpack(j0 + 1, src1, dst1)
      gather(src1, rows1, sem1)
      drain_g(src0, rows0, sem0)
      scatter(dst0, rows0)
      unpack(j0 + 2, src0, dst0)
      gather(src0, rows0, sem0)
      drain_g(src1, rows1, sem1)
      scatter(dst1, rows1)
      return carry

    lax.fori_loop(0, (K - 1) // 2, body, 0)
    drain_g(src0, rows0, sem0)
    scatter(dst0, rows0)
    plsc.subcore_barrier()
    pltpu.sync_copy(acc.at[pl.ds(s * RPT, RPT)],
                    out_hbm.at[c, pl.ds(s * RPT, RPT)])

  return prop_kernel




def _scale_call(deg_p, x, N, NP, DIN):
  Dc = DIN // 2

  def body(degp_ref, x_ref, u1_ref, dinv_ref):
    deg = degp_ref[0] + degp_ref[1] + 1.0
    dv = jnp.transpose(lax.rsqrt(deg), (1, 0))
    u = x_ref[...] * dv
    u1_ref[0] = u[:, :Dc]
    u1_ref[1] = u[:, Dc:]
    dinv_ref[...] = dv

  return pl.pallas_call(
      body,
      grid=(_cdiv(NP, BR),),
      in_specs=[
          pl.BlockSpec((NC, 1, BR), lambda i: (0, 0, i)),
          pl.BlockSpec((BR, DIN), lambda i: (i, 0)),
      ],
      out_specs=[
          pl.BlockSpec((NC, BR, Dc), lambda i: (0, i, 0)),
          pl.BlockSpec((BR, 1), lambda i: (i, 0)),
      ],
      out_shape=[
          jax.ShapeDtypeStruct((NC, NP, Dc), jnp.float32),
          jax.ShapeDtypeStruct((N, 1), jnp.float32),
      ],
  )(deg_p, x)


def _mlp_call(acc1, dinv, W1, b1, W2, N, NP, DIN, DHID, DOUT):
  Dc = DIN // 2

  def body(acc_ref, dinv_ref, w1_ref, b1_ref, w2_ref, u2_ref):
    dv = dinv_ref[...]
    a0 = (acc_ref[0] * dv).astype(jnp.bfloat16)
    a1 = (acc_ref[1] * dv).astype(jnp.bfloat16)
    w1 = w1_ref[...].astype(jnp.bfloat16)
    t = (jnp.dot(a0, w1[:Dc, :], preferred_element_type=jnp.float32)
         + jnp.dot(a1, w1[Dc:, :], preferred_element_type=jnp.float32)
         + b1_ref[...])
    h = jnp.maximum(t, 0.0).astype(jnp.bfloat16)
    u2_ref[...] = jnp.dot(h, w2_ref[...].astype(jnp.bfloat16),
                          preferred_element_type=jnp.float32) * dv

  return pl.pallas_call(
      body,
      grid=(_cdiv(NP, BR),),
      in_specs=[
          pl.BlockSpec((NC, BR, Dc), lambda i: (0, i, 0)),
          pl.BlockSpec((BR, 1), lambda i: (i, 0)),
          pl.BlockSpec((DIN, DHID), lambda i: (0, 0)),
          pl.BlockSpec((1, DHID), lambda i: (0, 0)),
          pl.BlockSpec((DHID, DOUT), lambda i: (0, 0)),
      ],
      out_specs=pl.BlockSpec((BR, DOUT), lambda i: (i, 0)),
      out_shape=jax.ShapeDtypeStruct((NP, DOUT), jnp.float32),
  )(acc1, dinv, W1, b1, W2)


def _final_call(acc2, u2, dinv, b2, N, NP, DOUT):

  def body(acc_ref, u2_ref, dinv_ref, b2_ref, out_ref):
    dv = dinv_ref[...]
    o = acc_ref[0] + acc_ref[1] - u2_ref[...]
    out_ref[...] = o * dv + b2_ref[...]

  return pl.pallas_call(
      body,
      grid=(_cdiv(N, BR),),
      in_specs=[
          pl.BlockSpec((NC, BR, DOUT), lambda i: (0, i, 0)),
          pl.BlockSpec((BR, DOUT), lambda i: (i, 0)),
          pl.BlockSpec((BR, 1), lambda i: (i, 0)),
          pl.BlockSpec((1, DOUT), lambda i: (0, 0)),
      ],
      out_specs=pl.BlockSpec((BR, DOUT), lambda i: (i, 0)),
      out_shape=jax.ShapeDtypeStruct((N, DOUT), jnp.float32),
  )(acc2, u2, dinv, b2)




def kernel(x, edge_index, W1, b1, W2, b2):
  N, DIN = x.shape
  E = edge_index.shape[1]
  DHID = W1.shape[1]
  DOUT = W2.shape[1]
  src = edge_index[0]
  dst = edge_index[1]

  NP = _cdiv(N + 1, 128 * NS) * 128 * NS

  EPW = E // (NC * NS)
  NCHW = _cdiv(EPW, CH)
  if NCHW % 2 == 0:
    NCHW += 1
  padw = NCHW * CH - EPW
  packed = src | (dst << 15)
  TR = NP - N

  def trash(shape, lead):
    ar = jnp.arange(shape[-1], dtype=jnp.int32)
    return N + ((ar + 37 * lead) % TR)

  wid = (jnp.arange(NC, dtype=jnp.int32)[:, None, None] * NS
         + jnp.arange(NS, dtype=jnp.int32)[None, :, None])
  tr_w = trash((NC, NS, padw), wid)
  pk_w = jnp.concatenate(
      [packed.reshape(NC, NS, EPW), tr_w | (tr_w << 15)],
      axis=2).reshape(NC, NS, NCHW, CH)
  EPT = E // NS
  NCH = _cdiv(EPT, CH)
  if NCH % 2 == 0:
    NCH += 1
  padt = NCH * CH - EPT
  tr_t = trash((NS, padt), jnp.arange(NS, dtype=jnp.int32)[:, None])
  pk_t = jnp.concatenate(
      [packed.reshape(NS, EPT), tr_t | (tr_t << 15)],
      axis=1).reshape(NS, NCH, CH)

  deg_p = _make_deg_kernel(N, NP, NCHW)(pk_w)
  u1, dinv = _scale_call(deg_p, x, N, NP, DIN)
  acc1 = _make_prop_kernel(N, NP, DIN // 2, NCH, True)(
      u1.reshape(2 * NP, DIN // 2), pk_t)
  u2 = _mlp_call(acc1, dinv, W1, b1.reshape(1, DHID), W2, N, NP, DIN, DHID,
                 DOUT)
  acc2 = _make_prop_kernel(N, NP, DOUT, NCHW, False)(u2, pk_w)
  return _final_call(acc2, u2, dinv, b2.reshape(1, DOUT), N, NP, DOUT)

# --- scband reference (transcript-rebuilt; emitter-appended) ---
"""Pipeline reference for scband-dgiencoder-13297218748903 (READ-ONLY COPY).

The authoritative reference and input builder live on the scoring server;
editing this copy changes nothing except your own understanding.
"""

import jax, jax.numpy as jnp
import numpy as np

N = 10000
E = 160000
D_IN = 256
D_HID = 512
D_OUT = 128


def setup_inputs(seed: int = 0) -> dict:
    key = jax.random.key(seed)
    ks = jax.random.split(key, 6)
    x = jax.random.normal(ks[0], (N, D_IN), dtype=jnp.float32)
    edge_index = jax.random.randint(ks[1], (2, E), 0, N, dtype=jnp.int32)
    W1 = jax.random.normal(ks[2], (D_IN, D_HID), dtype=jnp.float32) * (1.0 / np.sqrt(D_IN))
    b1 = jnp.zeros((D_HID,), dtype=jnp.float32)
    W2 = jax.random.normal(ks[3], (D_HID, D_OUT), dtype=jnp.float32) * (1.0 / np.sqrt(D_HID))
    b2 = jnp.zeros((D_OUT,), dtype=jnp.float32)
    return {"x": x, "edge_index": edge_index, "W1": W1, "b1": b1, "W2": W2, "b2": b2}


def gcn_conv(x, edge_index, W, b):
    # PyG GCNConv semantics: add self-loops, symmetric normalization
    src = edge_index[0]
    dst = edge_index[1]
    loop = jnp.arange(N, dtype=edge_index.dtype)
    src = jnp.concatenate([src, loop])
    dst = jnp.concatenate([dst, loop])
    ones = jnp.ones(src.shape, dtype=x.dtype)
    deg = jax.ops.segment_sum(ones, dst, num_segments=N)
    dinv = jnp.where(deg > 0, jax.lax.rsqrt(jnp.maximum(deg, 1e-12)), 0.0)
    norm = dinv[src] * dinv[dst]
    xw = x @ W
    msg = jnp.take(xw, src, axis=0) * norm[:, None]
    out = jax.ops.segment_sum(msg, dst, num_segments=N)
    return out + b


def reference(x, edge_index, W1, b1, W2, b2):
    h = jax.nn.relu(gcn_conv(x, edge_index, W1, b1))
    return gcn_conv(h, edge_index, W2, b2)

if __name__ == "__main__":
    import jax
    _d = setup_inputs()
    print(jax.jit(kernel)(*tuple(_d.values())))

</pallas_src>

<mosaic_0001>
#map = affine_map<(d0, d1) -> (0, 0, 0, 0)>
#map1 = affine_map<(d0, d1) -> (0, 0, 0)>
module attributes {stable_mosaic.version = 14 : i64} {
  func.func @deg_kernel(%arg0: i32, %arg1: i32, %arg2: memref<2x16x41x128xi32, #tpu.memory_space<hbm>>, %arg3: memref<2x1x10240xf32, #tpu.memory_space<hbm>>, %arg4: memref<41x128xi32, #tpu.memory_space<vmem>>, %arg5: memref<128xi32, #tpu.memory_space<vmem>>, %arg6: memref<128xf32, #tpu.memory_space<vmem>>, %arg7: memref<128xf32, #tpu.memory_space<vmem>>, %arg8: memref<10240xf32, #tpu.memory_space<vmem_shared>>) attributes {dimension_semantics = [#tpu.dimension_semantics<core_parallel>, #tpu.dimension_semantics<subcore_parallel>], iteration_bounds = array<i64: 2, 16>, scalar_prefetch = 0 : i64, scratch_operands = 5 : i64, tpu.core_type = #tpu.core_type<sc_vector_subcore>, window_params = [{transform_indices = #map}, {transform_indices = #map1}]} {
    "tpu.region"() ({
      %run_scoped3A_122 = tpu.sem_alloc : memref<!tpu.dma_semaphore, #tpu.memory_space<semaphore_mem>>
      %dma_start3A = arith.constant 0 : i32
      %dma_start3A_123 = arith.constant 0 : i32
      %dma_start3A_124 = tpu.memref_slice %arg2[%arg0, %arg1, %dma_start3A, %dma_start3A_123] : memref<2x16x41x128xi32, #tpu.memory_space<hbm>> -> memref<1x1x41x128xi32, #tpu.memory_space<hbm>>
      %dma_start3A_125 = tpu.memref_squeeze %dma_start3A_124 : memref<1x1x41x128xi32, #tpu.memory_space<hbm>> -> memref<41x128xi32, #tpu.memory_space<hbm>>
      %dma_start3A_126 = arith.constant 0 : i32
      %dma_start3A_127 = arith.constant 0 : i32
      %dma_start3A_128 = tpu.memref_slice %arg2[%arg0, %arg1, %dma_start3A_126, %dma_start3A_127] : memref<2x16x41x128xi32, #tpu.memory_space<hbm>> -> memref<1x1x41x128xi32, #tpu.memory_space<hbm>>
      %dma_start3A_129 = tpu.memref_squeeze %dma_start3A_128 : memref<1x1x41x128xi32, #tpu.memory_space<hbm>> -> memref<41x128xi32, #tpu.memory_space<hbm>>
      tpu.enqueue_dma source(%dma_start3A_129 : memref<41x128xi32, #tpu.memory_space<hbm>>) target(%arg4 : memref<41x128xi32, #tpu.memory_space<vmem>>) target_semaphore(%run_scoped3A_122 : memref<!tpu.dma_semaphore, #tpu.memory_space<semaphore_mem>>)
      %dma_wait3A = arith.constant 0 : i32
      %dma_wait3A_130 = arith.constant 0 : i32
      %dma_wait3A_131 = tpu.memref_slice %arg2[%arg0, %arg1, %dma_wait3A, %dma_wait3A_130] : memref<2x16x41x128xi32, #tpu.memory_space<hbm>> -> memref<1x1x41x128xi32, #tpu.memory_space<hbm>>
      %dma_wait3A_132 = tpu.memref_squeeze %dma_wait3A_131 : memref<1x1x41x128xi32, #tpu.memory_space<hbm>> -> memref<41x128xi32, #tpu.memory_space<hbm>>
      %dma_wait3A_133 = arith.constant 0 : i32
      %dma_wait3A_134 = arith.constant 0 : i32
      %dma_wait3A_135 = tpu.memref_slice %arg2[%arg0, %arg1, %dma_wait3A_133, %dma_wait3A_134] : memref<2x16x41x128xi32, #tpu.memory_space<hbm>> -> memref<1x1x41x128xi32, #tpu.memory_space<hbm>>
      %dma_wait3A_136 = tpu.memref_squeeze %dma_wait3A_135 : memref<1x1x41x128xi32, #tpu.memory_space<hbm>> -> memref<41x128xi32, #tpu.memory_space<hbm>>
      tpu.wait_dma2 semaphore(%run_scoped3A_122 : memref<!tpu.dma_semaphore, #tpu.memory_space<semaphore_mem>>) src(%dma_wait3A_136 : memref<41x128xi32, #tpu.memory_space<hbm>>) dst(%arg4 : memref<41x128xi32, #tpu.memory_space<vmem>>)
      tpu.yield
    }) : () -> ()
    %broadcast_in_dim3A = arith.constant 1.000000e+00 : f32
    %broadcast_in_dim3A_0 = vector.broadcast %broadcast_in_dim3A : f32 to vector<16xf32>
    %swap3A = arith.constant 0 : index
    %swap3A_1 = tpu.vector_load %arg6[%swap3A] {strides = array<i32>} : memref<128xf32, #tpu.memory_space<vmem>>, vector<16xf32>,
    %swap3A_2 = vector.shape_cast %swap3A_1 : vector<16xf32> to vector<16xf32>
    %swap3A_3 = vector.shape_cast %broadcast_in_dim3A_0 : vector<16xf32> to vector<16xf32>
    tpu.vector_store %arg6[%swap3A], %swap3A_3 {strides = array<i32>} : memref<128xf32, #tpu.memory_space<vmem>>, vector<16xf32>,
    %broadcast_in_dim3A_4 = arith.constant 0.000000e+00 : f32
    %broadcast_in_dim3A_5 = vector.broadcast %broadcast_in_dim3A_4 : f32 to vector<16xf32>
    %swap3A_6 = arith.constant 0 : index
    %swap3A_7 = tpu.vector_load %arg7[%swap3A_6] {strides = array<i32>} : memref<128xf32, #tpu.memory_space<vmem>>, vector<16xf32>,
    %swap3A_8 = vector.shape_cast %swap3A_7 : vector<16xf32> to vector<16xf32>
    %swap3A_9 = vector.shape_cast %broadcast_in_dim3A_5 : vector<16xf32> to vector<16xf32>
    tpu.vector_store %arg7[%swap3A_6], %swap3A_9 {strides = array<i32>} : memref<128xf32, #tpu.memory_space<vmem>>, vector<16xf32>,
    %broadcast_in_dim3A_10 = arith.constant 1.000000e+00 : f32
    %broadcast_in_dim3A_11 = vector.broadcast %broadcast_in_dim3A_10 : f32 to vector<16xf32>
    %swap3A_12 = arith.constant 16 : index
    %swap3A_13 = tpu.vector_load %arg6[%swap3A_12] {strides = array<i32>} : memref<128xf32, #tpu.memory_space<vmem>>, vector<16xf32>,
    %swap3A_14 = vector.shape_cast %swap3A_13 : vector<16xf32> to vector<16xf32>
    %swap3A_15 = vector.shape_cast %broadcast_in_dim3A_11 : vector<16xf32> to vector<16xf32>
    tpu.vector_store %arg6[%swap3A_12], %swap3A_15 {strides = array<i32>} : memref<128xf32, #tpu.memory_space<vmem>>, vector<16xf32>,
    %broadcast_in_dim3A_16 = arith.constant 0.000000e+00 : f32
    %broadcast_in_dim3A_17 = vector.broadcast %broadcast_in_dim3A_16 : f32 to vector<16xf32>
    %swap3A_18 = arith.constant 16 : index
    %swap3A_19 = tpu.vector_load %arg7[%swap3A_18] {strides = array<i32>} : memref<128xf32, #tpu.memory_space<vmem>>, vector<16xf32>,
    %swap3A_20 = vector.shape_cast %swap3A_19 : vector<16xf32> to vector<16xf32>
    %swap3A_21 = vector.shape_cast %broadcast_in_dim3A_17 : vector<16xf32> to vector<16xf32>
    tpu.vector_store %arg7[%swap3A_18], %swap3A_21 {strides = array<i32>} : memref<128xf32, #tpu.memory_space<vmem>>, vector<16xf32>,
    %broadcast_in_dim3A_22 = arith.constant 1.000000e+00 : f32
    %broadcast_in_dim3A_23 = vector.broadcast %broadcast_in_dim3A_22 : f32 to vector<16xf32>
    %swap3A_24 = arith.constant 32 : index
    %swap3A_25 = tpu.vector_load %arg6[%swap3A_24] {strides = array<i32>} : memref<128xf32, #tpu.memory_space<vmem>>, vector<16xf32>,
    %swap3A_26 = vector.shape_cast %swap3A_25 : vector<16xf32> to vector<16xf32>
    %swap3A_27 = vector.shape_cast %broadcast_in_dim3A_23 : vector<16xf32> to vector<16xf32>
    tpu.vector_store %arg6[%swap3A_24], %swap3A_27 {strides = array<i32>} : memref<128xf32, #tpu.memory_space<vmem>>, vector<16xf32>,
    %broadcast_in_dim3A_28 = arith.constant 0.000000e+00 : f32
    %broadcast_in_dim3A_29 = vector.broadcast %broadcast_in_dim3A_28 : f32 to vector<16xf32>
    %swap3A_30 = arith.constant 32 : index
    %swap3A_31 = tpu.vector_load %arg7[%swap3A_30] {strides = array<i32>} : memref<128xf32, #tpu.memory_space<vmem>>, vector<16xf32>,
    %swap3A_32 = vector.shape_cast %swap3A_31 : vector<16xf32> to vector<16xf32>
    %swap3A_33 = vector.shape_cast %broadcast_in_dim3A_29 : vector<16xf32> to vector<16xf32>
    tpu.vector_store %arg7[%swap3A_30], %swap3A_33 {strides = array<i32>} : memref<128xf32, #tpu.memory_space<vmem>>, vector<16xf32>,
    %broadcast_in_dim3A_34 = arith.constant 1.000000e+00 : f32
    %broadcast_in_dim3A_35 = vector.broadcast %broadcast_in_dim3A_34 : f32 to vector<16xf32>
    %swap3A_36 = arith.constant 48 : index
    %swap3A_37 = tpu.vector_load %arg6[%swap3A_36] {strides = array<i32>} : memref<128xf32, #tpu.memory_space<vmem>>, vector<16xf32>,
    %swap3A_38 = vector.shape_cast %swap3A_37 : vector<16xf32> to vector<16xf32>
    %swap3A_39 = vector.shape_cast %broadcast_in_dim3A_35 : vector<16xf32> to vector<16xf32>
    tpu.vector_store %arg6[%swap3A_36], %swap3A_39 {strides = array<i32>} : memref<128xf32, #tpu.memory_space<vmem>>, vector<16xf32>,
    %broadcast_in_dim3A_40 = arith.constant 0.000000e+00 : f32
    %broadcast_in_dim3A_41 = vector.broadcast %broadcast_in_dim3A_40 : f32 to vector<16xf32>
    %swap3A_42 = arith.constant 48 : index
    %swap3A_43 = tpu.vector_load %arg7[%swap3A_42] {strides = array<i32>} : memref<128xf32, #tpu.memory_space<vmem>>, vector<16xf32>,
    %swap3A_44 = vector.shape_cast %swap3A_43 : vector<16xf32> to vector<16xf32>
    %swap3A_45 = vector.shape_cast %broadcast_in_dim3A_41 : vector<16xf32> to vector<16xf32>
    tpu.vector_store %arg7[%swap3A_42], %swap3A_45 {strides = array<i32>} : memref<128xf32, #tpu.memory_space<vmem>>, vector<16xf32>,
    %broadcast_in_dim3A_46 = arith.constant 1.000000e+00 : f32
    %broadcast_in_dim3A_47 = vector.broadcast %broadcast_in_dim3A_46 : f32 to vector<16xf32>
    %swap3A_48 = arith.constant 64 : index
    %swap3A_49 = tpu.vector_load %arg6[%swap3A_48] {strides = array<i32>} : memref<128xf32, #tpu.memory_space<vmem>>, vector<16xf32>,
    %swap3A_50 = vector.shape_cast %swap3A_49 : vector<16xf32> to vector<16xf32>
    %swap3A_51 = vector.shape_cast %broadcast_in_dim3A_47 : vector<16xf32> to vector<16xf32>
    tpu.vector_store %arg6[%swap3A_48], %swap3A_51 {strides = array<i32>} : memref<128xf32, #tpu.memory_space<vmem>>, vector<16xf32>,
    %broadcast_in_dim3A_52 = arith.constant 0.000000e+00 : f32
    %broadcast_in_dim3A_53 = vector.broadcast %broadcast_in_dim3A_52 : f32 to vector<16xf32>
    %swap3A_54 = arith.constant 64 : index
    %swap3A_55 = tpu.vector_load %arg7[%swap3A_54] {strides = array<i32>} : memref<128xf32, #tpu.memory_space<vmem>>, vector<16xf32>,
    %swap3A_56 = vector.shape_cast %swap3A_55 : vector<16xf32> to vector<16xf32>
    %swap3A_57 = vector.shape_cast %broadcast_in_dim3A_53 : vector<16xf32> to vector<16xf32>
    tpu.vector_store %arg7[%swap3A_54], %swap3A_57 {strides = array<i32>} : memref<128xf32, #tpu.memory_space<vmem>>, vector<16xf32>,
    %broadcast_in_dim3A_58 = arith.constant 1.000000e+00 : f32
    %broadcast_in_dim3A_59 = vector.broadcast %broadcast_in_dim3A_58 : f32 to vector<16xf32>
    %swap3A_60 = arith.constant 80 : index
    %swap3A_61 = tpu.vector_load %arg6[%swap3A_60] {strides = array<i32>} : memref<128xf32, #tpu.memory_space<vmem>>, vector<16xf32>,
    %swap3A_62 = vector.shape_cast %swap3A_61 : vector<16xf32> to vector<16xf32>
    %swap3A_63 = vector.shape_cast %broadcast_in_dim3A_59 : vector<16xf32> to vector<16xf32>
    tpu.vector_store %arg6[%swap3A_60], %swap3A_63 {strides = array<i32>} : memref<128xf32, #tpu.memory_space<vmem>>, vector<16xf32>,
    %broadcast_in_dim3A_64 = arith.constant 0.000000e+00 : f32
    %broadcast_in_dim3A_65 = vector.broadcast %broadcast_in_dim3A_64 : f32 to vector<16xf32>
    %swap3A_66 = arith.constant 80 : index
    %swap3A_67 = tpu.vector_load %arg7[%swap3A_66] {strides = array<i32>} : memref<128xf32, #tpu.memory_space<vmem>>, vector<16xf32>,
    %swap3A_68 = vector.shape_cast %swap3A_67 : vector<16xf32> to vector<16xf32>
    %swap3A_69 = vector.shape_cast %broadcast_in_dim3A_65 : vector<16xf32> to vector<16xf32>
    tpu.vector_store %arg7[%swap3A_66], %swap3A_69 {strides = array<i32>} : memref<128xf32, #tpu.memory_space<vmem>>, vector<16xf32>,
    %broadcast_in_dim3A_70 = arith.constant 1.000000e+00 : f32
    %broadcast_in_dim3A_71 = vector.broadcast %broadcast_in_dim3A_70 : f32 to vector<16xf32>
    %swap3A_72 = arith.constant 96 : index
    %swap3A_73 = tpu.vector_load %arg6[%swap3A_72] {strides = array<i32>} : memref<128xf32, #tpu.memory_space<vmem>>, vector<16xf32>,
    %swap3A_74 = vector.shape_cast %swap3A_73 : vector<16xf32> to vector<16xf32>
    %swap3A_75 = vector.shape_cast %broadcast_in_dim3A_71 : vector<16xf32> to vector<16xf32>
    tpu.vector_store %arg6[%swap3A_72], %swap3A_75 {strides = array<i32>} : memref<128xf32, #tpu.memory_space<vmem>>, vector<16xf32>,
    %broadcast_in_dim3A_76 = arith.constant 0.000000e+00 : f32
    %broadcast_in_dim3A_77 = vector.broadcast %broadcast_in_dim3A_76 : f32 to vector<16xf32>
    %swap3A_78 = arith.constant 96 : index
    %swap3A_79 = tpu.vector_load %arg7[%swap3A_78] {strides = array<i32>} : memref<128xf32, #tpu.memory_space<vmem>>, vector<16xf32>,
    %swap3A_80 = vector.shape_cast %swap3A_79 : vector<16xf32> to vector<16xf32>
    %swap3A_81 = vector.shape_cast %broadcast_in_dim3A_77 : vector<16xf32> to vector<16xf32>
    tpu.vector_store %arg7[%swap3A_78], %swap3A_81 {strides = array<i32>} : memref<128xf32, #tpu.memory_space<vmem>>, vector<16xf32>,
    %broadcast_in_dim3A_82 = arith.constant 1.000000e+00 : f32
    %broadcast_in_dim3A_83 = vector.broadcast %broadcast_in_dim3A_82 : f32 to vector<16xf32>
    %swap3A_84 = arith.constant 112 : index
    %swap3A_85 = tpu.vector_load %arg6[%swap3A_84] {strides = array<i32>} : memref<128xf32, #tpu.memory_space<vmem>>, vector<16xf32>,
    %swap3A_86 = vector.shape_cast %swap3A_85 : vector<16xf32> to vector<16xf32>
    %swap3A_87 = vector.shape_cast %broadcast_in_dim3A_83 : vector<16xf32> to vector<16xf32>
    tpu.vector_store %arg6[%swap3A_84], %swap3A_87 {strides = array<i32>} : memref<128xf32, #tpu.memory_space<vmem>>, vector<16xf32>,
    %broadcast_in_dim3A_88 = arith.constant 0.000000e+00 : f32
    %broadcast_in_dim3A_89 = vector.broadcast %broadcast_in_dim3A_88 : f32 to vector<16xf32>
    %swap3A_90 = arith.constant 112 : index
    %swap3A_91 = tpu.vector_load %arg7[%swap3A_90] {strides = array<i32>} : memref<128xf32, #tpu.memory_space<vmem>>, vector<16xf32>,
    %swap3A_92 = vector.shape_cast %swap3A_91 : vector<16xf32> to vector<16xf32>
    %swap3A_93 = vector.shape_cast %broadcast_in_dim3A_89 : vector<16xf32> to vector<16xf32>
    tpu.vector_store %arg7[%swap3A_90], %swap3A_93 {strides = array<i32>} : memref<128xf32, #tpu.memory_space<vmem>>, vector<16xf32>,
    %mul3A = arith.constant 640 : i32
    %mul3A_94 = arith.muli %arg1, %mul3A : i32
    %add3A = arith.constant 0 : i32
    %add3A_95 = arith.addi %mul3A_94, %add3A : i32
    "tpu.region"() ({
      %run_scoped3A_122 = tpu.sem_alloc : memref<!tpu.dma_semaphore, #tpu.memory_space<semaphore_mem>>
      %dma_start3A = tpu.memref_slice %arg8[%add3A_95] : memref<10240xf32, #tpu.memory_space<vmem_shared>> -> memref<128xf32, #tpu.memory_space<vmem_shared>>
      %dma_start3A_123 = tpu.memref_slice %arg8[%add3A_95] : memref<10240xf32, #tpu.memory_space<vmem_shared>> -> memref<128xf32, #tpu.memory_space<vmem_shared>>
      tpu.enqueue_dma source(%arg7 : memref<128xf32, #tpu.memory_space<vmem>>) target(%dma_start3A_123 : memref<128xf32, #tpu.memory_space<vmem_shared>>) target_semaphore(%run_scoped3A_122 : memref<!tpu.dma_semaphore, #tpu.memory_space<semaphore_mem>>)
      %dma_wait3A = tpu.memref_slice %arg8[%add3A_95] : memref<10240xf32, #tpu.memory_space<vmem_shared>> -> memref<128xf32, #tpu.memory_space<vmem_shared>>
      %dma_wait3A_124 = tpu.memref_slice %arg8[%add3A_95] : memref<10240xf32, #tpu.memory_space<vmem_shared>> -> memref<128xf32, #tpu.memory_space<vmem_shared>>
      tpu.wait_dma2 semaphore(%run_scoped3A_122 : memref<!tpu.dma_semaphore, #tpu.memory_space<semaphore_mem>>) src(%arg7 : memref<128xf32, #tpu.memory_space<vmem>>) dst(%dma_wait3A_124 : memref<128xf32, #tpu.memory_space<vmem_shared>>)
      tpu.yield
    }) : () -> ()
    %mul3A_96 = arith.constant 640 : i32
    %mul3A_97 = arith.muli %arg1, %mul3A_96 : i32
    %add3A_98 = arith.constant 128 : i32
    %add3A_99 = arith.addi %mul3A_97, %add3A_98 : i32
    "tpu.region"() ({
      %run_scoped3A_122 = tpu.sem_alloc : memref<!tpu.dma_semaphore, #tpu.memory_space<semaphore_mem>>
      %dma_start3A = tpu.memref_slice %arg8[%add3A_99] : memref<10240xf32, #tpu.memory_space<vmem_shared>> -> memref<128xf32, #tpu.memory_space<vmem_shared>>
      %dma_start3A_123 = tpu.memref_slice %arg8[%add3A_99] : memref<10240xf32, #tpu.memory_space<vmem_shared>> -> memref<128xf32, #tpu.memory_space<vmem_shared>>
      tpu.enqueue_dma source(%arg7 : memref<128xf32, #tpu.memory_space<vmem>>) target(%dma_start3A_123 : memref<128xf32, #tpu.memory_space<vmem_shared>>) target_semaphore(%run_scoped3A_122 : memref<!tpu.dma_semaphore, #tpu.memory_space<semaphore_mem>>)
      %dma_wait3A = tpu.memref_slice %arg8[%add3A_99] : memref<10240xf32, #tpu.memory_space<vmem_shared>> -> memref<128xf32, #tpu.memory_space<vmem_shared>>
      %dma_wait3A_124 = tpu.memref_slice %arg8[%add3A_99] : memref<10240xf32, #tpu.memory_space<vmem_shared>> -> memref<128xf32, #tpu.memory_space<vmem_shared>>
      tpu.wait_dma2 semaphore(%run_scoped3A_122 : memref<!tpu.dma_semaphore, #tpu.memory_space<semaphore_mem>>) src(%arg7 : memref<128xf32, #tpu.memory_space<vmem>>) dst(%dma_wait3A_124 : memref<128xf32, #tpu.memory_space<vmem_shared>>)
      tpu.yield
    }) : () -> ()
    %mul3A_100 = arith.constant 640 : i32
    %mul3A_101 = arith.muli %arg1, %mul3A_100 : i32
    %add3A_102 = arith.constant 256 : i32
    %add3A_103 = arith.addi %mul3A_101, %add3A_102 : i32
    "tpu.region"() ({
      %run_scoped3A_122 = tpu.sem_alloc : memref<!tpu.dma_semaphore, #tpu.memory_space<semaphore_mem>>
      %dma_start3A = tpu.memref_slice %arg8[%add3A_103] : memref<10240xf32, #tpu.memory_space<vmem_shared>> -> memref<128xf32, #tpu.memory_space<vmem_shared>>
      %dma_start3A_123 = tpu.memref_slice %arg8[%add3A_103] : memref<10240xf32, #tpu.memory_space<vmem_shared>> -> memref<128xf32, #tpu.memory_space<vmem_shared>>
      tpu.enqueue_dma source(%arg7 : memref<128xf32, #tpu.memory_space<vmem>>) target(%dma_start3A_123 : memref<128xf32, #tpu.memory_space<vmem_shared>>) target_semaphore(%run_scoped3A_122 : memref<!tpu.dma_semaphore, #tpu.memory_space<semaphore_mem>>)
      %dma_wait3A = tpu.memref_slice %arg8[%add3A_103] : memref<10240xf32, #tpu.memory_space<vmem_shared>> -> memref<128xf32, #tpu.memory_space<vmem_shared>>
      %dma_wait3A_124 = tpu.memref_slice %arg8[%add3A_103] : memref<10240xf32, #tpu.memory_space<vmem_shared>> -> memref<128xf32, #tpu.memory_space<vmem_shared>>
      tpu.wait_dma2 semaphore(%run_scoped3A_122 : memref<!tpu.dma_semaphore, #tpu.memory_space<semaphore_mem>>) src(%arg7 : memref<128xf32, #tpu.memory_space<vmem>>) dst(%dma_wait3A_124 : memref<128xf32, #tpu.memory_space<vmem_shared>>)
      tpu.yield
    }) : () -> ()
    %mul3A_104 = arith.constant 640 : i32
    %mul3A_105 = arith.muli %arg1, %mul3A_104 : i32
    %add3A_106 = arith.constant 384 : i32
    %add3A_107 = arith.addi %mul3A_105, %add3A_106 : i32
    "tpu.region"() ({
      %run_scoped3A_122 = tpu.sem_alloc : memref<!tpu.dma_semaphore, #tpu.memory_space<semaphore_mem>>
      %dma_start3A = tpu.memref_slice %arg8[%add3A_107] : memref<10240xf32, #tpu.memory_space<vmem_shared>> -> memref<128xf32, #tpu.memory_space<vmem_shared>>
      %dma_start3A_123 = tpu.memref_slice %arg8[%add3A_107] : memref<10240xf32, #tpu.memory_space<vmem_shared>> -> memref<128xf32, #tpu.memory_space<vmem_shared>>
      tpu.enqueue_dma source(%arg7 : memref<128xf32, #tpu.memory_space<vmem>>) target(%dma_start3A_123 : memref<128xf32, #tpu.memory_space<vmem_shared>>) target_semaphore(%run_scoped3A_122 : memref<!tpu.dma_semaphore, #tpu.memory_space<semaphore_mem>>)
      %dma_wait3A = tpu.memref_slice %arg8[%add3A_107] : memref<10240xf32, #tpu.memory_space<vmem_shared>> -> memref<128xf32, #tpu.memory_space<vmem_shared>>
      %dma_wait3A_124 = tpu.memref_slice %arg8[%add3A_107] : memref<10240xf32, #tpu.memory_space<vmem_shared>> -> memref<128xf32, #tpu.memory_space<vmem_shared>>
      tpu.wait_dma2 semaphore(%run_scoped3A_122 : memref<!tpu.dma_semaphore, #tpu.memory_space<semaphore_mem>>) src(%arg7 : memref<128xf32, #tpu.memory_space<vmem>>) dst(%dma_wait3A_124 : memref<128xf32, #tpu.memory_space<vmem_shared>>)
      tpu.yield
    }) : () -> ()
    %mul3A_108 = arith.constant 640 : i32
    %mul3A_109 = arith.muli %arg1, %mul3A_108 : i32
    %add3A_110 = arith.constant 512 : i32
    %add3A_111 = arith.addi %mul3A_109, %add3A_110 : i32
    "tpu.region"() ({
      %run_scoped3A_122 = tpu.sem_alloc : memref<!tpu.dma_semaphore, #tpu.memory_space<semaphore_mem>>
      %dma_start3A = tpu.memref_slice %arg8[%add3A_111] : memref<10240xf32, #tpu.memory_space<vmem_shared>> -> memref<128xf32, #tpu.memory_space<vmem_shared>>
      %dma_start3A_123 = tpu.memref_slice %arg8[%add3A_111] : memref<10240xf32, #tpu.memory_space<vmem_shared>> -> memref<128xf32, #tpu.memory_space<vmem_shared>>
      tpu.enqueue_dma source(%arg7 : memref<128xf32, #tpu.memory_space<vmem>>) target(%dma_start3A_123 : memref<128xf32, #tpu.memory_space<vmem_shared>>) target_semaphore(%run_scoped3A_122 : memref<!tpu.dma_semaphore, #tpu.memory_space<semaphore_mem>>)
      %dma_wait3A = tpu.memref_slice %arg8[%add3A_111] : memref<10240xf32, #tpu.memory_space<vmem_shared>> -> memref<128xf32, #tpu.memory_space<vmem_shared>>
      %dma_wait3A_124 = tpu.memref_slice %arg8[%add3A_111] : memref<10240xf32, #tpu.memory_space<vmem_shared>> -> memref<128xf32, #tpu.memory_space<vmem_shared>>
      tpu.wait_dma2 semaphore(%run_scoped3A_122 : memref<!tpu.dma_semaphore, #tpu.memory_space<semaphore_mem>>) src(%arg7 : memref<128xf32, #tpu.memory_space<vmem>>) dst(%dma_wait3A_124 : memref<128xf32, #tpu.memory_space<vmem_shared>>)
      tpu.yield
    }) : () -> ()
    %barrier3A = arith.constant 0 : index
    tpu.barrier barrier_id(%barrier3A)
    %scan3A = arith.constant 0 : i32
    %scan3A_112 = arith.constant 0 : i32
    %scan3A_113 = arith.constant 41 : i32
    %scan3A_114 = arith.addi %scan3A_112, %scan3A_113 : i32
    %scan3A_115 = arith.constant 1 : i32
    scf.for %scan3A_122 = %scan3A_112 to %scan3A_114 step %scan3A_115  : i32 {
      %get3A = arith.index_cast %scan3A_122 : i32 to index
      %get3A_123 = arith.constant 0 : index
      %get3A_124 = tpu.vector_load %arg4[%get3A, %get3A_123] {strides = array<i32>} : memref<41x128xi32, #tpu.memory_space<vmem>>, vector<1x16xi32>,
      %get3A_125 = vector.shape_cast %get3A_124 : vector<1x16xi32> to vector<16xi32>
      %shift_right_logical3A = arith.constant 15 : i32
      %shift_right_logical3A_126 = vector.broadcast %shift_right_logical3A : i32 to vector<16xi32>
      %shift_right_logical3A_127 = arith.shrui %get3A_125, %shift_right_logical3A_126 : vector<16xi32>
      %swap3A_128 = arith.constant 0 : index
      %swap3A_129 = tpu.vector_load %arg5[%swap3A_128] {strides = array<i32>} : memref<128xi32, #tpu.memory_space<vmem>>, vector<16xi32>,
      %swap3A_130 = vector.shape_cast %swap3A_129 : vector<16xi32> to vector<16xi32>
      %swap3A_131 = vector.shape_cast %shift_right_logical3A_127 : vector<16xi32> to vector<16xi32>
      tpu.vector_store %arg5[%swap3A_128], %swap3A_131 {strides = array<i32>} : memref<128xi32, #tpu.memory_space<vmem>>, vector<16xi32>,
      %get3A_132 = arith.index_cast %scan3A_122 : i32 to index
      %get3A_133 = arith.constant 16 : index
      %get3A_134 = tpu.vector_load %arg4[%get3A_132, %get3A_133] {strides = array<i32>} : memref<41x128xi32, #tpu.memory_space<vmem>>, vector<1x16xi32>,
      %get3A_135 = vector.shape_cast %get3A_134 : vector<1x16xi32> to vector<16xi32>
      %shift_right_logical3A_136 = arith.constant 15 : i32
      %shift_right_logical3A_137 = vector.broadcast %shift_right_logical3A_136 : i32 to vector<16xi32>
      %shift_right_logical3A_138 = arith.shrui %get3A_135, %shift_right_logical3A_137 : vector<16xi32>
      %swap3A_139 = arith.constant 16 : index
      %swap3A_140 = tpu.vector_load %arg5[%swap3A_139] {strides = array<i32>} : memref<128xi32, #tpu.memory_space<vmem>>, vector<16xi32>,
      %swap3A_141 = vector.shape_cast %swap3A_140 : vector<16xi32> to vector<16xi32>
      %swap3A_142 = vector.shape_cast %shift_right_logical3A_138 : vector<16xi32> to vector<16xi32>
      tpu.vector_store %arg5[%swap3A_139], %swap3A_142 {strides = array<i32>} : memref<128xi32, #tpu.memory_space<vmem>>, vector<16xi32>,
      %get3A_143 = arith.index_cast %scan3A_122 : i32 to index
      %get3A_144 = arith.constant 32 : index
      %get3A_145 = tpu.vector_load %arg4[%get3A_143, %get3A_144] {strides = array<i32>} : memref<41x128xi32, #tpu.memory_space<vmem>>, vector<1x16xi32>,
      %get3A_146 = vector.shape_cast %get3A_145 : vector<1x16xi32> to vector<16xi32>
      %shift_right_logical3A_147 = arith.constant 15 : i32
      %shift_right_logical3A_148 = vector.broadcast %shift_right_logical3A_147 : i32 to vector<16xi32>
      %shift_right_logical3A_149 = arith.shrui %get3A_146, %shift_right_logical3A_148 : vector<16xi32>
      %swap3A_150 = arith.constant 32 : index
      %swap3A_151 = tpu.vector_load %arg5[%swap3A_150] {strides = array<i32>} : memref<128xi32, #tpu.memory_space<vmem>>, vector<16xi32>,
      %swap3A_152 = vector.shape_cast %swap3A_151 : vector<16xi32> to vector<16xi32>
      %swap3A_153 = vector.shape_cast %shift_right_logical3A_149 : vector<16xi32> to vector<16xi32>
      tpu.vector_store %arg5[%swap3A_150], %swap3A_153 {strides = array<i32>} : memref<128xi32, #tpu.memory_space<vmem>>, vector<16xi32>,
      %get3A_154 = arith.index_cast %scan3A_122 : i32 to index
      %get3A_155 = arith.constant 48 : index
      %get3A_156 = tpu.vector_load %arg4[%get3A_154, %get3A_155] {strides = array<i32>} : memref<41x128xi32, #tpu.memory_space<vmem>>, vector<1x16xi32>,
      %get3A_157 = vector.shape_cast %get3A_156 : vector<1x16xi32> to vector<16xi32>
      %shift_right_logical3A_158 = arith.constant 15 : i32
      %shift_right_logical3A_159 = vector.broadcast %shift_right_logical3A_158 : i32 to vector<16xi32>
      %shift_right_logical3A_160 = arith.shrui %get3A_157, %shift_right_logical3A_159 : vector<16xi32>
      %swap3A_161 = arith.constant 48 : index
      %swap3A_162 = tpu.vector_load %arg5[%swap3A_161] {strides = array<i32>} : memref<128xi32, #tpu.memory_space<vmem>>, vector<16xi32>,
      %swap3A_163 = vector.shape_cast %swap3A_162 : vector<16xi32> to vector<16xi32>
      %swap3A_164 = vector.shape_cast %shift_right_logical3A_160 : vector<16xi32> to vector<16xi32>
      tpu.vector_store %arg5[%swap3A_161], %swap3A_164 {strides = array<i32>} : memref<128xi32, #tpu.memory_space<vmem>>, vector<16xi32>,
      %get3A_165 = arith.index_cast %scan3A_122 : i32 to index
      %get3A_166 = arith.constant 64 : index
      %get3A_167 = tpu.vector_load %arg4[%get3A_165, %get3A_166] {strides = array<i32>} : memref<41x128xi32, #tpu.memory_space<vmem>>, vector<1x16xi32>,
      %get3A_168 = vector.shape_cast %get3A_167 : vector<1x16xi32> to vector<16xi32>
      %shift_right_logical3A_169 = arith.constant 15 : i32
      %shift_right_logical3A_170 = vector.broadcast %shift_right_logical3A_169 : i32 to vector<16xi32>
      %shift_right_logical3A_171 = arith.shrui %get3A_168, %shift_right_logical3A_170 : vector<16xi32>
      %swap3A_172 = arith.constant 64 : index
      %swap3A_173 = tpu.vector_load %arg5[%swap3A_172] {strides = array<i32>} : memref<128xi32, #tpu.memory_space<vmem>>, vector<16xi32>,
      %swap3A_174 = vector.shape_cast %swap3A_173 : vector<16xi32> to vector<16xi32>
      %swap3A_175 = vector.shape_cast %shift_right_logical3A_171 : vector<16xi32> to vector<16xi32>
      tpu.vector_store %arg5[%swap3A_172], %swap3A_175 {strides = array<i32>} : memref<128xi32, #tpu.memory_space<vmem>>, vector<16xi32>,
      %get3A_176 = arith.index_cast %scan3A_122 : i32 to index
      %get3A_177 = arith.constant 80 : index
      %get3A_178 = tpu.vector_load %arg4[%get3A_176, %get3A_177] {strides = array<i32>} : memref<41x128xi32, #tpu.memory_space<vmem>>, vector<1x16xi32>,
      %get3A_179 = vector.shape_cast %get3A_178 : vector<1x16xi32> to vector<16xi32>
      %shift_right_logical3A_180 = arith.constant 15 : i32
      %shift_right_logical3A_181 = vector.broadcast %shift_right_logical3A_180 : i32 to vector<16xi32>
      %shift_right_logical3A_182 = arith.shrui %get3A_179, %shift_right_logical3A_181 : vector<16xi32>
      %swap3A_183 = arith.constant 80 : index
      %swap3A_184 = tpu.vector_load %arg5[%swap3A_183] {strides = array<i32>} : memref<128xi32, #tpu.memory_space<vmem>>, vector<16xi32>,
      %swap3A_185 = vector.shape_cast %swap3A_184 : vector<16xi32> to vector<16xi32>
      %swap3A_186 = vector.shape_cast %shift_right_logical3A_182 : vector<16xi32> to vector<16xi32>
      tpu.vector_store %arg5[%swap3A_183], %swap3A_186 {strides = array<i32>} : memref<128xi32, #tpu.memory_space<vmem>>, vector<16xi32>,
      %get3A_187 = arith.index_cast %scan3A_122 : i32 to index
      %get3A_188 = arith.constant 96 : index
      %get3A_189 = tpu.vector_load %arg4[%get3A_187, %get3A_188] {strides = array<i32>} : memref<41x128xi32, #tpu.memory_space<vmem>>, vector<1x16xi32>,
      %get3A_190 = vector.shape_cast %get3A_189 : vector<1x16xi32> to vector<16xi32>
      %shift_right_logical3A_191 = arith.constant 15 : i32
      %shift_right_logical3A_192 = vector.broadcast %shift_right_logical3A_191 : i32 to vector<16xi32>
      %shift_right_logical3A_193 = arith.shrui %get3A_190, %shift_right_logical3A_192 : vector<16xi32>
      %swap3A_194 = arith.constant 96 : index
      %swap3A_195 = tpu.vector_load %arg5[%swap3A_194] {strides = array<i32>} : memref<128xi32, #tpu.memory_space<vmem>>, vector<16xi32>,
      %swap3A_196 = vector.shape_cast %swap3A_195 : vector<16xi32> to vector<16xi32>
      %swap3A_197 = vector.shape_cast %shift_right_logical3A_193 : vector<16xi32> to vector<16xi32>
      tpu.vector_store %arg5[%swap3A_194], %swap3A_197 {strides = array<i32>} : memref<128xi32, #tpu.memory_space<vmem>>, vector<16xi32>,
      %get3A_198 = arith.index_cast %scan3A_122 : i32 to index
      %get3A_199 = arith.constant 112 : index
      %get3A_200 = tpu.vector_load %arg4[%get3A_198, %get3A_199] {strides = array<i32>} : memref<41x128xi32, #tpu.memory_space<vmem>>, vector<1x16xi32>,
      %get3A_201 = vector.shape_cast %get3A_200 : vector<1x16xi32> to vector<16xi32>
      %shift_right_logical3A_202 = arith.constant 15 : i32
      %shift_right_logical3A_203 = vector.broadcast %shift_right_logical3A_202 : i32 to vector<16xi32>
      %shift_right_logical3A_204 = arith.shrui %get3A_201, %shift_right_logical3A_203 : vector<16xi32>
      %swap3A_205 = arith.constant 112 : index
      %swap3A_206 = tpu.vector_load %arg5[%swap3A_205] {strides = array<i32>} : memref<128xi32, #tpu.memory_space<vmem>>, vector<16xi32>,
      %swap3A_207 = vector.shape_cast %swap3A_206 : vector<16xi32> to vector<16xi32>
      %swap3A_208 = vector.shape_cast %shift_right_logical3A_204 : vector<16xi32> to vector<16xi32>
      tpu.vector_store %arg5[%swap3A_205], %swap3A_208 {strides = array<i32>} : memref<128xi32, #tpu.memory_space<vmem>>, vector<16xi32>,
      "tpu.region"() ({
        %run_scoped3A_209 = tpu.sem_alloc : memref<!tpu.dma_semaphore, #tpu.memory_space<semaphore_mem>>
        %dma_start3A = arith.constant 0 : i32
        %dma_start3A_210 = tpu.memref_slice %arg8[%dma_start3A] : memref<10240xf32, #tpu.memory_space<vmem_shared>> -> memref<10240xf32, #tpu.memory_space<vmem_shared>>
        tpu.enqueue_indirect_dma source(%arg6 : memref<128xf32, #tpu.memory_space<vmem>>) target(%dma_start3A_210 : memref<10240xf32, #tpu.memory_space<vmem_shared>>) offsets(%arg5 : memref<128xi32, #tpu.memory_space<vmem>>) semaphore(%run_scoped3A_209 : memref<!tpu.dma_semaphore, #tpu.memory_space<semaphore_mem>>) {add = true}
        %dma_wait3A = arith.constant 0 : i32
        %dma_wait3A_211 = tpu.memref_slice %arg8[%dma_wait3A] : memref<10240xf32, #tpu.memory_space<vmem_shared>> -> memref<10240xf32, #tpu.memory_space<vmem_shared>>
        tpu.wait_indirect_dma semaphore(%run_scoped3A_209 : memref<!tpu.dma_semaphore, #tpu.memory_space<semaphore_mem>>) src(%arg6 : memref<128xf32, #tpu.memory_space<vmem>>) dst(%dma_wait3A_211 : memref<10240xf32, #tpu.memory_space<vmem_shared>>)
        tpu.yield
      }) : () -> ()
    }
    %scan3A_116 = arith.constant 41 : i32
    %barrier3A_117 = arith.constant 0 : index
    tpu.barrier barrier_id(%barrier3A_117)
    %mul3A_118 = arith.constant 640 : i32
    %mul3A_119 = arith.muli %arg1, %mul3A_118 : i32
    %mul3A_120 = arith.constant 640 : i32
    %mul3A_121 = arith.muli %arg1, %mul3A_120 : i32
    %run_scoped3A = arith.constant 0 : i32
    "tpu.region"() ({
      %run_scoped3A_122 = tpu.sem_alloc : memref<!tpu.dma_semaphore, #tpu.memory_space<semaphore_mem>>
      %dma_start3A = tpu.memref_slice %arg3[%arg0, %run_scoped3A, %mul3A_121] : memref<2x1x10240xf32, #tpu.memory_space<hbm>> -> memref<1x1x640xf32, #tpu.memory_space<hbm>>
      %dma_start3A_123 = tpu.memref_squeeze %dma_start3A : memref<1x1x640xf32, #tpu.memory_space<hbm>> -> memref<640xf32, #tpu.memory_space<hbm>>
      %dma_start3A_124 = tpu.memref_slice %arg8[%mul3A_119] : memref<10240xf32, #tpu.memory_space<vmem_shared>> -> memref<640xf32, #tpu.memory_space<vmem_shared>>
      tpu.enqueue_dma source(%dma_start3A_124 : memref<640xf32, #tpu.memory_space<vmem_shared>>) target(%dma_start3A_123 : memref<640xf32, #tpu.memory_space<hbm>>) target_semaphore(%run_scoped3A_122 : memref<!tpu.dma_semaphore, #tpu.memory_space<semaphore_mem>>)
      %dma_wait3A = tpu.memref_slice %arg3[%arg0, %run_scoped3A, %mul3A_121] : memref<2x1x10240xf32, #tpu.memory_space<hbm>> -> memref<1x1x640xf32, #tpu.memory_space<hbm>>
      %dma_wait3A_125 = tpu.memref_squeeze %dma_wait3A : memref<1x1x640xf32, #tpu.memory_space<hbm>> -> memref<640xf32, #tpu.memory_space<hbm>>
      %dma_wait3A_126 = tpu.memref_slice %arg8[%mul3A_119] : memref<10240xf32, #tpu.memory_space<vmem_shared>> -> memref<640xf32, #tpu.memory_space<vmem_shared>>
      tpu.wait_dma2 semaphore(%run_scoped3A_122 : memref<!tpu.dma_semaphore, #tpu.memory_space<semaphore_mem>>) src(%dma_wait3A_126 : memref<640xf32, #tpu.memory_space<vmem_shared>>) dst(%dma_wait3A_125 : memref<640xf32, #tpu.memory_space<hbm>>)
      tpu.yield
    }) : () -> ()
    return
  }
}

#map = affine_map<(d0, d1) -> (0, 0)>
#map1 = affine_map<(d0, d1) -> (0, 0, 0)>
module attributes {stable_mosaic.version = 14 : i64} {
  func.func @prop_kernel(%arg0: i32, %arg1: i32, %arg2: memref<20480x128xf32, #tpu.memory_space<hbm>>, %arg3: memref<16x79x128xi32, #tpu.memory_space<hbm>>, %arg4: memref<2x10240x128xf32, #tpu.memory_space<hbm>>, %arg5: memref<79x128xi32, #tpu.memory_space<vmem>>, %arg6: memref<128xi32, #tpu.memory_space<vmem>>, %arg7: memref<128xi32, #tpu.memory_space<vmem>>, %arg8: memref<128xi32, #tpu.memory_space<vmem>>, %arg9: memref<128xi32, #tpu.memory_space<vmem>>, %arg10: memref<128x128xf32, #tpu.memory_space<vmem>>, %arg11: memref<128x128xf32, #tpu.memory_space<vmem>>, %arg12: memref<10240x128xf32, #tpu.memory_space<vmem_shared>>, %arg13: memref<!tpu.dma_semaphore, #tpu.memory_space<semaphore_mem>>, %arg14: memref<!tpu.dma_semaphore, #tpu.memory_space<semaphore_mem>>) attributes {dimension_semantics = [#tpu.dimension_semantics<core_parallel>, #tpu.dimension_semantics<subcore_parallel>], iteration_bounds = array<i64: 2, 16>, scalar_prefetch = 0 : i64, scratch_operands = 10 : i64, tpu.core_type = #tpu.core_type<sc_vector_subcore>, window_params = [{transform_indices = #map}, {transform_indices = #map1}, {transform_indices = #map1}]} {
    %mul3A = arith.constant 10240 : i32
    %mul3A_0 = arith.muli %arg0, %mul3A : i32
    "tpu.region"() ({
      %run_scoped3A = tpu.sem_alloc : memref<!tpu.dma_semaphore, #tpu.memory_space<semaphore_mem>>
      %dma_start3A_185 = arith.constant 0 : i32
      %dma_start3A_186 = arith.constant 0 : i32
      %dma_start3A_187 = tpu.memref_slice %arg3[%arg1, %dma_start3A_185, %dma_start3A_186] : memref<16x79x128xi32, #tpu.memory_space<hbm>> -> memref<1x79x128xi32, #tpu.memory_space<hbm>>
      %dma_start3A_188 = tpu.memref_squeeze %dma_start3A_187 : memref<1x79x128xi32, #tpu.memory_space<hbm>> -> memref<79x128xi32, #tpu.memory_space<hbm>>
      %dma_start3A_189 = arith.constant 0 : i32
      %dma_start3A_190 = arith.constant 0 : i32
      %dma_start3A_191 = tpu.memref_slice %arg3[%arg1, %dma_start3A_189, %dma_start3A_190] : memref<16x79x128xi32, #tpu.memory_space<hbm>> -> memref<1x79x128xi32, #tpu.memory_space<hbm>>
      %dma_start3A_192 = tpu.memref_squeeze %dma_start3A_191 : memref<1x79x128xi32, #tpu.memory_space<hbm>> -> memref<79x128xi32, #tpu.memory_space<hbm>>
      tpu.enqueue_dma source(%dma_start3A_192 : memref<79x128xi32, #tpu.memory_space<hbm>>) target(%arg5 : memref<79x128xi32, #tpu.memory_space<vmem>>) target_semaphore(%run_scoped3A : memref<!tpu.dma_semaphore, #tpu.memory_space<semaphore_mem>>)
      %dma_wait3A_193 = arith.constant 0 : i32
      %dma_wait3A_194 = arith.constant 0 : i32
      %dma_wait3A_195 = tpu.memref_slice %arg3[%arg1, %dma_wait3A_193, %dma_wait3A_194] : memref<16x79x128xi32, #tpu.memory_space<hbm>> -> memref<1x79x128xi32, #tpu.memory_space<hbm>>
      %dma_wait3A_196 = tpu.memref_squeeze %dma_wait3A_195 : memref<1x79x128xi32, #tpu.memory_space<hbm>> -> memref<79x128xi32, #tpu.memory_space<hbm>>
      %dma_wait3A_197 = arith.constant 0 : i32
      %dma_wait3A_198 = arith.constant 0 : i32
      %dma_wait3A_199 = tpu.memref_slice %arg3[%arg1, %dma_wait3A_197, %dma_wait3A_198] : memref<16x79x128xi32, #tpu.memory_space<hbm>> -> memref<1x79x128xi32, #tpu.memory_space<hbm>>
      %dma_wait3A_200 = tpu.memref_squeeze %dma_wait3A_199 : memref<1x79x128xi32, #tpu.memory_space<hbm>> -> memref<79x128xi32, #tpu.memory_space<hbm>>
      tpu.wait_dma2 semaphore(%run_scoped3A : memref<!tpu.dma_semaphore, #tpu.memory_space<semaphore_mem>>) src(%dma_wait3A_200 : memref<79x128xi32, #tpu.memory_space<hbm>>) dst(%arg5 : memref<79x128xi32, #tpu.memory_space<vmem>>)
      tpu.yield
    }) : () -> ()
    %mul3A_1 = arith.constant 10240 : i32
    %mul3A_2 = arith.muli %arg0, %mul3A_1 : i32
    %mul3A_3 = arith.constant 640 : i32
    %mul3A_4 = arith.muli %arg1, %mul3A_3 : i32
    %add3A = arith.addi %mul3A_2, %mul3A_4 : i32
    %mul3A_5 = arith.constant 640 : i32
    %mul3A_6 = arith.muli %arg1, %mul3A_5 : i32
    "tpu.region"() ({
      %run_scoped3A = tpu.sem_alloc : memref<!tpu.dma_semaphore, #tpu.memory_space<semaphore_mem>>
      %dma_start3A_185 = arith.constant 0 : i32
      %dma_start3A_186 = tpu.memref_slice %arg12[%mul3A_6, %dma_start3A_185] : memref<10240x128xf32, #tpu.memory_space<vmem_shared>> -> memref<640x128xf32, #tpu.memory_space<vmem_shared>>
      %dma_start3A_187 = arith.constant 0 : i32
      %dma_start3A_188 = tpu.memref_slice %arg2[%add3A, %dma_start3A_187] : memref<20480x128xf32, #tpu.memory_space<hbm>> -> memref<640x128xf32, #tpu.memory_space<hbm>>
      tpu.enqueue_dma source(%dma_start3A_188 : memref<640x128xf32, #tpu.memory_space<hbm>>) target(%dma_start3A_186 : memref<640x128xf32, #tpu.memory_space<vmem_shared>>) target_semaphore(%run_scoped3A : memref<!tpu.dma_semaphore, #tpu.memory_space<semaphore_mem>>)
      %dma_wait3A_189 = arith.constant 0 : i32
      %dma_wait3A_190 = tpu.memref_slice %arg12[%mul3A_6, %dma_wait3A_189] : memref<10240x128xf32, #tpu.memory_space<vmem_shared>> -> memref<640x128xf32, #tpu.memory_space<vmem_shared>>
      %dma_wait3A_191 = arith.constant 0 : i32
      %dma_wait3A_192 = tpu.memref_slice %arg2[%add3A, %dma_wait3A_191] : memref<20480x128xf32, #tpu.memory_space<hbm>> -> memref<640x128xf32, #tpu.memory_space<hbm>>
      tpu.wait_dma2 semaphore(%run_scoped3A : memref<!tpu.dma_semaphore, #tpu.memory_space<semaphore_mem>>) src(%dma_wait3A_192 : memref<640x128xf32, #tpu.memory_space<hbm>>) dst(%dma_wait3A_190 : memref<640x128xf32, #tpu.memory_space<vmem_shared>>)
      tpu.yield
    }) : () -> ()
    %barrier3A = arith.constant 0 : index
    tpu.barrier barrier_id(%barrier3A)
    %get3A = arith.constant 0 : i32
    %get3A_7 = arith.index_cast %get3A : i32 to index
    %get3A_8 = arith.constant 0 : index
    %get3A_9 = tpu.vector_load %arg5[%get3A_7, %get3A_8] {strides = array<i32>} : memref<79x128xi32, #tpu.memory_space<vmem>>, vector<1x16xi32>,
    %get3A_10 = vector.shape_cast %get3A_9 : vector<1x16xi32> to vector<16xi32>
    %and3A = arith.constant 32767 : i32
    %and3A_11 = vector.broadcast %and3A : i32 to vector<16xi32>
    %and3A_12 = arith.andi %get3A_10, %and3A_11 : vector<16xi32>
    %add3A_13 = vector.broadcast %mul3A_0 : i32 to vector<16xi32>
    %add3A_14 = arith.addi %and3A_12, %add3A_13 : vector<16xi32>
    %swap3A = arith.constant 0 : index
    %swap3A_15 = tpu.vector_load %arg6[%swap3A] {strides = array<i32>} : memref<128xi32, #tpu.memory_space<vmem>>, vector<16xi32>,
    %swap3A_16 = vector.shape_cast %swap3A_15 : vector<16xi32> to vector<16xi32>
    %swap3A_17 = vector.shape_cast %add3A_14 : vector<16xi32> to vector<16xi32>
    tpu.vector_store %arg6[%swap3A], %swap3A_17 {strides = array<i32>} : memref<128xi32, #tpu.memory_space<vmem>>, vector<16xi32>,
    %shift_right_logical3A = arith.constant 15 : i32
    %shift_right_logical3A_18 = vector.broadcast %shift_right_logical3A : i32 to vector<16xi32>
    %shift_right_logical3A_19 = arith.shrui %get3A_10, %shift_right_logical3A_18 : vector<16xi32>
    %swap3A_20 = arith.constant 0 : index
    %swap3A_21 = tpu.vector_load %arg7[%swap3A_20] {strides = array<i32>} : memref<128xi32, #tpu.memory_space<vmem>>, vector<16xi32>,
    %swap3A_22 = vector.shape_cast %swap3A_21 : vector<16xi32> to vector<16xi32>
    %swap3A_23 = vector.shape_cast %shift_right_logical3A_19 : vector<16xi32> to vector<16xi32>
    tpu.vector_store %arg7[%swap3A_20], %swap3A_23 {strides = array<i32>} : memref<128xi32, #tpu.memory_space<vmem>>, vector<16xi32>,
    %get3A_24 = arith.constant 0 : i32
    %get3A_25 = arith.index_cast %get3A_24 : i32 to index
    %get3A_26 = arith.constant 16 : index
    %get3A_27 = tpu.vector_load %arg5[%get3A_25, %get3A_26] {strides = array<i32>} : memref<79x128xi32, #tpu.memory_space<vmem>>, vector<1x16xi32>,
    %get3A_28 = vector.shape_cast %get3A_27 : vector<1x16xi32> to vector<16xi32>
    %and3A_29 = arith.constant 32767 : i32
    %and3A_30 = vector.broadcast %and3A_29 : i32 to vector<16xi32>
    %and3A_31 = arith.andi %get3A_28, %and3A_30 : vector<16xi32>
    %add3A_32 = vector.broadcast %mul3A_0 : i32 to vector<16xi32>
    %add3A_33 = arith.addi %and3A_31, %add3A_32 : vector<16xi32>
    %swap3A_34 = arith.constant 16 : index
    %swap3A_35 = tpu.vector_load %arg6[%swap3A_34] {strides = array<i32>} : memref<128xi32, #tpu.memory_space<vmem>>, vector<16xi32>,
    %swap3A_36 = vector.shape_cast %swap3A_35 : vector<16xi32> to vector<16xi32>
    %swap3A_37 = vector.shape_cast %add3A_33 : vector<16xi32> to vector<16xi32>
    tpu.vector_store %arg6[%swap3A_34], %swap3A_37 {strides = array<i32>} : memref<128xi32, #tpu.memory_space<vmem>>, vector<16xi32>,
    %shift_right_logical3A_38 = arith.constant 15 : i32
    %shift_right_logical3A_39 = vector.broadcast %shift_right_logical3A_38 : i32 to vector<16xi32>
    %shift_right_logical3A_40 = arith.shrui %get3A_28, %shift_right_logical3A_39 : vector<16xi32>
    %swap3A_41 = arith.constant 16 : index
    %swap3A_42 = tpu.vector_load %arg7[%swap3A_41] {strides = array<i32>} : memref<128xi32, #tpu.memory_space<vmem>>, vector<16xi32>,
    %swap3A_43 = vector.shape_cast %swap3A_42 : vector<16xi32> to vector<16xi32>
    %swap3A_44 = vector.shape_cast %shift_right_logical3A_40 : vector<16xi32> to vector<16xi32>
    tpu.vector_store %arg7[%swap3A_41], %swap3A_44 {strides = array<i32>} : memref<128xi32, #tpu.memory_space<vmem>>, vector<16xi32>,
    %get3A_45 = arith.constant 0 : i32
    %get3A_46 = arith.index_cast %get3A_45 : i32 to index
    %get3A_47 = arith.constant 32 : index
    %get3A_48 = tpu.vector_load %arg5[%get3A_46, %get3A_47] {strides = array<i32>} : memref<79x128xi32, #tpu.memory_space<vmem>>, vector<1x16xi32>,
    %get3A_49 = vector.shape_cast %get3A_48 : vector<1x16xi32> to vector<16xi32>
    %and3A_50 = arith.constant 32767 : i32
    %and3A_51 = vector.broadcast %and3A_50 : i32 to vector<16xi32>
    %and3A_52 = arith.andi %get3A_49, %and3A_51 : vector<16xi32>
    %add3A_53 = vector.broadcast %mul3A_0 : i32 to vector<16xi32>
    %add3A_54 = arith.addi %and3A_52, %add3A_53 : vector<16xi32>
    %swap3A_55 = arith.constant 32 : index
    %swap3A_56 = tpu.vector_load %arg6[%swap3A_55] {strides = array<i32>} : memref<128xi32, #tpu.memory_space<vmem>>, vector<16xi32>,
    %swap3A_57 = vector.shape_cast %swap3A_56 : vector<16xi32> to vector<16xi32>
    %swap3A_58 = vector.shape_cast %add3A_54 : vector<16xi32> to vector<16xi32>
    tpu.vector_store %arg6[%swap3A_55], %swap3A_58 {strides = array<i32>} : memref<128xi32, #tpu.memory_space<vmem>>, vector<16xi32>,
    %shift_right_logical3A_59 = arith.constant 15 : i32
    %shift_right_logical3A_60 = vector.broadcast %shift_right_logical3A_59 : i32 to vector<16xi32>
    %shift_right_logical3A_61 = arith.shrui %get3A_49, %shift_right_logical3A_60 : vector<16xi32>
    %swap3A_62 = arith.constant 32 : index
    %swap3A_63 = tpu.vector_load %arg7[%swap3A_62] {strides = array<i32>} : memref<128xi32, #tpu.memory_space<vmem>>, vector<16xi32>,
    %swap3A_64 = vector.shape_cast %swap3A_63 : vector<16xi32> to vector<16xi32>
    %swap3A_65 = vector.shape_cast %shift_right_logical3A_61 : vector<16xi32> to vector<16xi32>
    tpu.vector_store %arg7[%swap3A_62], %swap3A_65 {strides = array<i32>} : memref<128xi32, #tpu.memory_space<vmem>>, vector<16xi32>,
    %get3A_66 = arith.constant 0 : i32
    %get3A_67 = arith.index_cast %get3A_66 : i32 to index
    %get3A_68 = arith.constant 48 : index
    %get3A_69 = tpu.vector_load %arg5[%get3A_67, %get3A_68] {strides = array<i32>} : memref<79x128xi32, #tpu.memory_space<vmem>>, vector<1x16xi32>,
    %get3A_70 = vector.shape_cast %get3A_69 : vector<1x16xi32> to vector<16xi32>
    %and3A_71 = arith.constant 32767 : i32
    %and3A_72 = vector.broadcast %and3A_71 : i32 to vector<16xi32>
    %and3A_73 = arith.andi %get3A_70, %and3A_72 : vector<16xi32>
    %add3A_74 = vector.broadcast %mul3A_0 : i32 to vector<16xi32>
    %add3A_75 = arith.addi %and3A_73, %add3A_74 : vector<16xi32>
    %swap3A_76 = arith.constant 48 : index
    %swap3A_77 = tpu.vector_load %arg6[%swap3A_76] {strides = array<i32>} : memref<128xi32, #tpu.memory_space<vmem>>, vector<16xi32>,
    %swap3A_78 = vector.shape_cast %swap3A_77 : vector<16xi32> to vector<16xi32>
    %swap3A_79 = vector.shape_cast %add3A_75 : vector<16xi32> to vector<16xi32>
    tpu.vector_store %arg6[%swap3A_76], %swap3A_79 {strides = array<i32>} : memref<128xi32, #tpu.memory_space<vmem>>, vector<16xi32>,
    %shift_right_logical3A_80 = arith.constant 15 : i32
    %shift_right_logical3A_81 = vector.broadcast %shift_right_logical3A_80 : i32 to vector<16xi32>
    %shift_right_logical3A_82 = arith.shrui %get3A_70, %shift_right_logical3A_81 : vector<16xi32>
    %swap3A_83 = arith.constant 48 : index
    %swap3A_84 = tpu.vector_load %arg7[%swap3A_83] {strides = array<i32>} : memref<128xi32, #tpu.memory_space<vmem>>, vector<16xi32>,
    %swap3A_85 = vector.shape_cast %swap3A_84 : vector<16xi32> to vector<16xi32>
    %swap3A_86 = vector.shape_cast %shift_right_logical3A_82 : vector<16xi32> to vector<16xi32>
    tpu.vector_store %arg7[%swap3A_83], %swap3A_86 {strides = array<i32>} : memref<128xi32, #tpu.memory_space<vmem>>, vector<16xi32>,
    %get3A_87 = arith.constant 0 : i32
    %get3A_88 = arith.index_cast %get3A_87 : i32 to index
    %get3A_89 = arith.constant 64 : index
    %get3A_90 = tpu.vector_load %arg5[%get3A_88, %get3A_89] {strides = array<i32>} : memref<79x128xi32, #tpu.memory_space<vmem>>, vector<1x16xi32>,
    %get3A_91 = vector.shape_cast %get3A_90 : vector<1x16xi32> to vector<16xi32>
    %and3A_92 = arith.constant 32767 : i32
    %and3A_93 = vector.broadcast %and3A_92 : i32 to vector<16xi32>
    %and3A_94 = arith.andi %get3A_91, %and3A_93 : vector<16xi32>
    %add3A_95 = vector.broadcast %mul3A_0 : i32 to vector<16xi32>
    %add3A_96 = arith.addi %and3A_94, %add3A_95 : vector<16xi32>
    %swap3A_97 = arith.constant 64 : index
    %swap3A_98 = tpu.vector_load %arg6[%swap3A_97] {strides = array<i32>} : memref<128xi32, #tpu.memory_space<vmem>>, vector<16xi32>,
    %swap3A_99 = vector.shape_cast %swap3A_98 : vector<16xi32> to vector<16xi32>
    %swap3A_100 = vector.shape_cast %add3A_96 : vector<16xi32> to vector<16xi32>
    tpu.vector_store %arg6[%swap3A_97], %swap3A_100 {strides = array<i32>} : memref<128xi32, #tpu.memory_space<vmem>>, vector<16xi32>,
    %shift_right_logical3A_101 = arith.constant 15 : i32
    %shift_right_logical3A_102 = vector.broadcast %shift_right_logical3A_101 : i32 to vector<16xi32>
    %shift_right_logical3A_103 = arith.shrui %get3A_91, %shift_right_logical3A_102 : vector<16xi32>
    %swap3A_104 = arith.constant 64 : index
    %swap3A_105 = tpu.vector_load %arg7[%swap3A_104] {strides = array<i32>} : memref<128xi32, #tpu.memory_space<vmem>>, vector<16xi32>,
    %swap3A_106 = vector.shape_cast %swap3A_105 : vector<16xi32> to vector<16xi32>
    %swap3A_107 = vector.shape_cast %shift_right_logical3A_103 : vector<16xi32> to vector<16xi32>
    tpu.vector_store %arg7[%swap3A_104], %swap3A_107 {strides = array<i32>} : memref<128xi32, #tpu.memory_space<vmem>>, vector<16xi32>,
    %get3A_108 = arith.constant 0 : i32
    %get3A_109 = arith.index_cast %get3A_108 : i32 to index
    %get3A_110 = arith.constant 80 : index
    %get3A_111 = tpu.vector_load %arg5[%get3A_109, %get3A_110] {strides = array<i32>} : memref<79x128xi32, #tpu.memory_space<vmem>>, vector<1x16xi32>,
    %get3A_112 = vector.shape_cast %get3A_111 : vector<1x16xi32> to vector<16xi32>
    %and3A_113 = arith.constant 32767 : i32
    %and3A_114 = vector.broadcast %and3A_113 : i32 to vector<16xi32>
    %and3A_115 = arith.andi %get3A_112, %and3A_114 : vector<16xi32>
    %add3A_116 = vector.broadcast %mul3A_0 : i32 to vector<16xi32>
    %add3A_117 = arith.addi %and3A_115, %add3A_116 : vector<16xi32>
    %swap3A_118 = arith.constant 80 : index
    %swap3A_119 = tpu.vector_load %arg6[%swap3A_118] {strides = array<i32>} : memref<128xi32, #tpu.memory_space<vmem>>, vector<16xi32>,
    %swap3A_120 = vector.shape_cast %swap3A_119 : vector<16xi32> to vector<16xi32>
    %swap3A_121 = vector.shape_cast %add3A_117 : vector<16xi32> to vector<16xi32>
    tpu.vector_store %arg6[%swap3A_118], %swap3A_121 {strides = array<i32>} : memref<128xi32, #tpu.memory_space<vmem>>, vector<16xi32>,
    %shift_right_logical3A_122 = arith.constant 15 : i32
    %shift_right_logical3A_123 = vector.broadcast %shift_right_logical3A_122 : i32 to vector<16xi32>
    %shift_right_logical3A_124 = arith.shrui %get3A_112, %shift_right_logical3A_123 : vector<16xi32>
    %swap3A_125 = arith.constant 80 : index
    %swap3A_126 = tpu.vector_load %arg7[%swap3A_125] {strides = array<i32>} : memref<128xi32, #tpu.memory_space<vmem>>, vector<16xi32>,
    %swap3A_127 = vector.shape_cast %swap3A_126 : vector<16xi32> to vector<16xi32>
    %swap3A_128 = vector.shape_cast %shift_right_logical3A_124 : vector<16xi32> to vector<16xi32>
    tpu.vector_store %arg7[%swap3A_125], %swap3A_128 {strides = array<i32>} : memref<128xi32, #tpu.memory_space<vmem>>, vector<16xi32>,
    %get3A_129 = arith.constant 0 : i32
    %get3A_130 = arith.index_cast %get3A_129 : i32 to index
    %get3A_131 = arith.constant 96 : index
    %get3A_132 = tpu.vector_load %arg5[%get3A_130, %get3A_131] {strides = array<i32>} : memref<79x128xi32, #tpu.memory_space<vmem>>, vector<1x16xi32>,
    %get3A_133 = vector.shape_cast %get3A_132 : vector<1x16xi32> to vector<16xi32>
    %and3A_134 = arith.constant 32767 : i32
    %and3A_135 = vector.broadcast %and3A_134 : i32 to vector<16xi32>
    %and3A_136 = arith.andi %get3A_133, %and3A_135 : vector<16xi32>
    %add3A_137 = vector.broadcast %mul3A_0 : i32 to vector<16xi32>
    %add3A_138 = arith.addi %and3A_136, %add3A_137 : vector<16xi32>
    %swap3A_139 = arith.constant 96 : index
    %swap3A_140 = tpu.vector_load %arg6[%swap3A_139] {strides = array<i32>} : memref<128xi32, #tpu.memory_space<vmem>>, vector<16xi32>,
    %swap3A_141 = vector.shape_cast %swap3A_140 : vector<16xi32> to vector<16xi32>
    %swap3A_142 = vector.shape_cast %add3A_138 : vector<16xi32> to vector<16xi32>
    tpu.vector_store %arg6[%swap3A_139], %swap3A_142 {strides = array<i32>} : memref<128xi32, #tpu.memory_space<vmem>>, vector<16xi32>,
    %shift_right_logical3A_143 = arith.constant 15 : i32
    %shift_right_logical3A_144 = vector.broadcast %shift_right_logical3A_143 : i32 to vector<16xi32>
    %shift_right_logical3A_145 = arith.shrui %get3A_133, %shift_right_logical3A_144 : vector<16xi32>
    %swap3A_146 = arith.constant 96 : index
    %swap3A_147 = tpu.vector_load %arg7[%swap3A_146] {strides = array<i32>} : memref<128xi32, #tpu.memory_space<vmem>>, vector<16xi32>,
    %swap3A_148 = vector.shape_cast %swap3A_147 : vector<16xi32> to vector<16xi32>
    %swap3A_149 = vector.shape_cast %shift_right_logical3A_145 : vector<16xi32> to vector<16xi32>
    tpu.vector_store %arg7[%swap3A_146], %swap3A_149 {strides = array<i32>} : memref<128xi32, #tpu.memory_space<vmem>>, vector<16xi32>,
    %get3A_150 = arith.constant 0 : i32
    %get3A_151 = arith.index_cast %get3A_150 : i32 to index
    %get3A_152 = arith.constant 112 : index
    %get3A_153 = tpu.vector_load %arg5[%get3A_151, %get3A_152] {strides = array<i32>} : memref<79x128xi32, #tpu.memory_space<vmem>>, vector<1x16xi32>,
    %get3A_154 = vector.shape_cast %get3A_153 : vector<1x16xi32> to vector<16xi32>
    %and3A_155 = arith.constant 32767 : i32
    %and3A_156 = vector.broadcast %and3A_155 : i32 to vector<16xi32>
    %and3A_157 = arith.andi %get3A_154, %and3A_156 : vector<16xi32>
    %add3A_158 = vector.broadcast %mul3A_0 : i32 to vector<16xi32>
    %add3A_159 = arith.addi %and3A_157, %add3A_158 : vector<16xi32>
    %swap3A_160 = arith.constant 112 : index
    %swap3A_161 = tpu.vector_load %arg6[%swap3A_160] {strides = array<i32>} : memref<128xi32, #tpu.memory_space<vmem>>, vector<16xi32>,
    %swap3A_162 = vector.shape_cast %swap3A_161 : vector<16xi32> to vector<16xi32>
    %swap3A_163 = vector.shape_cast %add3A_159 : vector<16xi32> to vector<16xi32>
    tpu.vector_store %arg6[%swap3A_160], %swap3A_163 {strides = array<i32>} : memref<128xi32, #tpu.memory_space<vmem>>, vector<16xi32>,
    %shift_right_logical3A_164 = arith.constant 15 : i32
    %shift_right_logical3A_165 = vector.broadcast %shift_right_logical3A_164 : i32 to vector<16xi32>
    %shift_right_logical3A_166 = arith.shrui %get3A_154, %shift_right_logical3A_165 : vector<16xi32>
    %swap3A_167 = arith.constant 112 : index
    %swap3A_168 = tpu.vector_load %arg7[%swap3A_167] {strides = array<i32>} : memref<128xi32, #tpu.memory_space<vmem>>, vector<16xi32>,
    %swap3A_169 = vector.shape_cast %swap3A_168 : vector<16xi32> to vector<16xi32>
    %swap3A_170 = vector.shape_cast %shift_right_logical3A_166 : vector<16xi32> to vector<16xi32>
    tpu.vector_store %arg7[%swap3A_167], %swap3A_170 {strides = array<i32>} : memref<128xi32, #tpu.memory_space<vmem>>, vector<16xi32>,
    %dma_start3A = arith.constant 0 : i32
    %dma_start3A_171 = arith.constant 0 : i32
    %dma_start3A_172 = tpu.memref_slice %arg2[%dma_start3A, %dma_start3A_171] : memref<20480x128xf32, #tpu.memory_space<hbm>> -> memref<20480x128xf32, #tpu.memory_space<hbm>>
    tpu.enqueue_indirect_dma source(%dma_start3A_172 : memref<20480x128xf32, #tpu.memory_space<hbm>>) target(%arg10 : memref<128x128xf32, #tpu.memory_space<vmem>>) offsets(%arg6 : memref<128xi32, #tpu.memory_space<vmem>>) semaphore(%arg13 : memref<!tpu.dma_semaphore, #tpu.memory_space<semaphore_mem>>)
    %scan3A = arith.constant 0 : i32
    %scan3A_173 = arith.constant 0 : i32
    %scan3A_174 = arith.constant 39 : i32
    %scan3A_175 = arith.addi %scan3A_173, %scan3A_174 : i32
    %scan3A_176 = arith.constant 1 : i32
    scf.for %scan3A_185 = %scan3A_173 to %scan3A_175 step %scan3A_176  : i32 {
      %mul3A_186 = arith.constant 2 : i32
      %mul3A_187 = arith.muli %mul3A_186, %scan3A_185 : i32
      %add3A_188 = arith.constant 1 : i32
      %add3A_189 = arith.addi %mul3A_187, %add3A_188 : i32
      %get3A_190 = arith.index_cast %add3A_189 : i32 to index
      %get3A_191 = arith.constant 0 : index
      %get3A_192 = tpu.vector_load %arg5[%get3A_190, %get3A_191] {strides = array<i32>} : memref<79x128xi32, #tpu.memory_space<vmem>>, vector<1x16xi32>,
      %get3A_193 = vector.shape_cast %get3A_192 : vector<1x16xi32> to vector<16xi32>
      %and3A_194 = arith.constant 32767 : i32
      %and3A_195 = vector.broadcast %and3A_194 : i32 to vector<16xi32>
      %and3A_196 = arith.andi %get3A_193, %and3A_195 : vector<16xi32>
      %add3A_197 = vector.broadcast %mul3A_0 : i32 to vector<16xi32>
      %add3A_198 = arith.addi %and3A_196, %add3A_197 : vector<16xi32>
      %swap3A_199 = arith.constant 0 : index
      %swap3A_200 = tpu.vector_load %arg8[%swap3A_199] {strides = array<i32>} : memref<128xi32, #tpu.memory_space<vmem>>, vector<16xi32>,
      %swap3A_201 = vector.shape_cast %swap3A_200 : vector<16xi32> to vector<16xi32>
      %swap3A_202 = vector.shape_cast %add3A_198 : vector<16xi32> to vector<16xi32>
      tpu.vector_store %arg8[%swap3A_199], %swap3A_202 {strides = array<i32>} : memref<128xi32, #tpu.memory_space<vmem>>, vector<16xi32>,
      %shift_right_logical3A_203 = arith.constant 15 : i32
      %shift_right_logical3A_204 = vector.broadcast %shift_right_logical3A_203 : i32 to vector<16xi32>
      %shift_right_logical3A_205 = arith.shrui %get3A_193, %shift_right_logical3A_204 : vector<16xi32>
      %swap3A_206 = arith.constant 0 : index
      %swap3A_207 = tpu.vector_load %arg9[%swap3A_206] {strides = array<i32>} : memref<128xi32, #tpu.memory_space<vmem>>, vector<16xi32>,
      %swap3A_208 = vector.shape_cast %swap3A_207 : vector<16xi32> to vector<16xi32>
      %swap3A_209 = vector.shape_cast %shift_right_logical3A_205 : vector<16xi32> to vector<16xi32>
      tpu.vector_store %arg9[%swap3A_206], %swap3A_209 {strides = array<i32>} : memref<128xi32, #tpu.memory_space<vmem>>, vector<16xi32>,
      %get3A_210 = arith.index_cast %add3A_189 : i32 to index
      %get3A_211 = arith.constant 16 : index
      %get3A_212 = tpu.vector_load %arg5[%get3A_210, %get3A_211] {strides = array<i32>} : memref<79x128xi32, #tpu.memory_space<vmem>>, vector<1x16xi32>,
      %get3A_213 = vector.shape_cast %get3A_212 : vector<1x16xi32> to vector<16xi32>
      %and3A_214 = arith.constant 32767 : i32
      %and3A_215 = vector.broadcast %and3A_214 : i32 to vector<16xi32>
      %and3A_216 = arith.andi %get3A_213, %and3A_215 : vector<16xi32>
      %add3A_217 = vector.broadcast %mul3A_0 : i32 to vector<16xi32>
      %add3A_218 = arith.addi %and3A_216, %add3A_217 : vector<16xi32>
      %swap3A_219 = arith.constant 16 : index
      %swap3A_220 = tpu.vector_load %arg8[%swap3A_219] {strides = array<i32>} : memref<128xi32, #tpu.memory_space<vmem>>, vector<16xi32>,
      %swap3A_221 = vector.shape_cast %swap3A_220 : vector<16xi32> to vector<16xi32>
      %swap3A_222 = vector.shape_cast %add3A_218 : vector<16xi32> to vector<16xi32>
      tpu.vector_store %arg8[%swap3A_219], %swap3A_222 {strides = array<i32>} : memref<128xi32, #tpu.memory_space<vmem>>, vector<16xi32>,
      %shift_right_logical3A_223 = arith.constant 15 : i32
      %shift_right_logical3A_224 = vector.broadcast %shift_right_logical3A_223 : i32 to vector<16xi32>
      %shift_right_logical3A_225 = arith.shrui %get3A_213, %shift_right_logical3A_224 : vector<16xi32>
      %swap3A_226 = arith.constant 16 : index
      %swap3A_227 = tpu.vector_load %arg9[%swap3A_226] {strides = array<i32>} : memref<128xi32, #tpu.memory_space<vmem>>, vector<16xi32>,
      %swap3A_228 = vector.shape_cast %swap3A_227 : vector<16xi32> to vector<16xi32>
      %swap3A_229 = vector.shape_cast %shift_right_logical3A_225 : vector<16xi32> to vector<16xi32>
      tpu.vector_store %arg9[%swap3A_226], %swap3A_229 {strides = array<i32>} : memref<128xi32, #tpu.memory_space<vmem>>, vector<16xi32>,
      %get3A_230 = arith.index_cast %add3A_189 : i32 to index
      %get3A_231 = arith.constant 32 : index
      %get3A_232 = tpu.vector_load %arg5[%get3A_230, %get3A_231] {strides = array<i32>} : memref<79x128xi32, #tpu.memory_space<vmem>>, vector<1x16xi32>,
      %get3A_233 = vector.shape_cast %get3A_232 : vector<1x16xi32> to vector<16xi32>
      %and3A_234 = arith.constant 32767 : i32
      %and3A_235 = vector.broadcast %and3A_234 : i32 to vector<16xi32>
      %and3A_236 = arith.andi %get3A_233, %and3A_235 : vector<16xi32>
      %add3A_237 = vector.broadcast %mul3A_0 : i32 to vector<16xi32>
      %add3A_238 = arith.addi %and3A_236, %add3A_237 : vector<16xi32>
      %swap3A_239 = arith.constant 32 : index
      %swap3A_240 = tpu.vector_load %arg8[%swap3A_239] {strides = array<i32>} : memref<128xi32, #tpu.memory_space<vmem>>, vector<16xi32>,
      %swap3A_241 = vector.shape_cast %swap3A_240 : vector<16xi32> to vector<16xi32>
      %swap3A_242 = vector.shape_cast %add3A_238 : vector<16xi32> to vector<16xi32>
      tpu.vector_store %arg8[%swap3A_239], %swap3A_242 {strides = array<i32>} : memref<128xi32, #tpu.memory_space<vmem>>, vector<16xi32>,
      %shift_right_logical3A_243 = arith.constant 15 : i32
      %shift_right_logical3A_244 = vector.broadcast %shift_right_logical3A_243 : i32 to vector<16xi32>
      %shift_right_logical3A_245 = arith.shrui %get3A_233, %shift_right_logical3A_244 : vector<16xi32>
      %swap3A_246 = arith.constant 32 : index
      %swap3A_247 = tpu.vector_load %arg9[%swap3A_246] {strides = array<i32>} : memref<128xi32, #tpu.memory_space<vmem>>, vector<16xi32>,
      %swap3A_248 = vector.shape_cast %swap3A_247 : vector<16xi32> to vector<16xi32>
      %swap3A_249 = vector.shape_cast %shift_right_logical3A_245 : vector<16xi32> to vector<16xi32>
      tpu.vector_store %arg9[%swap3A_246], %swap3A_249 {strides = array<i32>} : memref<128xi32, #tpu.memory_space<vmem>>, vector<16xi32>,
      %get3A_250 = arith.index_cast %add3A_189 : i32 to index
      %get3A_251 = arith.constant 48 : index
      %get3A_252 = tpu.vector_load %arg5[%get3A_250, %get3A_251] {strides = array<i32>} : memref<79x128xi32, #tpu.memory_space<vmem>>, vector<1x16xi32>,
      %get3A_253 = vector.shape_cast %get3A_252 : vector<1x16xi32> to vector<16xi32>
      %and3A_254 = arith.constant 32767 : i32
      %and3A_255 = vector.broadcast %and3A_254 : i32 to vector<16xi32>
      %and3A_256 = arith.andi %get3A_253, %and3A_255 : vector<16xi32>
      %add3A_257 = vector.broadcast %mul3A_0 : i32 to vector<16xi32>
      %add3A_258 = arith.addi %and3A_256, %add3A_257 : vector<16xi32>
      %swap3A_259 = arith.constant 48 : index
      %swap3A_260 = tpu.vector_load %arg8[%swap3A_259] {strides = array<i32>} : memref<128xi32, #tpu.memory_space<vmem>>, vector<16xi32>,
      %swap3A_261 = vector.shape_cast %swap3A_260 : vector<16xi32> to vector<16xi32>
      %swap3A_262 = vector.shape_cast %add3A_258 : vector<16xi32> to vector<16xi32>
      tpu.vector_store %arg8[%swap3A_259], %swap3A_262 {strides = array<i32>} : memref<128xi32, #tpu.memory_space<vmem>>, vector<16xi32>,
      %shift_right_logical3A_263 = arith.constant 15 : i32
      %shift_right_logical3A_264 = vector.broadcast %shift_right_logical3A_263 : i32 to vector<16xi32>
      %shift_right_logical3A_265 = arith.shrui %get3A_253, %shift_right_logical3A_264 : vector<16xi32>
      %swap3A_266 = arith.constant 48 : index
      %swap3A_267 = tpu.vector_load %arg9[%swap3A_266] {strides = array<i32>} : memref<128xi32, #tpu.memory_space<vmem>>, vector<16xi32>,
      %swap3A_268 = vector.shape_cast %swap3A_267 : vector<16xi32> to vector<16xi32>
      %swap3A_269 = vector.shape_cast %shift_right_logical3A_265 : vector<16xi32> to vector<16xi32>
      tpu.vector_store %arg9[%swap3A_266], %swap3A_269 {strides = array<i32>} : memref<128xi32, #tpu.memory_space<vmem>>, vector<16xi32>,
      %get3A_270 = arith.index_cast %add3A_189 : i32 to index
      %get3A_271 = arith.constant 64 : index
      %get3A_272 = tpu.vector_load %arg5[%get3A_270, %get3A_271] {strides = array<i32>} : memref<79x128xi32, #tpu.memory_space<vmem>>, vector<1x16xi32>,
      %get3A_273 = vector.shape_cast %get3A_272 : vector<1x16xi32> to vector<16xi32>
      %and3A_274 = arith.constant 32767 : i32
      %and3A_275 = vector.broadcast %and3A_274 : i32 to vector<16xi32>
      %and3A_276 = arith.andi %get3A_273, %and3A_275 : vector<16xi32>
      %add3A_277 = vector.broadcast %mul3A_0 : i32 to vector<16xi32>
      %add3A_278 = arith.addi %and3A_276, %add3A_277 : vector<16xi32>
      %swap3A_279 = arith.constant 64 : index
      %swap3A_280 = tpu.vector_load %arg8[%swap3A_279] {strides = array<i32>} : memref<128xi32, #tpu.memory_space<vmem>>, vector<16xi32>,
      %swap3A_281 = vector.shape_cast %swap3A_280 : vector<16xi32> to vector<16xi32>
      %swap3A_282 = vector.shape_cast %add3A_278 : vector<16xi32> to vector<16xi32>
      tpu.vector_store %arg8[%swap3A_279], %swap3A_282 {strides = array<i32>} : memref<128xi32, #tpu.memory_space<vmem>>, vector<16xi32>,
      %shift_right_logical3A_283 = arith.constant 15 : i32
      %shift_right_logical3A_284 = vector.broadcast %shift_right_logical3A_283 : i32 to vector<16xi32>
      %shift_right_logical3A_285 = arith.shrui %get3A_273, %shift_right_logical3A_284 : vector<16xi32>
      %swap3A_286 = arith.constant 64 : index
      %swap3A_287 = tpu.vector_load %arg9[%swap3A_286] {strides = array<i32>} : memref<128xi32, #tpu.memory_space<vmem>>, vector<16xi32>,
      %swap3A_288 = vector.shape_cast %swap3A_287 : vector<16xi32> to vector<16xi32>
      %swap3A_289 = vector.shape_cast %shift_right_logical3A_285 : vector<16xi32> to vector<16xi32>
      tpu.vector_store %arg9[%swap3A_286], %swap3A_289 {strides = array<i32>} : memref<128xi32, #tpu.memory_space<vmem>>, vector<16xi32>,
      %get3A_290 = arith.index_cast %add3A_189 : i32 to index
      %get3A_291 = arith.constant 80 : index
      %get3A_292 = tpu.vector_load %arg5[%get3A_290, %get3A_291] {strides = array<i32>} : memref<79x128xi32, #tpu.memory_space<vmem>>, vector<1x16xi32>,
      %get3A_293 = vector.shape_cast %get3A_292 : vector<1x16xi32> to vector<16xi32>
      %and3A_294 = arith.constant 32767 : i32
      %and3A_295 = vector.broadcast %and3A_294 : i32 to vector<16xi32>
      %and3A_296 = arith.andi %get3A_293, %and3A_295 : vector<16xi32>
      %add3A_297 = vector.broadcast %mul3A_0 : i32 to vector<16xi32>
      %add3A_298 = arith.addi %and3A_296, %add3A_297 : vector<16xi32>
      %swap3A_299 = arith.constant 80 : index
      %swap3A_300 = tpu.vector_load %arg8[%swap3A_299] {strides = array<i32>} : memref<128xi32, #tpu.memory_space<vmem>>, vector<16xi32>,
      %swap3A_301 = vector.shape_cast %swap3A_300 : vector<16xi32> to vector<16xi32>
      %swap3A_302 = vector.shape_cast %add3A_298 : vector<16xi32> to vector<16xi32>
      tpu.vector_store %arg8[%swap3A_299], %swap3A_302 {strides = array<i32>} : memref<128xi32, #tpu.memory_space<vmem>>, vector<16xi32>,
      %shift_right_logical3A_303 = arith.constant 15 : i32
      %shift_right_logical3A_304 = vector.broadcast %shift_right_logical3A_303 : i32 to vector<16xi32>
      %shift_right_logical3A_305 = arith.shrui %get3A_293, %shift_right_logical3A_304 : vector<16xi32>
      %swap3A_306 = arith.constant 80 : index
      %swap3A_307 = tpu.vector_load %arg9[%swap3A_306] {strides = array<i32>} : memref<128xi32, #tpu.memory_space<vmem>>, vector<16xi32>,
      %swap3A_308 = vector.shape_cast %swap3A_307 : vector<16xi32> to vector<16xi32>
      %swap3A_309 = vector.shape_cast %shift_right_logical3A_305 : vector<16xi32> to vector<16xi32>
      tpu.vector_store %arg9[%swap3A_306], %swap3A_309 {strides = array<i32>} : memref<128xi32, #tpu.memory_space<vmem>>, vector<16xi32>,
      %get3A_310 = arith.index_cast %add3A_189 : i32 to index
      %get3A_311 = arith.constant 96 : index
      %get3A_312 = tpu.vector_load %arg5[%get3A_310, %get3A_311] {strides = array<i32>} : memref<79x128xi32, #tpu.memory_space<vmem>>, vector<1x16xi32>,
      %get3A_313 = vector.shape_cast %get3A_312 : vector<1x16xi32> to vector<16xi32>
      %and3A_314 = arith.constant 32767 : i32
      %and3A_315 = vector.broadcast %and3A_314 : i32 to vector<16xi32>
      %and3A_316 = arith.andi %get3A_313, %and3A_315 : vector<16xi32>
      %add3A_317 = vector.broadcast %mul3A_0 : i32 to vector<16xi32>
      %add3A_318 = arith.addi %and3A_316, %add3A_317 : vector<16xi32>
      %swap3A_319 = arith.constant 96 : index
      %swap3A_320 = tpu.vector_load %arg8[%swap3A_319] {strides = array<i32>} : memref<128xi32, #tpu.memory_space<vmem>>, vector<16xi32>,
      %swap3A_321 = vector.shape_cast %swap3A_320 : vector<16xi32> to vector<16xi32>
      %swap3A_322 = vector.shape_cast %add3A_318 : vector<16xi32> to vector<16xi32>
      tpu.vector_store %arg8[%swap3A_319], %swap3A_322 {strides = array<i32>} : memref<128xi32, #tpu.memory_space<vmem>>, vector<16xi32>,
      %shift_right_logical3A_323 = arith.constant 15 : i32
      %shift_right_logical3A_324 = vector.broadcast %shift_right_logical3A_323 : i32 to vector<16xi32>
      %shift_right_logical3A_325 = arith.shrui %get3A_313, %shift_right_logical3A_324 : vector<16xi32>
      %swap3A_326 = arith.constant 96 : index
      %swap3A_327 = tpu.vector_load %arg9[%swap3A_326] {strides = array<i32>} : memref<128xi32, #tpu.memory_space<vmem>>, vector<16xi32>,
      %swap3A_328 = vector.shape_cast %swap3A_327 : vector<16xi32> to vector<16xi32>
      %swap3A_329 = vector.shape_cast %shift_right_logical3A_325 : vector<16xi32> to vector<16xi32>
      tpu.vector_store %arg9[%swap3A_326], %swap3A_329 {strides = array<i32>} : memref<128xi32, #tpu.memory_space<vmem>>, vector<16xi32>,
      %get3A_330 = arith.index_cast %add3A_189 : i32 to index
      %get3A_331 = arith.constant 112 : index
      %get3A_332 = tpu.vector_load %arg5[%get3A_330, %get3A_331] {strides = array<i32>} : memref<79x128xi32, #tpu.memory_space<vmem>>, vector<1x16xi32>,
      %get3A_333 = vector.shape_cast %get3A_332 : vector<1x16xi32> to vector<16xi32>
      %and3A_334 = arith.constant 32767 : i32
      %and3A_335 = vector.broadcast %and3A_334 : i32 to vector<16xi32>
      %and3A_336 = arith.andi %get3A_333, %and3A_335 : vector<16xi32>
      %add3A_337 = vector.broadcast %mul3A_0 : i32 to vector<16xi32>
      %add3A_338 = arith.addi %and3A_336, %add3A_337 : vector<16xi32>
      %swap3A_339 = arith.constant 112 : index
      %swap3A_340 = tpu.vector_load %arg8[%swap3A_339] {strides = array<i32>} : memref<128xi32, #tpu.memory_space<vmem>>, vector<16xi32>,
      %swap3A_341 = vector.shape_cast %swap3A_340 : vector<16xi32> to vector<16xi32>
      %swap3A_342 = vector.shape_cast %add3A_338 : vector<16xi32> to vector<16xi32>
      tpu.vector_store %arg8[%swap3A_339], %swap3A_342 {strides = array<i32>} : memref<128xi32, #tpu.memory_space<vmem>>, vector<16xi32>,
      %shift_right_logical3A_343 = arith.constant 15 : i32
      %shift_right_logical3A_344 = vector.broadcast %shift_right_logical3A_343 : i32 to vector<16xi32>
      %shift_right_logical3A_345 = arith.shrui %get3A_333, %shift_right_logical3A_344 : vector<16xi32>
      %swap3A_346 = arith.constant 112 : index
      %swap3A_347 = tpu.vector_load %arg9[%swap3A_346] {strides = array<i32>} : memref<128xi32, #tpu.memory_space<vmem>>, vector<16xi32>,
      %swap3A_348 = vector.shape_cast %swap3A_347 : vector<16xi32> to vector<16xi32>
      %swap3A_349 = vector.shape_cast %shift_right_logical3A_345 : vector<16xi32> to vector<16xi32>
      tpu.vector_store %arg9[%swap3A_346], %swap3A_349 {strides = array<i32>} : memref<128xi32, #tpu.memory_space<vmem>>, vector<16xi32>,
      %dma_start3A_350 = arith.constant 0 : i32
      %dma_start3A_351 = arith.constant 0 : i32
      %dma_start3A_352 = tpu.memref_slice %arg2[%dma_start3A_350, %dma_start3A_351] : memref<20480x128xf32, #tpu.memory_space<hbm>> -> memref<20480x128xf32, #tpu.memory_space<hbm>>
      tpu.enqueue_indirect_dma source(%dma_start3A_352 : memref<20480x128xf32, #tpu.memory_space<hbm>>) target(%arg11 : memref<128x128xf32, #tpu.memory_space<vmem>>) offsets(%arg8 : memref<128xi32, #tpu.memory_space<vmem>>) semaphore(%arg14 : memref<!tpu.dma_semaphore, #tpu.memory_space<semaphore_mem>>)
      %dma_wait3A_353 = arith.constant 0 : i32
      %dma_wait3A_354 = arith.constant 0 : i32
      %dma_wait3A_355 = tpu.memref_slice %arg2[%dma_wait3A_353, %dma_wait3A_354] : memref<20480x128xf32, #tpu.memory_space<hbm>> -> memref<20480x128xf32, #tpu.memory_space<hbm>>
      tpu.wait_indirect_dma semaphore(%arg13 : memref<!tpu.dma_semaphore, #tpu.memory_space<semaphore_mem>>) src(%dma_wait3A_355 : memref<20480x128xf32, #tpu.memory_space<hbm>>) dst(%arg10 : memref<128x128xf32, #tpu.memory_space<vmem>>)
      "tpu.region"() ({
        %run_scoped3A = tpu.sem_alloc : memref<!tpu.dma_semaphore, #tpu.memory_space<semaphore_mem>>
        %dma_start3A_524 = arith.constant 0 : i32
        %dma_start3A_525 = arith.constant 0 : i32
        %dma_start3A_526 = tpu.memref_slice %arg12[%dma_start3A_524, %dma_start3A_525] : memref<10240x128xf32, #tpu.memory_space<vmem_shared>> -> memref<10240x128xf32, #tpu.memory_space<vmem_shared>>
        tpu.enqueue_indirect_dma source(%arg10 : memref<128x128xf32, #tpu.memory_space<vmem>>) target(%dma_start3A_526 : memref<10240x128xf32, #tpu.memory_space<vmem_shared>>) offsets(%arg7 : memref<128xi32, #tpu.memory_space<vmem>>) semaphore(%run_scoped3A : memref<!tpu.dma_semaphore, #tpu.memory_space<semaphore_mem>>) {add = true}
        %dma_wait3A_527 = arith.constant 0 : i32
        %dma_wait3A_528 = arith.constant 0 : i32
        %dma_wait3A_529 = tpu.memref_slice %arg12[%dma_wait3A_527, %dma_wait3A_528] : memref<10240x128xf32, #tpu.memory_space<vmem_shared>> -> memref<10240x128xf32, #tpu.memory_space<vmem_shared>>
        tpu.wait_indirect_dma semaphore(%run_scoped3A : memref<!tpu.dma_semaphore, #tpu.memory_space<semaphore_mem>>) src(%arg10 : memref<128x128xf32, #tpu.memory_space<vmem>>) dst(%dma_wait3A_529 : memref<10240x128xf32, #tpu.memory_space<vmem_shared>>)
        tpu.yield
      }) : () -> ()
      %add3A_356 = arith.constant 2 : i32
      %add3A_357 = arith.addi %mul3A_187, %add3A_356 : i32
      %get3A_358 = arith.index_cast %add3A_357 : i32 to index
      %get3A_359 = arith.constant 0 : index
      %get3A_360 = tpu.vector_load %arg5[%get3A_358, %get3A_359] {strides = array<i32>} : memref<79x128xi32, #tpu.memory_space<vmem>>, vector<1x16xi32>,
      %get3A_361 = vector.shape_cast %get3A_360 : vector<1x16xi32> to vector<16xi32>
      %and3A_362 = arith.constant 32767 : i32
      %and3A_363 = vector.broadcast %and3A_362 : i32 to vector<16xi32>
      %and3A_364 = arith.andi %get3A_361, %and3A_363 : vector<16xi32>
      %add3A_365 = vector.broadcast %mul3A_0 : i32 to vector<16xi32>
      %add3A_366 = arith.addi %and3A_364, %add3A_365 : vector<16xi32>
      %swap3A_367 = arith.constant 0 : index
      %swap3A_368 = tpu.vector_load %arg6[%swap3A_367] {strides = array<i32>} : memref<128xi32, #tpu.memory_space<vmem>>, vector<16xi32>,
      %swap3A_369 = vector.shape_cast %swap3A_368 : vector<16xi32> to vector<16xi32>
      %swap3A_370 = vector.shape_cast %add3A_366 : vector<16xi32> to vector<16xi32>
      tpu.vector_store %arg6[%swap3A_367], %swap3A_370 {strides = array<i32>} : memref<128xi32, #tpu.memory_space<vmem>>, vector<16xi32>,
      %shift_right_logical3A_371 = arith.constant 15 : i32
      %shift_right_logical3A_372 = vector.broadcast %shift_right_logical3A_371 : i32 to vector<16xi32>
      %shift_right_logical3A_373 = arith.shrui %get3A_361, %shift_right_logical3A_372 : vector<16xi32>
      %swap3A_374 = arith.constant 0 : index
      %swap3A_375 = tpu.vector_load %arg7[%swap3A_374] {strides = array<i32>} : memref<128xi32, #tpu.memory_space<vmem>>, vector<16xi32>,
      %swap3A_376 = vector.shape_cast %swap3A_375 : vector<16xi32> to vector<16xi32>
      %swap3A_377 = vector.shape_cast %shift_right_logical3A_373 : vector<16xi32> to vector<16xi32>
      tpu.vector_store %arg7[%swap3A_374], %swap3A_377 {strides = array<i32>} : memref<128xi32, #tpu.memory_space<vmem>>, vector<16xi32>,
      %get3A_378 = arith.index_cast %add3A_357 : i32 to index
      %get3A_379 = arith.constant 16 : index
      %get3A_380 = tpu.vector_load %arg5[%get3A_378, %get3A_379] {strides = array<i32>} : memref<79x128xi32, #tpu.memory_space<vmem>>, vector<1x16xi32>,
      %get3A_381 = vector.shape_cast %get3A_380 : vector<1x16xi32> to vector<16xi32>
      %and3A_382 = arith.constant 32767 : i32
      %and3A_383 = vector.broadcast %and3A_382 : i32 to vector<16xi32>
      %and3A_384 = arith.andi %get3A_381, %and3A_383 : vector<16xi32>
      %add3A_385 = vector.broadcast %mul3A_0 : i32 to vector<16xi32>
      %add3A_386 = arith.addi %and3A_384, %add3A_385 : vector<16xi32>
      %swap3A_387 = arith.constant 16 : index
      %swap3A_388 = tpu.vector_load %arg6[%swap3A_387] {strides = array<i32>} : memref<128xi32, #tpu.memory_space<vmem>>, vector<16xi32>,
      %swap3A_389 = vector.shape_cast %swap3A_388 : vector<16xi32> to vector<16xi32>
      %swap3A_390 = vector.shape_cast %add3A_386 : vector<16xi32> to vector<16xi32>
      tpu.vector_store %arg6[%swap3A_387], %swap3A_390 {strides = array<i32>} : memref<128xi32, #tpu.memory_space<vmem>>, vector<16xi32>,
      %shift_right_logical3A_391 = arith.constant 15 : i32
      %shift_right_logical3A_392 = vector.broadcast %shift_right_logical3A_391 : i32 to vector<16xi32>
      %shift_right_logical3A_393 = arith.shrui %get3A_381, %shift_right_logical3A_392 : vector<16xi32>
      %swap3A_394 = arith.constant 16 : index
      %swap3A_395 = tpu.vector_load %arg7[%swap3A_394] {strides = array<i32>} : memref<128xi32, #tpu.memory_space<vmem>>, vector<16xi32>,
      %swap3A_396 = vector.shape_cast %swap3A_395 : vector<16xi32> to vector<16xi32>
      %swap3A_397 = vector.shape_cast %shift_right_logical3A_393 : vector<16xi32> to vector<16xi32>
      tpu.vector_store %arg7[%swap3A_394], %swap3A_397 {strides = array<i32>} : memref<128xi32, #tpu.memory_space<vmem>>, vector<16xi32>,
      %get3A_398 = arith.index_cast %add3A_357 : i32 to index
      %get3A_399 = arith.constant 32 : index
      %get3A_400 = tpu.vector_load %arg5[%get3A_398, %get3A_399] {strides = array<i32>} : memref<79x128xi32, #tpu.memory_space<vmem>>, vector<1x16xi32>,
      %get3A_401 = vector.shape_cast %get3A_400 : vector<1x16xi32> to vector<16xi32>
      %and3A_402 = arith.constant 32767 : i32
      %and3A_403 = vector.broadcast %and3A_402 : i32 to vector<16xi32>
      %and3A_404 = arith.andi %get3A_401, %and3A_403 : vector<16xi32>
      %add3A_405 = vector.broadcast %mul3A_0 : i32 to vector<16xi32>
      %add3A_406 = arith.addi %and3A_404, %add3A_405 : vector<16xi32>
      %swap3A_407 = arith.constant 32 : index
      %swap3A_408 = tpu.vector_load %arg6[%swap3A_407] {strides = array<i32>} : memref<128xi32, #tpu.memory_space<vmem>>, vector<16xi32>,
      %swap3A_409 = vector.shape_cast %swap3A_408 : vector<16xi32> to vector<16xi32>
      %swap3A_410 = vector.shape_cast %add3A_406 : vector<16xi32> to vector<16xi32>
      tpu.vector_store %arg6[%swap3A_407], %swap3A_410 {strides = array<i32>} : memref<128xi32, #tpu.memory_space<vmem>>, vector<16xi32>,
      %shift_right_logical3A_411 = arith.constant 15 : i32
      %shift_right_logical3A_412 = vector.broadcast %shift_right_logical3A_411 : i32 to vector<16xi32>
      %shift_right_logical3A_413 = arith.shrui %get3A_401, %shift_right_logical3A_412 : vector<16xi32>
      %swap3A_414 = arith.constant 32 : index
      %swap3A_415 = tpu.vector_load %arg7[%swap3A_414] {strides = array<i32>} : memref<128xi32, #tpu.memory_space<vmem>>, vector<16xi32>,
      %swap3A_416 = vector.shape_cast %swap3A_415 : vector<16xi32> to vector<16xi32>
      %swap3A_417 = vector.shape_cast %shift_right_logical3A_413 : vector<16xi32> to vector<16xi32>
      tpu.vector_store %arg7[%swap3A_414], %swap3A_417 {strides = array<i32>} : memref<128xi32, #tpu.memory_space<vmem>>, vector<16xi32>,
      %get3A_418 = arith.index_cast %add3A_357 : i32 to index
      %get3A_419 = arith.constant 48 : index
      %get3A_420 = tpu.vector_load %arg5[%get3A_418, %get3A_419] {strides = array<i32>} : memref<79x128xi32, #tpu.memory_space<vmem>>, vector<1x16xi32>,
      %get3A_421 = vector.shape_cast %get3A_420 : vector<1x16xi32> to vector<16xi32>
      %and3A_422 = arith.constant 32767 : i32
      %and3A_423 = vector.broadcast %and3A_422 : i32 to vector<16xi32>
      %and3A_424 = arith.andi %get3A_421, %and3A_423 : vector<16xi32>
      %add3A_425 = vector.broadcast %mul3A_0 : i32 to vector<16xi32>
      %add3A_426 = arith.addi %and3A_424, %add3A_425 : vector<16xi32>
      %swap3A_427 = arith.constant 48 : index
      %swap3A_428 = tpu.vector_load %arg6[%swap3A_427] {strides = array<i32>} : memref<128xi32, #tpu.memory_space<vmem>>, vector<16xi32>,
      %swap3A_429 = vector.shape_cast %swap3A_428 : vector<16xi32> to vector<16xi32>
      %swap3A_430 = vector.shape_cast %add3A_426 : vector<16xi32> to vector<16xi32>
      tpu.vector_store %arg6[%swap3A_427], %swap3A_430 {strides = array<i32>} : memref<128xi32, #tpu.memory_space<vmem>>, vector<16xi32>,
      %shift_right_logical3A_431 = arith.constant 15 : i32
      %shift_right_logical3A_432 = vector.broadcast %shift_right_logical3A_431 : i32 to vector<16xi32>
      %shift_right_logical3A_433 = arith.shrui %get3A_421, %shift_right_logical3A_432 : vector<16xi32>
      %swap3A_434 = arith.constant 48 : index
      %swap3A_435 = tpu.vector_load %arg7[%swap3A_434] {strides = array<i32>} : memref<128xi32, #tpu.memory_space<vmem>>, vector<16xi32>,
      %swap3A_436 = vector.shape_cast %swap3A_435 : vector<16xi32> to vector<16xi32>
      %swap3A_437 = vector.shape_cast %shift_right_logical3A_433 : vector<16xi32> to vector<16xi32>
      tpu.vector_store %arg7[%swap3A_434], %swap3A_437 {strides = array<i32>} : memref<128xi32, #tpu.memory_space<vmem>>, vector<16xi32>,
      %get3A_438 = arith.index_cast %add3A_357 : i32 to index
      %get3A_439 = arith.constant 64 : index
      %get3A_440 = tpu.vector_load %arg5[%get3A_438, %get3A_439] {strides = array<i32>} : memref<79x128xi32, #tpu.memory_space<vmem>>, vector<1x16xi32>,
      %get3A_441 = vector.shape_cast %get3A_440 : vector<1x16xi32> to vector<16xi32>
      %and3A_442 = arith.constant 32767 : i32
      %and3A_443 = vector.broadcast %and3A_442 : i32 to vector<16xi32>
      %and3A_444 = arith.andi %get3A_441, %and3A_443 : vector<16xi32>
      %add3A_445 = vector.broadcast %mul3A_0 : i32 to vector<16xi32>
      %add3A_446 = arith.addi %and3A_444, %add3A_445 : vector<16xi32>
      %swap3A_447 = arith.constant 64 : index
      %swap3A_448 = tpu.vector_load %arg6[%swap3A_447] {strides = array<i32>} : memref<128xi32, #tpu.memory_space<vmem>>, vector<16xi32>,
      %swap3A_449 = vector.shape_cast %swap3A_448 : vector<16xi32> to vector<16xi32>
      %swap3A_450 = vector.shape_cast %add3A_446 : vector<16xi32> to vector<16xi32>
      tpu.vector_store %arg6[%swap3A_447], %swap3A_450 {strides = array<i32>} : memref<128xi32, #tpu.memory_space<vmem>>, vector<16xi32>,
      %shift_right_logical3A_451 = arith.constant 15 : i32
      %shift_right_logical3A_452 = vector.broadcast %shift_right_logical3A_451 : i32 to vector<16xi32>
      %shift_right_logical3A_453 = arith.shrui %get3A_441, %shift_right_logical3A_452 : vector<16xi32>
      %swap3A_454 = arith.constant 64 : index
      %swap3A_455 = tpu.vector_load %arg7[%swap3A_454] {strides = array<i32>} : memref<128xi32, #tpu.memory_space<vmem>>, vector<16xi32>,
      %swap3A_456 = vector.shape_cast %swap3A_455 : vector<16xi32> to vector<16xi32>
      %swap3A_457 = vector.shape_cast %shift_right_logical3A_453 : vector<16xi32> to vector<16xi32>
      tpu.vector_store %arg7[%swap3A_454], %swap3A_457 {strides = array<i32>} : memref<128xi32, #tpu.memory_space<vmem>>, vector<16xi32>,
      %get3A_458 = arith.index_cast %add3A_357 : i32 to index
      %get3A_459 = arith.constant 80 : index
      %get3A_460 = tpu.vector_load %arg5[%get3A_458, %get3A_459] {strides = array<i32>} : memref<79x128xi32, #tpu.memory_space<vmem>>, vector<1x16xi32>,
      %get3A_461 = vector.shape_cast %get3A_460 : vector<1x16xi32> to vector<16xi32>
      %and3A_462 = arith.constant 32767 : i32
      %and3A_463 = vector.broadcast %and3A_462 : i32 to vector<16xi32>
      %and3A_464 = arith.andi %get3A_461, %and3A_463 : vector<16xi32>
      %add3A_465 = vector.broadcast %mul3A_0 : i32 to vector<16xi32>
      %add3A_466 = arith.addi %and3A_464, %add3A_465 : vector<16xi32>
      %swap3A_467 = arith.constant 80 : index
      %swap3A_468 = tpu.vector_load %arg6[%swap3A_467] {strides = array<i32>} : memref<128xi32, #tpu.memory_space<vmem>>, vector<16xi32>,
      %swap3A_469 = vector.shape_cast %swap3A_468 : vector<16xi32> to vector<16xi32>
      %swap3A_470 = vector.shape_cast %add3A_466 : vector<16xi32> to vector<16xi32>
      tpu.vector_store %arg6[%swap3A_467], %swap3A_470 {strides = array<i32>} : memref<128xi32, #tpu.memory_space<vmem>>, vector<16xi32>,
      %shift_right_logical3A_471 = arith.constant 15 : i32
      %shift_right_logical3A_472 = vector.broadcast %shift_right_logical3A_471 : i32 to vector<16xi32>
      %shift_right_logical3A_473 = arith.shrui %get3A_461, %shift_right_logical3A_472 : vector<16xi32>
      %swap3A_474 = arith.constant 80 : index
      %swap3A_475 = tpu.vector_load %arg7[%swap3A_474] {strides = array<i32>} : memref<128xi32, #tpu.memory_space<vmem>>, vector<16xi32>,
      %swap3A_476 = vector.shape_cast %swap3A_475 : vector<16xi32> to vector<16xi32>
      %swap3A_477 = vector.shape_cast %shift_right_logical3A_473 : vector<16xi32> to vector<16xi32>
      tpu.vector_store %arg7[%swap3A_474], %swap3A_477 {strides = array<i32>} : memref<128xi32, #tpu.memory_space<vmem>>, vector<16xi32>,
      %get3A_478 = arith.index_cast %add3A_357 : i32 to index
      %get3A_479 = arith.constant 96 : index
      %get3A_480 = tpu.vector_load %arg5[%get3A_478, %get3A_479] {strides = array<i32>} : memref<79x128xi32, #tpu.memory_space<vmem>>, vector<1x16xi32>,
      %get3A_481 = vector.shape_cast %get3A_480 : vector<1x16xi32> to vector<16xi32>
      %and3A_482 = arith.constant 32767 : i32
      %and3A_483 = vector.broadcast %and3A_482 : i32 to vector<16xi32>
      %and3A_484 = arith.andi %get3A_481, %and3A_483 : vector<16xi32>
      %add3A_485 = vector.broadcast %mul3A_0 : i32 to vector<16xi32>
      %add3A_486 = arith.addi %and3A_484, %add3A_485 : vector<16xi32>
      %swap3A_487 = arith.constant 96 : index
      %swap3A_488 = tpu.vector_load %arg6[%swap3A_487] {strides = array<i32>} : memref<128xi32, #tpu.memory_space<vmem>>, vector<16xi32>,
      %swap3A_489 = vector.shape_cast %swap3A_488 : vector<16xi32> to vector<16xi32>
      %swap3A_490 = vector.shape_cast %add3A_486 : vector<16xi32> to vector<16xi32>
      tpu.vector_store %arg6[%swap3A_487], %swap3A_490 {strides = array<i32>} : memref<128xi32, #tpu.memory_space<vmem>>, vector<16xi32>,
      %shift_right_logical3A_491 = arith.constant 15 : i32
      %shift_right_logical3A_492 = vector.broadcast %shift_right_logical3A_491 : i32 to vector<16xi32>
      %shift_right_logical3A_493 = arith.shrui %get3A_481, %shift_right_logical3A_492 : vector<16xi32>
      %swap3A_494 = arith.constant 96 : index
      %swap3A_495 = tpu.vector_load %arg7[%swap3A_494] {strides = array<i32>} : memref<128xi32, #tpu.memory_space<vmem>>, vector<16xi32>,
      %swap3A_496 = vector.shape_cast %swap3A_495 : vector<16xi32> to vector<16xi32>
      %swap3A_497 = vector.shape_cast %shift_right_logical3A_493 : vector<16xi32> to vector<16xi32>
      tpu.vector_store %arg7[%swap3A_494], %swap3A_497 {strides = array<i32>} : memref<128xi32, #tpu.memory_space<vmem>>, vector<16xi32>,
      %get3A_498 = arith.index_cast %add3A_357 : i32 to index
      %get3A_499 = arith.constant 112 : index
      %get3A_500 = tpu.vector_load %arg5[%get3A_498, %get3A_499] {strides = array<i32>} : memref<79x128xi32, #tpu.memory_space<vmem>>, vector<1x16xi32>,
      %get3A_501 = vector.shape_cast %get3A_500 : vector<1x16xi32> to vector<16xi32>
      %and3A_502 = arith.constant 32767 : i32
      %and3A_503 = vector.broadcast %and3A_502 : i32 to vector<16xi32>
      %and3A_504 = arith.andi %get3A_501, %and3A_503 : vector<16xi32>
      %add3A_505 = vector.broadcast %mul3A_0 : i32 to vector<16xi32>
      %add3A_506 = arith.addi %and3A_504, %add3A_505 : vector<16xi32>
      %swap3A_507 = arith.constant 112 : index
      %swap3A_508 = tpu.vector_load %arg6[%swap3A_507] {strides = array<i32>} : memref<128xi32, #tpu.memory_space<vmem>>, vector<16xi32>,
      %swap3A_509 = vector.shape_cast %swap3A_508 : vector<16xi32> to vector<16xi32>
      %swap3A_510 = vector.shape_cast %add3A_506 : vector<16xi32> to vector<16xi32>
      tpu.vector_store %arg6[%swap3A_507], %swap3A_510 {strides = array<i32>} : memref<128xi32, #tpu.memory_space<vmem>>, vector<16xi32>,
      %shift_right_logical3A_511 = arith.constant 15 : i32
      %shift_right_logical3A_512 = vector.broadcast %shift_right_logical3A_511 : i32 to vector<16xi32>
      %shift_right_logical3A_513 = arith.shrui %get3A_501, %shift_right_logical3A_512 : vector<16xi32>
      %swap3A_514 = arith.constant 112 : index
      %swap3A_515 = tpu.vector_load %arg7[%swap3A_514] {strides = array<i32>} : memref<128xi32, #tpu.memory_space<vmem>>, vector<16xi32>,
      %swap3A_516 = vector.shape_cast %swap3A_515 : vector<16xi32> to vector<16xi32>
      %swap3A_517 = vector.shape_cast %shift_right_logical3A_513 : vector<16xi32> to vector<16xi32>
      tpu.vector_store %arg7[%swap3A_514], %swap3A_517 {strides = array<i32>} : memref<128xi32, #tpu.memory_space<vmem>>, vector<16xi32>,
      %dma_start3A_518 = arith.constant 0 : i32
      %dma_start3A_519 = arith.constant 0 : i32
      %dma_start3A_520 = tpu.memref_slice %arg2[%dma_start3A_518, %dma_start3A_519] : memref<20480x128xf32, #tpu.memory_space<hbm>> -> memref<20480x128xf32, #tpu.memory_space<hbm>>
      tpu.enqueue_indirect_dma source(%dma_start3A_520 : memref<20480x128xf32, #tpu.memory_space<hbm>>) target(%arg10 : memref<128x128xf32, #tpu.memory_space<vmem>>) offsets(%arg6 : memref<128xi32, #tpu.memory_space<vmem>>) semaphore(%arg13 : memref<!tpu.dma_semaphore, #tpu.memory_space<semaphore_mem>>)
      %dma_wait3A_521 = arith.constant 0 : i32
      %dma_wait3A_522 = arith.constant 0 : i32
      %dma_wait3A_523 = tpu.memref_slice %arg2[%dma_wait3A_521, %dma_wait3A_522] : memref<20480x128xf32, #tpu.memory_space<hbm>> -> memref<20480x128xf32, #tpu.memory_space<hbm>>
      tpu.wait_indirect_dma semaphore(%arg14 : memref<!tpu.dma_semaphore, #tpu.memory_space<semaphore_mem>>) src(%dma_wait3A_523 : memref<20480x128xf32, #tpu.memory_space<hbm>>) dst(%arg11 : memref<128x128xf32, #tpu.memory_space<vmem>>)
      "tpu.region"() ({
        %run_scoped3A = tpu.sem_alloc : memref<!tpu.dma_semaphore, #tpu.memory_space<semaphore_mem>>
        %dma_start3A_524 = arith.constant 0 : i32
        %dma_start3A_525 = arith.constant 0 : i32
        %dma_start3A_526 = tpu.memref_slice %arg12[%dma_start3A_524, %dma_start3A_525] : memref<10240x128xf32, #tpu.memory_space<vmem_shared>> -> memref<10240x128xf32, #tpu.memory_space<vmem_shared>>
        tpu.enqueue_indirect_dma source(%arg11 : memref<128x128xf32, #tpu.memory_space<vmem>>) target(%dma_start3A_526 : memref<10240x128xf32, #tpu.memory_space<vmem_shared>>) offsets(%arg9 : memref<128xi32, #tpu.memory_space<vmem>>) semaphore(%run_scoped3A : memref<!tpu.dma_semaphore, #tpu.memory_space<semaphore_mem>>) {add = true}
        %dma_wait3A_527 = arith.constant 0 : i32
        %dma_wait3A_528 = arith.constant 0 : i32
        %dma_wait3A_529 = tpu.memref_slice %arg12[%dma_wait3A_527, %dma_wait3A_528] : memref<10240x128xf32, #tpu.memory_space<vmem_shared>> -> memref<10240x128xf32, #tpu.memory_space<vmem_shared>>
        tpu.wait_indirect_dma semaphore(%run_scoped3A : memref<!tpu.dma_semaphore, #tpu.memory_space<semaphore_mem>>) src(%arg11 : memref<128x128xf32, #tpu.memory_space<vmem>>) dst(%dma_wait3A_529 : memref<10240x128xf32, #tpu.memory_space<vmem_shared>>)
        tpu.yield
      }) : () -> ()
    }
    %scan3A_177 = arith.constant 39 : i32
    %dma_wait3A = arith.constant 0 : i32
    %dma_wait3A_178 = arith.constant 0 : i32
    %dma_wait3A_179 = tpu.memref_slice %arg2[%dma_wait3A, %dma_wait3A_178] : memref<20480x128xf32, #tpu.memory_space<hbm>> -> memref<20480x128xf32, #tpu.memory_space<hbm>>
    tpu.wait_indirect_dma semaphore(%arg13 : memref<!tpu.dma_semaphore, #tpu.memory_space<semaphore_mem>>) src(%dma_wait3A_179 : memref<20480x128xf32, #tpu.memory_space<hbm>>) dst(%arg10 : memref<128x128xf32, #tpu.memory_space<vmem>>)
    "tpu.region"() ({
      %run_scoped3A = tpu.sem_alloc : memref<!tpu.dma_semaphore, #tpu.memory_space<semaphore_mem>>
      %dma_start3A_185 = arith.constant 0 : i32
      %dma_start3A_186 = arith.constant 0 : i32
      %dma_start3A_187 = tpu.memref_slice %arg12[%dma_start3A_185, %dma_start3A_186] : memref<10240x128xf32, #tpu.memory_space<vmem_shared>> -> memref<10240x128xf32, #tpu.memory_space<vmem_shared>>
      tpu.enqueue_indirect_dma source(%arg10 : memref<128x128xf32, #tpu.memory_space<vmem>>) target(%dma_start3A_187 : memref<10240x128xf32, #tpu.memory_space<vmem_shared>>) offsets(%arg7 : memref<128xi32, #tpu.memory_space<vmem>>) semaphore(%run_scoped3A : memref<!tpu.dma_semaphore, #tpu.memory_space<semaphore_mem>>) {add = true}
      %dma_wait3A_188 = arith.constant 0 : i32
      %dma_wait3A_189 = arith.constant 0 : i32
      %dma_wait3A_190 = tpu.memref_slice %arg12[%dma_wait3A_188, %dma_wait3A_189] : memref<10240x128xf32, #tpu.memory_space<vmem_shared>> -> memref<10240x128xf32, #tpu.memory_space<vmem_shared>>
      tpu.wait_indirect_dma semaphore(%run_scoped3A : memref<!tpu.dma_semaphore, #tpu.memory_space<semaphore_mem>>) src(%arg10 : memref<128x128xf32, #tpu.memory_space<vmem>>) dst(%dma_wait3A_190 : memref<10240x128xf32, #tpu.memory_space<vmem_shared>>)
      tpu.yield
    }) : () -> ()
    %barrier3A_180 = arith.constant 0 : index
    tpu.barrier barrier_id(%barrier3A_180)
    %mul3A_181 = arith.constant 640 : i32
    %mul3A_182 = arith.muli %arg1, %mul3A_181 : i32
    %mul3A_183 = arith.constant 640 : i32
    %mul3A_184 = arith.muli %arg1, %mul3A_183 : i32
    "tpu.region"() ({
      %run_scoped3A = tpu.sem_alloc : memref<!tpu.dma_semaphore, #tpu.memory_space<semaphore_mem>>
      %dma_start3A_185 = arith.constant 0 : i32
      %dma_start3A_186 = tpu.memref_slice %arg4[%arg0, %mul3A_184, %dma_start3A_185] : memref<2x10240x128xf32, #tpu.memory_space<hbm>> -> memref<1x640x128xf32, #tpu.memory_space<hbm>>
      %dma_start3A_187 = tpu.memref_squeeze %dma_start3A_186 : memref<1x640x128xf32, #tpu.memory_space<hbm>> -> memref<640x128xf32, #tpu.memory_space<hbm>>
      %dma_start3A_188 = arith.constant 0 : i32
      %dma_start3A_189 = tpu.memref_slice %arg12[%mul3A_182, %dma_start3A_188] : memref<10240x128xf32, #tpu.memory_space<vmem_shared>> -> memref<640x128xf32, #tpu.memory_space<vmem_shared>>
      tpu.enqueue_dma source(%dma_start3A_189 : memref<640x128xf32, #tpu.memory_space<vmem_shared>>) target(%dma_start3A_187 : memref<640x128xf32, #tpu.memory_space<hbm>>) target_semaphore(%run_scoped3A : memref<!tpu.dma_semaphore, #tpu.memory_space<semaphore_mem>>)
      %dma_wait3A_190 = arith.constant 0 : i32
      %dma_wait3A_191 = tpu.memref_slice %arg4[%arg0, %mul3A_184, %dma_wait3A_190] : memref<2x10240x128xf32, #tpu.memory_space<hbm>> -> memref<1x640x128xf32, #tpu.memory_space<hbm>>
      %dma_wait3A_192 = tpu.memref_squeeze %dma_wait3A_191 : memref<1x640x128xf32, #tpu.memory_space<hbm>> -> memref<640x128xf32, #tpu.memory_space<hbm>>
      %dma_wait3A_193 = arith.constant 0 : i32
      %dma_wait3A_194 = tpu.memref_slice %arg12[%mul3A_182, %dma_wait3A_193] : memref<10240x128xf32, #tpu.memory_space<vmem_shared>> -> memref<640x128xf32, #tpu.memory_space<vmem_shared>>
      tpu.wait_dma2 semaphore(%run_scoped3A : memref<!tpu.dma_semaphore, #tpu.memory_space<semaphore_mem>>) src(%dma_wait3A_194 : memref<640x128xf32, #tpu.memory_space<vmem_shared>>) dst(%dma_wait3A_192 : memref<640x128xf32, #tpu.memory_space<hbm>>)
      tpu.yield
    }) : () -> ()
    return
  }
}

#map = affine_map<(d0, d1) -> (0, 0)>
#map1 = affine_map<(d0, d1) -> (0, 0, 0, 0)>
#map2 = affine_map<(d0, d1) -> (0, 0, 0)>
module attributes {stable_mosaic.version = 14 : i64} {
  func.func @prop_kernel(%arg0: i32, %arg1: i32, %arg2: memref<10240x128xf32, #tpu.memory_space<hbm>>, %arg3: memref<2x16x41x128xi32, #tpu.memory_space<hbm>>, %arg4: memref<2x10240x128xf32, #tpu.memory_space<hbm>>, %arg5: memref<41x128xi32, #tpu.memory_space<vmem>>, %arg6: memref<128xi32, #tpu.memory_space<vmem>>, %arg7: memref<128xi32, #tpu.memory_space<vmem>>, %arg8: memref<128xi32, #tpu.memory_space<vmem>>, %arg9: memref<128xi32, #tpu.memory_space<vmem>>, %arg10: memref<128x128xf32, #tpu.memory_space<vmem>>, %arg11: memref<128x128xf32, #tpu.memory_space<vmem>>, %arg12: memref<10240x128xf32, #tpu.memory_space<vmem_shared>>, %arg13: memref<!tpu.dma_semaphore, #tpu.memory_space<semaphore_mem>>, %arg14: memref<!tpu.dma_semaphore, #tpu.memory_space<semaphore_mem>>) attributes {dimension_semantics = [#tpu.dimension_semantics<core_parallel>, #tpu.dimension_semantics<subcore_parallel>], iteration_bounds = array<i64: 2, 16>, scalar_prefetch = 0 : i64, scratch_operands = 10 : i64, tpu.core_type = #tpu.core_type<sc_vector_subcore>, window_params = [{transform_indices = #map}, {transform_indices = #map1}, {transform_indices = #map2}]} {
    "tpu.region"() ({
      %run_scoped3A = tpu.sem_alloc : memref<!tpu.dma_semaphore, #tpu.memory_space<semaphore_mem>>
      %dma_start3A_188 = arith.constant 0 : i32
      %dma_start3A_189 = arith.constant 0 : i32
      %dma_start3A_190 = tpu.memref_slice %arg3[%arg0, %arg1, %dma_start3A_188, %dma_start3A_189] : memref<2x16x41x128xi32, #tpu.memory_space<hbm>> -> memref<1x1x41x128xi32, #tpu.memory_space<hbm>>
      %dma_start3A_191 = tpu.memref_squeeze %dma_start3A_190 : memref<1x1x41x128xi32, #tpu.memory_space<hbm>> -> memref<41x128xi32, #tpu.memory_space<hbm>>
      %dma_start3A_192 = arith.constant 0 : i32
      %dma_start3A_193 = arith.constant 0 : i32
      %dma_start3A_194 = tpu.memref_slice %arg3[%arg0, %arg1, %dma_start3A_192, %dma_start3A_193] : memref<2x16x41x128xi32, #tpu.memory_space<hbm>> -> memref<1x1x41x128xi32, #tpu.memory_space<hbm>>
      %dma_start3A_195 = tpu.memref_squeeze %dma_start3A_194 : memref<1x1x41x128xi32, #tpu.memory_space<hbm>> -> memref<41x128xi32, #tpu.memory_space<hbm>>
      tpu.enqueue_dma source(%dma_start3A_195 : memref<41x128xi32, #tpu.memory_space<hbm>>) target(%arg5 : memref<41x128xi32, #tpu.memory_space<vmem>>) target_semaphore(%run_scoped3A : memref<!tpu.dma_semaphore, #tpu.memory_space<semaphore_mem>>)
      %dma_wait3A_196 = arith.constant 0 : i32
      %dma_wait3A_197 = arith.constant 0 : i32
      %dma_wait3A_198 = tpu.memref_slice %arg3[%arg0, %arg1, %dma_wait3A_196, %dma_wait3A_197] : memref<2x16x41x128xi32, #tpu.memory_space<hbm>> -> memref<1x1x41x128xi32, #tpu.memory_space<hbm>>
      %dma_wait3A_199 = tpu.memref_squeeze %dma_wait3A_198 : memref<1x1x41x128xi32, #tpu.memory_space<hbm>> -> memref<41x128xi32, #tpu.memory_space<hbm>>
      %dma_wait3A_200 = arith.constant 0 : i32
      %dma_wait3A_201 = arith.constant 0 : i32
      %dma_wait3A_202 = tpu.memref_slice %arg3[%arg0, %arg1, %dma_wait3A_200, %dma_wait3A_201] : memref<2x16x41x128xi32, #tpu.memory_space<hbm>> -> memref<1x1x41x128xi32, #tpu.memory_space<hbm>>
      %dma_wait3A_203 = tpu.memref_squeeze %dma_wait3A_202 : memref<1x1x41x128xi32, #tpu.memory_space<hbm>> -> memref<41x128xi32, #tpu.memory_space<hbm>>
      tpu.wait_dma2 semaphore(%run_scoped3A : memref<!tpu.dma_semaphore, #tpu.memory_space<semaphore_mem>>) src(%dma_wait3A_203 : memref<41x128xi32, #tpu.memory_space<hbm>>) dst(%arg5 : memref<41x128xi32, #tpu.memory_space<vmem>>)
      tpu.yield
    }) : () -> ()
    %mul3A = arith.constant 640 : i32
    %mul3A_0 = arith.muli %arg1, %mul3A : i32
    %mul3A_1 = arith.constant 640 : i32
    %mul3A_2 = arith.muli %arg1, %mul3A_1 : i32
    "tpu.region"() ({
      %run_scoped3A = tpu.sem_alloc : memref<!tpu.dma_semaphore, #tpu.memory_space<semaphore_mem>>
      %dma_start3A_188 = arith.constant 0 : i32
      %dma_start3A_189 = tpu.memref_slice %arg12[%mul3A_2, %dma_start3A_188] : memref<10240x128xf32, #tpu.memory_space<vmem_shared>> -> memref<640x128xf32, #tpu.memory_space<vmem_shared>>
      %dma_start3A_190 = arith.constant 0 : i32
      %dma_start3A_191 = tpu.memref_slice %arg2[%mul3A_0, %dma_start3A_190] : memref<10240x128xf32, #tpu.memory_space<hbm>> -> memref<640x128xf32, #tpu.memory_space<hbm>>
      tpu.enqueue_dma source(%dma_start3A_191 : memref<640x128xf32, #tpu.memory_space<hbm>>) target(%dma_start3A_189 : memref<640x128xf32, #tpu.memory_space<vmem_shared>>) target_semaphore(%run_scoped3A : memref<!tpu.dma_semaphore, #tpu.memory_space<semaphore_mem>>)
      %dma_wait3A_192 = arith.constant 0 : i32
      %dma_wait3A_193 = tpu.memref_slice %arg12[%mul3A_2, %dma_wait3A_192] : memref<10240x128xf32, #tpu.memory_space<vmem_shared>> -> memref<640x128xf32, #tpu.memory_space<vmem_shared>>
      %dma_wait3A_194 = arith.constant 0 : i32
      %dma_wait3A_195 = tpu.memref_slice %arg2[%mul3A_0, %dma_wait3A_194] : memref<10240x128xf32, #tpu.memory_space<hbm>> -> memref<640x128xf32, #tpu.memory_space<hbm>>
      tpu.wait_dma2 semaphore(%run_scoped3A : memref<!tpu.dma_semaphore, #tpu.memory_space<semaphore_mem>>) src(%dma_wait3A_195 : memref<640x128xf32, #tpu.memory_space<hbm>>) dst(%dma_wait3A_193 : memref<640x128xf32, #tpu.memory_space<vmem_shared>>)
      tpu.yield
    }) : () -> ()
    %barrier3A = arith.constant 0 : index
    tpu.barrier barrier_id(%barrier3A)
    %get3A = arith.constant 0 : i32
    %get3A_3 = arith.index_cast %get3A : i32 to index
    %get3A_4 = arith.constant 0 : index
    %get3A_5 = tpu.vector_load %arg5[%get3A_3, %get3A_4] {strides = array<i32>} : memref<41x128xi32, #tpu.memory_space<vmem>>, vector<1x16xi32>,
    %get3A_6 = vector.shape_cast %get3A_5 : vector<1x16xi32> to vector<16xi32>
    %and3A = arith.constant 32767 : i32
    %and3A_7 = vector.broadcast %and3A : i32 to vector<16xi32>
    %and3A_8 = arith.andi %get3A_6, %and3A_7 : vector<16xi32>
    %add3A = arith.constant 0 : i32
    %add3A_9 = vector.broadcast %add3A : i32 to vector<16xi32>
    %add3A_10 = arith.addi %and3A_8, %add3A_9 : vector<16xi32>
    %swap3A = arith.constant 0 : index
    %swap3A_11 = tpu.vector_load %arg6[%swap3A] {strides = array<i32>} : memref<128xi32, #tpu.memory_space<vmem>>, vector<16xi32>,
    %swap3A_12 = vector.shape_cast %swap3A_11 : vector<16xi32> to vector<16xi32>
    %swap3A_13 = vector.shape_cast %add3A_10 : vector<16xi32> to vector<16xi32>
    tpu.vector_store %arg6[%swap3A], %swap3A_13 {strides = array<i32>} : memref<128xi32, #tpu.memory_space<vmem>>, vector<16xi32>,
    %shift_right_logical3A = arith.constant 15 : i32
    %shift_right_logical3A_14 = vector.broadcast %shift_right_logical3A : i32 to vector<16xi32>
    %shift_right_logical3A_15 = arith.shrui %get3A_6, %shift_right_logical3A_14 : vector<16xi32>
    %swap3A_16 = arith.constant 0 : index
    %swap3A_17 = tpu.vector_load %arg7[%swap3A_16] {strides = array<i32>} : memref<128xi32, #tpu.memory_space<vmem>>, vector<16xi32>,
    %swap3A_18 = vector.shape_cast %swap3A_17 : vector<16xi32> to vector<16xi32>
    %swap3A_19 = vector.shape_cast %shift_right_logical3A_15 : vector<16xi32> to vector<16xi32>
    tpu.vector_store %arg7[%swap3A_16], %swap3A_19 {strides = array<i32>} : memref<128xi32, #tpu.memory_space<vmem>>, vector<16xi32>,
    %get3A_20 = arith.constant 0 : i32
    %get3A_21 = arith.index_cast %get3A_20 : i32 to index
    %get3A_22 = arith.constant 16 : index
    %get3A_23 = tpu.vector_load %arg5[%get3A_21, %get3A_22] {strides = array<i32>} : memref<41x128xi32, #tpu.memory_space<vmem>>, vector<1x16xi32>,
    %get3A_24 = vector.shape_cast %get3A_23 : vector<1x16xi32> to vector<16xi32>
    %and3A_25 = arith.constant 32767 : i32
    %and3A_26 = vector.broadcast %and3A_25 : i32 to vector<16xi32>
    %and3A_27 = arith.andi %get3A_24, %and3A_26 : vector<16xi32>
    %add3A_28 = arith.constant 0 : i32
    %add3A_29 = vector.broadcast %add3A_28 : i32 to vector<16xi32>
    %add3A_30 = arith.addi %and3A_27, %add3A_29 : vector<16xi32>
    %swap3A_31 = arith.constant 16 : index
    %swap3A_32 = tpu.vector_load %arg6[%swap3A_31] {strides = array<i32>} : memref<128xi32, #tpu.memory_space<vmem>>, vector<16xi32>,
    %swap3A_33 = vector.shape_cast %swap3A_32 : vector<16xi32> to vector<16xi32>
    %swap3A_34 = vector.shape_cast %add3A_30 : vector<16xi32> to vector<16xi32>
    tpu.vector_store %arg6[%swap3A_31], %swap3A_34 {strides = array<i32>} : memref<128xi32, #tpu.memory_space<vmem>>, vector<16xi32>,
    %shift_right_logical3A_35 = arith.constant 15 : i32
    %shift_right_logical3A_36 = vector.broadcast %shift_right_logical3A_35 : i32 to vector<16xi32>
    %shift_right_logical3A_37 = arith.shrui %get3A_24, %shift_right_logical3A_36 : vector<16xi32>
    %swap3A_38 = arith.constant 16 : index
    %swap3A_39 = tpu.vector_load %arg7[%swap3A_38] {strides = array<i32>} : memref<128xi32, #tpu.memory_space<vmem>>, vector<16xi32>,
    %swap3A_40 = vector.shape_cast %swap3A_39 : vector<16xi32> to vector<16xi32>
    %swap3A_41 = vector.shape_cast %shift_right_logical3A_37 : vector<16xi32> to vector<16xi32>
    tpu.vector_store %arg7[%swap3A_38], %swap3A_41 {strides = array<i32>} : memref<128xi32, #tpu.memory_space<vmem>>, vector<16xi32>,
    %get3A_42 = arith.constant 0 : i32
    %get3A_43 = arith.index_cast %get3A_42 : i32 to index
    %get3A_44 = arith.constant 32 : index
    %get3A_45 = tpu.vector_load %arg5[%get3A_43, %get3A_44] {strides = array<i32>} : memref<41x128xi32, #tpu.memory_space<vmem>>, vector<1x16xi32>,
    %get3A_46 = vector.shape_cast %get3A_45 : vector<1x16xi32> to vector<16xi32>
    %and3A_47 = arith.constant 32767 : i32
    %and3A_48 = vector.broadcast %and3A_47 : i32 to vector<16xi32>
    %and3A_49 = arith.andi %get3A_46, %and3A_48 : vector<16xi32>
    %add3A_50 = arith.constant 0 : i32
    %add3A_51 = vector.broadcast %add3A_50 : i32 to vector<16xi32>
    %add3A_52 = arith.addi %and3A_49, %add3A_51 : vector<16xi32>
    %swap3A_53 = arith.constant 32 : index
    %swap3A_54 = tpu.vector_load %arg6[%swap3A_53] {strides = array<i32>} : memref<128xi32, #tpu.memory_space<vmem>>, vector<16xi32>,
    %swap3A_55 = vector.shape_cast %swap3A_54 : vector<16xi32> to vector<16xi32>
    %swap3A_56 = vector.shape_cast %add3A_52 : vector<16xi32> to vector<16xi32>
    tpu.vector_store %arg6[%swap3A_53], %swap3A_56 {strides = array<i32>} : memref<128xi32, #tpu.memory_space<vmem>>, vector<16xi32>,
    %shift_right_logical3A_57 = arith.constant 15 : i32
    %shift_right_logical3A_58 = vector.broadcast %shift_right_logical3A_57 : i32 to vector<16xi32>
    %shift_right_logical3A_59 = arith.shrui %get3A_46, %shift_right_logical3A_58 : vector<16xi32>
    %swap3A_60 = arith.constant 32 : index
    %swap3A_61 = tpu.vector_load %arg7[%swap3A_60] {strides = array<i32>} : memref<128xi32, #tpu.memory_space<vmem>>, vector<16xi32>,
    %swap3A_62 = vector.shape_cast %swap3A_61 : vector<16xi32> to vector<16xi32>
    %swap3A_63 = vector.shape_cast %shift_right_logical3A_59 : vector<16xi32> to vector<16xi32>
    tpu.vector_store %arg7[%swap3A_60], %swap3A_63 {strides = array<i32>} : memref<128xi32, #tpu.memory_space<vmem>>, vector<16xi32>,
    %get3A_64 = arith.constant 0 : i32
    %get3A_65 = arith.index_cast %get3A_64 : i32 to index
    %get3A_66 = arith.constant 48 : index
    %get3A_67 = tpu.vector_load %arg5[%get3A_65, %get3A_66] {strides = array<i32>} : memref<41x128xi32, #tpu.memory_space<vmem>>, vector<1x16xi32>,
    %get3A_68 = vector.shape_cast %get3A_67 : vector<1x16xi32> to vector<16xi32>
    %and3A_69 = arith.constant 32767 : i32
    %and3A_70 = vector.broadcast %and3A_69 : i32 to vector<16xi32>
    %and3A_71 = arith.andi %get3A_68, %and3A_70 : vector<16xi32>
    %add3A_72 = arith.constant 0 : i32
    %add3A_73 = vector.broadcast %add3A_72 : i32 to vector<16xi32>
    %add3A_74 = arith.addi %and3A_71, %add3A_73 : vector<16xi32>
    %swap3A_75 = arith.constant 48 : index
    %swap3A_76 = tpu.vector_load %arg6[%swap3A_75] {strides = array<i32>} : memref<128xi32, #tpu.memory_space<vmem>>, vector<16xi32>,
    %swap3A_77 = vector.shape_cast %swap3A_76 : vector<16xi32> to vector<16xi32>
    %swap3A_78 = vector.shape_cast %add3A_74 : vector<16xi32> to vector<16xi32>
    tpu.vector_store %arg6[%swap3A_75], %swap3A_78 {strides = array<i32>} : memref<128xi32, #tpu.memory_space<vmem>>, vector<16xi32>,
    %shift_right_logical3A_79 = arith.constant 15 : i32
    %shift_right_logical3A_80 = vector.broadcast %shift_right_logical3A_79 : i32 to vector<16xi32>
    %shift_right_logical3A_81 = arith.shrui %get3A_68, %shift_right_logical3A_80 : vector<16xi32>
    %swap3A_82 = arith.constant 48 : index
    %swap3A_83 = tpu.vector_load %arg7[%swap3A_82] {strides = array<i32>} : memref<128xi32, #tpu.memory_space<vmem>>, vector<16xi32>,
    %swap3A_84 = vector.shape_cast %swap3A_83 : vector<16xi32> to vector<16xi32>
    %swap3A_85 = vector.shape_cast %shift_right_logical3A_81 : vector<16xi32> to vector<16xi32>
    tpu.vector_store %arg7[%swap3A_82], %swap3A_85 {strides = array<i32>} : memref<128xi32, #tpu.memory_space<vmem>>, vector<16xi32>,
    %get3A_86 = arith.constant 0 : i32
    %get3A_87 = arith.index_cast %get3A_86 : i32 to index
    %get3A_88 = arith.constant 64 : index
    %get3A_89 = tpu.vector_load %arg5[%get3A_87, %get3A_88] {strides = array<i32>} : memref<41x128xi32, #tpu.memory_space<vmem>>, vector<1x16xi32>,
    %get3A_90 = vector.shape_cast %get3A_89 : vector<1x16xi32> to vector<16xi32>
    %and3A_91 = arith.constant 32767 : i32
    %and3A_92 = vector.broadcast %and3A_91 : i32 to vector<16xi32>
    %and3A_93 = arith.andi %get3A_90, %and3A_92 : vector<16xi32>
    %add3A_94 = arith.constant 0 : i32
    %add3A_95 = vector.broadcast %add3A_94 : i32 to vector<16xi32>
    %add3A_96 = arith.addi %and3A_93, %add3A_95 : vector<16xi32>
    %swap3A_97 = arith.constant 64 : index
    %swap3A_98 = tpu.vector_load %arg6[%swap3A_97] {strides = array<i32>} : memref<128xi32, #tpu.memory_space<vmem>>, vector<16xi32>,
    %swap3A_99 = vector.shape_cast %swap3A_98 : vector<16xi32> to vector<16xi32>
    %swap3A_100 = vector.shape_cast %add3A_96 : vector<16xi32> to vector<16xi32>
    tpu.vector_store %arg6[%swap3A_97], %swap3A_100 {strides = array<i32>} : memref<128xi32, #tpu.memory_space<vmem>>, vector<16xi32>,
    %shift_right_logical3A_101 = arith.constant 15 : i32
    %shift_right_logical3A_102 = vector.broadcast %shift_right_logical3A_101 : i32 to vector<16xi32>
    %shift_right_logical3A_103 = arith.shrui %get3A_90, %shift_right_logical3A_102 : vector<16xi32>
    %swap3A_104 = arith.constant 64 : index
    %swap3A_105 = tpu.vector_load %arg7[%swap3A_104] {strides = array<i32>} : memref<128xi32, #tpu.memory_space<vmem>>, vector<16xi32>,
    %swap3A_106 = vector.shape_cast %swap3A_105 : vector<16xi32> to vector<16xi32>
    %swap3A_107 = vector.shape_cast %shift_right_logical3A_103 : vector<16xi32> to vector<16xi32>
    tpu.vector_store %arg7[%swap3A_104], %swap3A_107 {strides = array<i32>} : memref<128xi32, #tpu.memory_space<vmem>>, vector<16xi32>,
    %get3A_108 = arith.constant 0 : i32
    %get3A_109 = arith.index_cast %get3A_108 : i32 to index
    %get3A_110 = arith.constant 80 : index
    %get3A_111 = tpu.vector_load %arg5[%get3A_109, %get3A_110] {strides = array<i32>} : memref<41x128xi32, #tpu.memory_space<vmem>>, vector<1x16xi32>,
    %get3A_112 = vector.shape_cast %get3A_111 : vector<1x16xi32> to vector<16xi32>
    %and3A_113 = arith.constant 32767 : i32
    %and3A_114 = vector.broadcast %and3A_113 : i32 to vector<16xi32>
    %and3A_115 = arith.andi %get3A_112, %and3A_114 : vector<16xi32>
    %add3A_116 = arith.constant 0 : i32
    %add3A_117 = vector.broadcast %add3A_116 : i32 to vector<16xi32>
    %add3A_118 = arith.addi %and3A_115, %add3A_117 : vector<16xi32>
    %swap3A_119 = arith.constant 80 : index
    %swap3A_120 = tpu.vector_load %arg6[%swap3A_119] {strides = array<i32>} : memref<128xi32, #tpu.memory_space<vmem>>, vector<16xi32>,
    %swap3A_121 = vector.shape_cast %swap3A_120 : vector<16xi32> to vector<16xi32>
    %swap3A_122 = vector.shape_cast %add3A_118 : vector<16xi32> to vector<16xi32>
    tpu.vector_store %arg6[%swap3A_119], %swap3A_122 {strides = array<i32>} : memref<128xi32, #tpu.memory_space<vmem>>, vector<16xi32>,
    %shift_right_logical3A_123 = arith.constant 15 : i32
    %shift_right_logical3A_124 = vector.broadcast %shift_right_logical3A_123 : i32 to vector<16xi32>
    %shift_right_logical3A_125 = arith.shrui %get3A_112, %shift_right_logical3A_124 : vector<16xi32>
    %swap3A_126 = arith.constant 80 : index
    %swap3A_127 = tpu.vector_load %arg7[%swap3A_126] {strides = array<i32>} : memref<128xi32, #tpu.memory_space<vmem>>, vector<16xi32>,
    %swap3A_128 = vector.shape_cast %swap3A_127 : vector<16xi32> to vector<16xi32>
    %swap3A_129 = vector.shape_cast %shift_right_logical3A_125 : vector<16xi32> to vector<16xi32>
    tpu.vector_store %arg7[%swap3A_126], %swap3A_129 {strides = array<i32>} : memref<128xi32, #tpu.memory_space<vmem>>, vector<16xi32>,
    %get3A_130 = arith.constant 0 : i32
    %get3A_131 = arith.index_cast %get3A_130 : i32 to index
    %get3A_132 = arith.constant 96 : index
    %get3A_133 = tpu.vector_load %arg5[%get3A_131, %get3A_132] {strides = array<i32>} : memref<41x128xi32, #tpu.memory_space<vmem>>, vector<1x16xi32>,
    %get3A_134 = vector.shape_cast %get3A_133 : vector<1x16xi32> to vector<16xi32>
    %and3A_135 = arith.constant 32767 : i32
    %and3A_136 = vector.broadcast %and3A_135 : i32 to vector<16xi32>
    %and3A_137 = arith.andi %get3A_134, %and3A_136 : vector<16xi32>
    %add3A_138 = arith.constant 0 : i32
    %add3A_139 = vector.broadcast %add3A_138 : i32 to vector<16xi32>
    %add3A_140 = arith.addi %and3A_137, %add3A_139 : vector<16xi32>
    %swap3A_141 = arith.constant 96 : index
    %swap3A_142 = tpu.vector_load %arg6[%swap3A_141] {strides = array<i32>} : memref<128xi32, #tpu.memory_space<vmem>>, vector<16xi32>,
    %swap3A_143 = vector.shape_cast %swap3A_142 : vector<16xi32> to vector<16xi32>
    %swap3A_144 = vector.shape_cast %add3A_140 : vector<16xi32> to vector<16xi32>
    tpu.vector_store %arg6[%swap3A_141], %swap3A_144 {strides = array<i32>} : memref<128xi32, #tpu.memory_space<vmem>>, vector<16xi32>,
    %shift_right_logical3A_145 = arith.constant 15 : i32
    %shift_right_logical3A_146 = vector.broadcast %shift_right_logical3A_145 : i32 to vector<16xi32>
    %shift_right_logical3A_147 = arith.shrui %get3A_134, %shift_right_logical3A_146 : vector<16xi32>
    %swap3A_148 = arith.constant 96 : index
    %swap3A_149 = tpu.vector_load %arg7[%swap3A_148] {strides = array<i32>} : memref<128xi32, #tpu.memory_space<vmem>>, vector<16xi32>,
    %swap3A_150 = vector.shape_cast %swap3A_149 : vector<16xi32> to vector<16xi32>
    %swap3A_151 = vector.shape_cast %shift_right_logical3A_147 : vector<16xi32> to vector<16xi32>
    tpu.vector_store %arg7[%swap3A_148], %swap3A_151 {strides = array<i32>} : memref<128xi32, #tpu.memory_space<vmem>>, vector<16xi32>,
    %get3A_152 = arith.constant 0 : i32
    %get3A_153 = arith.index_cast %get3A_152 : i32 to index
    %get3A_154 = arith.constant 112 : index
    %get3A_155 = tpu.vector_load %arg5[%get3A_153, %get3A_154] {strides = array<i32>} : memref<41x128xi32, #tpu.memory_space<vmem>>, vector<1x16xi32>,
    %get3A_156 = vector.shape_cast %get3A_155 : vector<1x16xi32> to vector<16xi32>
    %and3A_157 = arith.constant 32767 : i32
    %and3A_158 = vector.broadcast %and3A_157 : i32 to vector<16xi32>
    %and3A_159 = arith.andi %get3A_156, %and3A_158 : vector<16xi32>
    %add3A_160 = arith.constant 0 : i32
    %add3A_161 = vector.broadcast %add3A_160 : i32 to vector<16xi32>
    %add3A_162 = arith.addi %and3A_159, %add3A_161 : vector<16xi32>
    %swap3A_163 = arith.constant 112 : index
    %swap3A_164 = tpu.vector_load %arg6[%swap3A_163] {strides = array<i32>} : memref<128xi32, #tpu.memory_space<vmem>>, vector<16xi32>,
    %swap3A_165 = vector.shape_cast %swap3A_164 : vector<16xi32> to vector<16xi32>
    %swap3A_166 = vector.shape_cast %add3A_162 : vector<16xi32> to vector<16xi32>
    tpu.vector_store %arg6[%swap3A_163], %swap3A_166 {strides = array<i32>} : memref<128xi32, #tpu.memory_space<vmem>>, vector<16xi32>,
    %shift_right_logical3A_167 = arith.constant 15 : i32
    %shift_right_logical3A_168 = vector.broadcast %shift_right_logical3A_167 : i32 to vector<16xi32>
    %shift_right_logical3A_169 = arith.shrui %get3A_156, %shift_right_logical3A_168 : vector<16xi32>
    %swap3A_170 = arith.constant 112 : index
    %swap3A_171 = tpu.vector_load %arg7[%swap3A_170] {strides = array<i32>} : memref<128xi32, #tpu.memory_space<vmem>>, vector<16xi32>,
    %swap3A_172 = vector.shape_cast %swap3A_171 : vector<16xi32> to vector<16xi32>
    %swap3A_173 = vector.shape_cast %shift_right_logical3A_169 : vector<16xi32> to vector<16xi32>
    tpu.vector_store %arg7[%swap3A_170], %swap3A_173 {strides = array<i32>} : memref<128xi32, #tpu.memory_space<vmem>>, vector<16xi32>,
    %dma_start3A = arith.constant 0 : i32
    %dma_start3A_174 = arith.constant 0 : i32
    %dma_start3A_175 = tpu.memref_slice %arg2[%dma_start3A, %dma_start3A_174] : memref<10240x128xf32, #tpu.memory_space<hbm>> -> memref<10240x128xf32, #tpu.memory_space<hbm>>
    tpu.enqueue_indirect_dma source(%dma_start3A_175 : memref<10240x128xf32, #tpu.memory_space<hbm>>) target(%arg10 : memref<128x128xf32, #tpu.memory_space<vmem>>) offsets(%arg6 : memref<128xi32, #tpu.memory_space<vmem>>) semaphore(%arg13 : memref<!tpu.dma_semaphore, #tpu.memory_space<semaphore_mem>>)
    %scan3A = arith.constant 0 : i32
    %scan3A_176 = arith.constant 0 : i32
    %scan3A_177 = arith.constant 20 : i32
    %scan3A_178 = arith.addi %scan3A_176, %scan3A_177 : i32
    %scan3A_179 = arith.constant 1 : i32
    scf.for %scan3A_188 = %scan3A_176 to %scan3A_178 step %scan3A_179  : i32 {
      %mul3A_189 = arith.constant 2 : i32
      %mul3A_190 = arith.muli %mul3A_189, %scan3A_188 : i32
      %add3A_191 = arith.constant 1 : i32
      %add3A_192 = arith.addi %mul3A_190, %add3A_191 : i32
      %get3A_193 = arith.index_cast %add3A_192 : i32 to index
      %get3A_194 = arith.constant 0 : index
      %get3A_195 = tpu.vector_load %arg5[%get3A_193, %get3A_194] {strides = array<i32>} : memref<41x128xi32, #tpu.memory_space<vmem>>, vector<1x16xi32>,
      %get3A_196 = vector.shape_cast %get3A_195 : vector<1x16xi32> to vector<16xi32>
      %and3A_197 = arith.constant 32767 : i32
      %and3A_198 = vector.broadcast %and3A_197 : i32 to vector<16xi32>
      %and3A_199 = arith.andi %get3A_196, %and3A_198 : vector<16xi32>
      %add3A_200 = arith.constant 0 : i32
      %add3A_201 = vector.broadcast %add3A_200 : i32 to vector<16xi32>
      %add3A_202 = arith.addi %and3A_199, %add3A_201 : vector<16xi32>
      %swap3A_203 = arith.constant 0 : index
      %swap3A_204 = tpu.vector_load %arg8[%swap3A_203] {strides = array<i32>} : memref<128xi32, #tpu.memory_space<vmem>>, vector<16xi32>,
      %swap3A_205 = vector.shape_cast %swap3A_204 : vector<16xi32> to vector<16xi32>
      %swap3A_206 = vector.shape_cast %add3A_202 : vector<16xi32> to vector<16xi32>
      tpu.vector_store %arg8[%swap3A_203], %swap3A_206 {strides = array<i32>} : memref<128xi32, #tpu.memory_space<vmem>>, vector<16xi32>,
      %shift_right_logical3A_207 = arith.constant 15 : i32
      %shift_right_logical3A_208 = vector.broadcast %shift_right_logical3A_207 : i32 to vector<16xi32>
      %shift_right_logical3A_209 = arith.shrui %get3A_196, %shift_right_logical3A_208 : vector<16xi32>
      %swap3A_210 = arith.constant 0 : index
      %swap3A_211 = tpu.vector_load %arg9[%swap3A_210] {strides = array<i32>} : memref<128xi32, #tpu.memory_space<vmem>>, vector<16xi32>,
      %swap3A_212 = vector.shape_cast %swap3A_211 : vector<16xi32> to vector<16xi32>
      %swap3A_213 = vector.shape_cast %shift_right_logical3A_209 : vector<16xi32> to vector<16xi32>
      tpu.vector_store %arg9[%swap3A_210], %swap3A_213 {strides = array<i32>} : memref<128xi32, #tpu.memory_space<vmem>>, vector<16xi32>,
      %get3A_214 = arith.index_cast %add3A_192 : i32 to index
      %get3A_215 = arith.constant 16 : index
      %get3A_216 = tpu.vector_load %arg5[%get3A_214, %get3A_215] {strides = array<i32>} : memref<41x128xi32, #tpu.memory_space<vmem>>, vector<1x16xi32>,
      %get3A_217 = vector.shape_cast %get3A_216 : vector<1x16xi32> to vector<16xi32>
      %and3A_218 = arith.constant 32767 : i32
      %and3A_219 = vector.broadcast %and3A_218 : i32 to vector<16xi32>
      %and3A_220 = arith.andi %get3A_217, %and3A_219 : vector<16xi32>
      %add3A_221 = arith.constant 0 : i32
      %add3A_222 = vector.broadcast %add3A_221 : i32 to vector<16xi32>
      %add3A_223 = arith.addi %and3A_220, %add3A_222 : vector<16xi32>
      %swap3A_224 = arith.constant 16 : index
      %swap3A_225 = tpu.vector_load %arg8[%swap3A_224] {strides = array<i32>} : memref<128xi32, #tpu.memory_space<vmem>>, vector<16xi32>,
      %swap3A_226 = vector.shape_cast %swap3A_225 : vector<16xi32> to vector<16xi32>
      %swap3A_227 = vector.shape_cast %add3A_223 : vector<16xi32> to vector<16xi32>
      tpu.vector_store %arg8[%swap3A_224], %swap3A_227 {strides = array<i32>} : memref<128xi32, #tpu.memory_space<vmem>>, vector<16xi32>,
      %shift_right_logical3A_228 = arith.constant 15 : i32
      %shift_right_logical3A_229 = vector.broadcast %shift_right_logical3A_228 : i32 to vector<16xi32>
      %shift_right_logical3A_230 = arith.shrui %get3A_217, %shift_right_logical3A_229 : vector<16xi32>
      %swap3A_231 = arith.constant 16 : index
      %swap3A_232 = tpu.vector_load %arg9[%swap3A_231] {strides = array<i32>} : memref<128xi32, #tpu.memory_space<vmem>>, vector<16xi32>,
      %swap3A_233 = vector.shape_cast %swap3A_232 : vector<16xi32> to vector<16xi32>
      %swap3A_234 = vector.shape_cast %shift_right_logical3A_230 : vector<16xi32> to vector<16xi32>
      tpu.vector_store %arg9[%swap3A_231], %swap3A_234 {strides = array<i32>} : memref<128xi32, #tpu.memory_space<vmem>>, vector<16xi32>,
      %get3A_235 = arith.index_cast %add3A_192 : i32 to index
      %get3A_236 = arith.constant 32 : index
      %get3A_237 = tpu.vector_load %arg5[%get3A_235, %get3A_236] {strides = array<i32>} : memref<41x128xi32, #tpu.memory_space<vmem>>, vector<1x16xi32>,
      %get3A_238 = vector.shape_cast %get3A_237 : vector<1x16xi32> to vector<16xi32>
      %and3A_239 = arith.constant 32767 : i32
      %and3A_240 = vector.broadcast %and3A_239 : i32 to vector<16xi32>
      %and3A_241 = arith.andi %get3A_238, %and3A_240 : vector<16xi32>
      %add3A_242 = arith.constant 0 : i32
      %add3A_243 = vector.broadcast %add3A_242 : i32 to vector<16xi32>
      %add3A_244 = arith.addi %and3A_241, %add3A_243 : vector<16xi32>
      %swap3A_245 = arith.constant 32 : index
      %swap3A_246 = tpu.vector_load %arg8[%swap3A_245] {strides = array<i32>} : memref<128xi32, #tpu.memory_space<vmem>>, vector<16xi32>,
      %swap3A_247 = vector.shape_cast %swap3A_246 : vector<16xi32> to vector<16xi32>
      %swap3A_248 = vector.shape_cast %add3A_244 : vector<16xi32> to vector<16xi32>
      tpu.vector_store %arg8[%swap3A_245], %swap3A_248 {strides = array<i32>} : memref<128xi32, #tpu.memory_space<vmem>>, vector<16xi32>,
      %shift_right_logical3A_249 = arith.constant 15 : i32
      %shift_right_logical3A_250 = vector.broadcast %shift_right_logical3A_249 : i32 to vector<16xi32>
      %shift_right_logical3A_251 = arith.shrui %get3A_238, %shift_right_logical3A_250 : vector<16xi32>
      %swap3A_252 = arith.constant 32 : index
      %swap3A_253 = tpu.vector_load %arg9[%swap3A_252] {strides = array<i32>} : memref<128xi32, #tpu.memory_space<vmem>>, vector<16xi32>,
      %swap3A_254 = vector.shape_cast %swap3A_253 : vector<16xi32> to vector<16xi32>
      %swap3A_255 = vector.shape_cast %shift_right_logical3A_251 : vector<16xi32> to vector<16xi32>
      tpu.vector_store %arg9[%swap3A_252], %swap3A_255 {strides = array<i32>} : memref<128xi32, #tpu.memory_space<vmem>>, vector<16xi32>,
      %get3A_256 = arith.index_cast %add3A_192 : i32 to index
      %get3A_257 = arith.constant 48 : index
      %get3A_258 = tpu.vector_load %arg5[%get3A_256, %get3A_257] {strides = array<i32>} : memref<41x128xi32, #tpu.memory_space<vmem>>, vector<1x16xi32>,
      %get3A_259 = vector.shape_cast %get3A_258 : vector<1x16xi32> to vector<16xi32>
      %and3A_260 = arith.constant 32767 : i32
      %and3A_261 = vector.broadcast %and3A_260 : i32 to vector<16xi32>
      %and3A_262 = arith.andi %get3A_259, %and3A_261 : vector<16xi32>
      %add3A_263 = arith.constant 0 : i32
      %add3A_264 = vector.broadcast %add3A_263 : i32 to vector<16xi32>
      %add3A_265 = arith.addi %and3A_262, %add3A_264 : vector<16xi32>
      %swap3A_266 = arith.constant 48 : index
      %swap3A_267 = tpu.vector_load %arg8[%swap3A_266] {strides = array<i32>} : memref<128xi32, #tpu.memory_space<vmem>>, vector<16xi32>,
      %swap3A_268 = vector.shape_cast %swap3A_267 : vector<16xi32> to vector<16xi32>
      %swap3A_269 = vector.shape_cast %add3A_265 : vector<16xi32> to vector<16xi32>
      tpu.vector_store %arg8[%swap3A_266], %swap3A_269 {strides = array<i32>} : memref<128xi32, #tpu.memory_space<vmem>>, vector<16xi32>,
      %shift_right_logical3A_270 = arith.constant 15 : i32
      %shift_right_logical3A_271 = vector.broadcast %shift_right_logical3A_270 : i32 to vector<16xi32>
      %shift_right_logical3A_272 = arith.shrui %get3A_259, %shift_right_logical3A_271 : vector<16xi32>
      %swap3A_273 = arith.constant 48 : index
      %swap3A_274 = tpu.vector_load %arg9[%swap3A_273] {strides = array<i32>} : memref<128xi32, #tpu.memory_space<vmem>>, vector<16xi32>,
      %swap3A_275 = vector.shape_cast %swap3A_274 : vector<16xi32> to vector<16xi32>
      %swap3A_276 = vector.shape_cast %shift_right_logical3A_272 : vector<16xi32> to vector<16xi32>
      tpu.vector_store %arg9[%swap3A_273], %swap3A_276 {strides = array<i32>} : memref<128xi32, #tpu.memory_space<vmem>>, vector<16xi32>,
      %get3A_277 = arith.index_cast %add3A_192 : i32 to index
      %get3A_278 = arith.constant 64 : index
      %get3A_279 = tpu.vector_load %arg5[%get3A_277, %get3A_278] {strides = array<i32>} : memref<41x128xi32, #tpu.memory_space<vmem>>, vector<1x16xi32>,
      %get3A_280 = vector.shape_cast %get3A_279 : vector<1x16xi32> to vector<16xi32>
      %and3A_281 = arith.constant 32767 : i32
      %and3A_282 = vector.broadcast %and3A_281 : i32 to vector<16xi32>
      %and3A_283 = arith.andi %get3A_280, %and3A_282 : vector<16xi32>
      %add3A_284 = arith.constant 0 : i32
      %add3A_285 = vector.broadcast %add3A_284 : i32 to vector<16xi32>
      %add3A_286 = arith.addi %and3A_283, %add3A_285 : vector<16xi32>
      %swap3A_287 = arith.constant 64 : index
      %swap3A_288 = tpu.vector_load %arg8[%swap3A_287] {strides = array<i32>} : memref<128xi32, #tpu.memory_space<vmem>>, vector<16xi32>,
      %swap3A_289 = vector.shape_cast %swap3A_288 : vector<16xi32> to vector<16xi32>
      %swap3A_290 = vector.shape_cast %add3A_286 : vector<16xi32> to vector<16xi32>
      tpu.vector_store %arg8[%swap3A_287], %swap3A_290 {strides = array<i32>} : memref<128xi32, #tpu.memory_space<vmem>>, vector<16xi32>,
      %shift_right_logical3A_291 = arith.constant 15 : i32
      %shift_right_logical3A_292 = vector.broadcast %shift_right_logical3A_291 : i32 to vector<16xi32>
      %shift_right_logical3A_293 = arith.shrui %get3A_280, %shift_right_logical3A_292 : vector<16xi32>
      %swap3A_294 = arith.constant 64 : index
      %swap3A_295 = tpu.vector_load %arg9[%swap3A_294] {strides = array<i32>} : memref<128xi32, #tpu.memory_space<vmem>>, vector<16xi32>,
      %swap3A_296 = vector.shape_cast %swap3A_295 : vector<16xi32> to vector<16xi32>
      %swap3A_297 = vector.shape_cast %shift_right_logical3A_293 : vector<16xi32> to vector<16xi32>
      tpu.vector_store %arg9[%swap3A_294], %swap3A_297 {strides = array<i32>} : memref<128xi32, #tpu.memory_space<vmem>>, vector<16xi32>,
      %get3A_298 = arith.index_cast %add3A_192 : i32 to index
      %get3A_299 = arith.constant 80 : index
      %get3A_300 = tpu.vector_load %arg5[%get3A_298, %get3A_299] {strides = array<i32>} : memref<41x128xi32, #tpu.memory_space<vmem>>, vector<1x16xi32>,
      %get3A_301 = vector.shape_cast %get3A_300 : vector<1x16xi32> to vector<16xi32>
      %and3A_302 = arith.constant 32767 : i32
      %and3A_303 = vector.broadcast %and3A_302 : i32 to vector<16xi32>
      %and3A_304 = arith.andi %get3A_301, %and3A_303 : vector<16xi32>
      %add3A_305 = arith.constant 0 : i32
      %add3A_306 = vector.broadcast %add3A_305 : i32 to vector<16xi32>
      %add3A_307 = arith.addi %and3A_304, %add3A_306 : vector<16xi32>
      %swap3A_308 = arith.constant 80 : index
      %swap3A_309 = tpu.vector_load %arg8[%swap3A_308] {strides = array<i32>} : memref<128xi32, #tpu.memory_space<vmem>>, vector<16xi32>,
      %swap3A_310 = vector.shape_cast %swap3A_309 : vector<16xi32> to vector<16xi32>
      %swap3A_311 = vector.shape_cast %add3A_307 : vector<16xi32> to vector<16xi32>
      tpu.vector_store %arg8[%swap3A_308], %swap3A_311 {strides = array<i32>} : memref<128xi32, #tpu.memory_space<vmem>>, vector<16xi32>,
      %shift_right_logical3A_312 = arith.constant 15 : i32
      %shift_right_logical3A_313 = vector.broadcast %shift_right_logical3A_312 : i32 to vector<16xi32>
      %shift_right_logical3A_314 = arith.shrui %get3A_301, %shift_right_logical3A_313 : vector<16xi32>
      %swap3A_315 = arith.constant 80 : index
      %swap3A_316 = tpu.vector_load %arg9[%swap3A_315] {strides = array<i32>} : memref<128xi32, #tpu.memory_space<vmem>>, vector<16xi32>,
      %swap3A_317 = vector.shape_cast %swap3A_316 : vector<16xi32> to vector<16xi32>
      %swap3A_318 = vector.shape_cast %shift_right_logical3A_314 : vector<16xi32> to vector<16xi32>
      tpu.vector_store %arg9[%swap3A_315], %swap3A_318 {strides = array<i32>} : memref<128xi32, #tpu.memory_space<vmem>>, vector<16xi32>,
      %get3A_319 = arith.index_cast %add3A_192 : i32 to index
      %get3A_320 = arith.constant 96 : index
      %get3A_321 = tpu.vector_load %arg5[%get3A_319, %get3A_320] {strides = array<i32>} : memref<41x128xi32, #tpu.memory_space<vmem>>, vector<1x16xi32>,
      %get3A_322 = vector.shape_cast %get3A_321 : vector<1x16xi32> to vector<16xi32>
      %and3A_323 = arith.constant 32767 : i32
      %and3A_324 = vector.broadcast %and3A_323 : i32 to vector<16xi32>
      %and3A_325 = arith.andi %get3A_322, %and3A_324 : vector<16xi32>
      %add3A_326 = arith.constant 0 : i32
      %add3A_327 = vector.broadcast %add3A_326 : i32 to vector<16xi32>
      %add3A_328 = arith.addi %and3A_325, %add3A_327 : vector<16xi32>
      %swap3A_329 = arith.constant 96 : index
      %swap3A_330 = tpu.vector_load %arg8[%swap3A_329] {strides = array<i32>} : memref<128xi32, #tpu.memory_space<vmem>>, vector<16xi32>,
      %swap3A_331 = vector.shape_cast %swap3A_330 : vector<16xi32> to vector<16xi32>
      %swap3A_332 = vector.shape_cast %add3A_328 : vector<16xi32> to vector<16xi32>
      tpu.vector_store %arg8[%swap3A_329], %swap3A_332 {strides = array<i32>} : memref<128xi32, #tpu.memory_space<vmem>>, vector<16xi32>,
      %shift_right_logical3A_333 = arith.constant 15 : i32
      %shift_right_logical3A_334 = vector.broadcast %shift_right_logical3A_333 : i32 to vector<16xi32>
      %shift_right_logical3A_335 = arith.shrui %get3A_322, %shift_right_logical3A_334 : vector<16xi32>
      %swap3A_336 = arith.constant 96 : index
      %swap3A_337 = tpu.vector_load %arg9[%swap3A_336] {strides = array<i32>} : memref<128xi32, #tpu.memory_space<vmem>>, vector<16xi32>,
      %swap3A_338 = vector.shape_cast %swap3A_337 : vector<16xi32> to vector<16xi32>
      %swap3A_339 = vector.shape_cast %shift_right_logical3A_335 : vector<16xi32> to vector<16xi32>
      tpu.vector_store %arg9[%swap3A_336], %swap3A_339 {strides = array<i32>} : memref<128xi32, #tpu.memory_space<vmem>>, vector<16xi32>,
      %get3A_340 = arith.index_cast %add3A_192 : i32 to index
      %get3A_341 = arith.constant 112 : index
      %get3A_342 = tpu.vector_load %arg5[%get3A_340, %get3A_341] {strides = array<i32>} : memref<41x128xi32, #tpu.memory_space<vmem>>, vector<1x16xi32>,
      %get3A_343 = vector.shape_cast %get3A_342 : vector<1x16xi32> to vector<16xi32>
      %and3A_344 = arith.constant 32767 : i32
      %and3A_345 = vector.broadcast %and3A_344 : i32 to vector<16xi32>
      %and3A_346 = arith.andi %get3A_343, %and3A_345 : vector<16xi32>
      %add3A_347 = arith.constant 0 : i32
      %add3A_348 = vector.broadcast %add3A_347 : i32 to vector<16xi32>
      %add3A_349 = arith.addi %and3A_346, %add3A_348 : vector<16xi32>
      %swap3A_350 = arith.constant 112 : index
      %swap3A_351 = tpu.vector_load %arg8[%swap3A_350] {strides = array<i32>} : memref<128xi32, #tpu.memory_space<vmem>>, vector<16xi32>,
      %swap3A_352 = vector.shape_cast %swap3A_351 : vector<16xi32> to vector<16xi32>
      %swap3A_353 = vector.shape_cast %add3A_349 : vector<16xi32> to vector<16xi32>
      tpu.vector_store %arg8[%swap3A_350], %swap3A_353 {strides = array<i32>} : memref<128xi32, #tpu.memory_space<vmem>>, vector<16xi32>,
      %shift_right_logical3A_354 = arith.constant 15 : i32
      %shift_right_logical3A_355 = vector.broadcast %shift_right_logical3A_354 : i32 to vector<16xi32>
      %shift_right_logical3A_356 = arith.shrui %get3A_343, %shift_right_logical3A_355 : vector<16xi32>
      %swap3A_357 = arith.constant 112 : index
      %swap3A_358 = tpu.vector_load %arg9[%swap3A_357] {strides = array<i32>} : memref<128xi32, #tpu.memory_space<vmem>>, vector<16xi32>,
      %swap3A_359 = vector.shape_cast %swap3A_358 : vector<16xi32> to vector<16xi32>
      %swap3A_360 = vector.shape_cast %shift_right_logical3A_356 : vector<16xi32> to vector<16xi32>
      tpu.vector_store %arg9[%swap3A_357], %swap3A_360 {strides = array<i32>} : memref<128xi32, #tpu.memory_space<vmem>>, vector<16xi32>,
      %dma_start3A_361 = arith.constant 0 : i32
      %dma_start3A_362 = arith.constant 0 : i32
      %dma_start3A_363 = tpu.memref_slice %arg2[%dma_start3A_361, %dma_start3A_362] : memref<10240x128xf32, #tpu.memory_space<hbm>> -> memref<10240x128xf32, #tpu.memory_space<hbm>>
      tpu.enqueue_indirect_dma source(%dma_start3A_363 : memref<10240x128xf32, #tpu.memory_space<hbm>>) target(%arg11 : memref<128x128xf32, #tpu.memory_space<vmem>>) offsets(%arg8 : memref<128xi32, #tpu.memory_space<vmem>>) semaphore(%arg14 : memref<!tpu.dma_semaphore, #tpu.memory_space<semaphore_mem>>)
      %dma_wait3A_364 = arith.constant 0 : i32
      %dma_wait3A_365 = arith.constant 0 : i32
      %dma_wait3A_366 = tpu.memref_slice %arg2[%dma_wait3A_364, %dma_wait3A_365] : memref<10240x128xf32, #tpu.memory_space<hbm>> -> memref<10240x128xf32, #tpu.memory_space<hbm>>
      tpu.wait_indirect_dma semaphore(%arg13 : memref<!tpu.dma_semaphore, #tpu.memory_space<semaphore_mem>>) src(%dma_wait3A_366 : memref<10240x128xf32, #tpu.memory_space<hbm>>) dst(%arg10 : memref<128x128xf32, #tpu.memory_space<vmem>>)
      "tpu.region"() ({
        %run_scoped3A = tpu.sem_alloc : memref<!tpu.dma_semaphore, #tpu.memory_space<semaphore_mem>>
        %dma_start3A_543 = arith.constant 0 : i32
        %dma_start3A_544 = arith.constant 0 : i32
        %dma_start3A_545 = tpu.memref_slice %arg12[%dma_start3A_543, %dma_start3A_544] : memref<10240x128xf32, #tpu.memory_space<vmem_shared>> -> memref<10240x128xf32, #tpu.memory_space<vmem_shared>>
        tpu.enqueue_indirect_dma source(%arg10 : memref<128x128xf32, #tpu.memory_space<vmem>>) target(%dma_start3A_545 : memref<10240x128xf32, #tpu.memory_space<vmem_shared>>) offsets(%arg7 : memref<128xi32, #tpu.memory_space<vmem>>) semaphore(%run_scoped3A : memref<!tpu.dma_semaphore, #tpu.memory_space<semaphore_mem>>) {add = true}
        %dma_wait3A_546 = arith.constant 0 : i32
        %dma_wait3A_547 = arith.constant 0 : i32
        %dma_wait3A_548 = tpu.memref_slice %arg12[%dma_wait3A_546, %dma_wait3A_547] : memref<10240x128xf32, #tpu.memory_space<vmem_shared>> -> memref<10240x128xf32, #tpu.memory_space<vmem_shared>>
        tpu.wait_indirect_dma semaphore(%run_scoped3A : memref<!tpu.dma_semaphore, #tpu.memory_space<semaphore_mem>>) src(%arg10 : memref<128x128xf32, #tpu.memory_space<vmem>>) dst(%dma_wait3A_548 : memref<10240x128xf32, #tpu.memory_space<vmem_shared>>)
        tpu.yield
      }) : () -> ()
      %add3A_367 = arith.constant 2 : i32
      %add3A_368 = arith.addi %mul3A_190, %add3A_367 : i32
      %get3A_369 = arith.index_cast %add3A_368 : i32 to index
      %get3A_370 = arith.constant 0 : index
      %get3A_371 = tpu.vector_load %arg5[%get3A_369, %get3A_370] {strides = array<i32>} : memref<41x128xi32, #tpu.memory_space<vmem>>, vector<1x16xi32>,
      %get3A_372 = vector.shape_cast %get3A_371 : vector<1x16xi32> to vector<16xi32>
      %and3A_373 = arith.constant 32767 : i32
      %and3A_374 = vector.broadcast %and3A_373 : i32 to vector<16xi32>
      %and3A_375 = arith.andi %get3A_372, %and3A_374 : vector<16xi32>
      %add3A_376 = arith.constant 0 : i32
      %add3A_377 = vector.broadcast %add3A_376 : i32 to vector<16xi32>
      %add3A_378 = arith.addi %and3A_375, %add3A_377 : vector<16xi32>
      %swap3A_379 = arith.constant 0 : index
      %swap3A_380 = tpu.vector_load %arg6[%swap3A_379] {strides = array<i32>} : memref<128xi32, #tpu.memory_space<vmem>>, vector<16xi32>,
      %swap3A_381 = vector.shape_cast %swap3A_380 : vector<16xi32> to vector<16xi32>
      %swap3A_382 = vector.shape_cast %add3A_378 : vector<16xi32> to vector<16xi32>
      tpu.vector_store %arg6[%swap3A_379], %swap3A_382 {strides = array<i32>} : memref<128xi32, #tpu.memory_space<vmem>>, vector<16xi32>,
      %shift_right_logical3A_383 = arith.constant 15 : i32
      %shift_right_logical3A_384 = vector.broadcast %shift_right_logical3A_383 : i32 to vector<16xi32>
      %shift_right_logical3A_385 = arith.shrui %get3A_372, %shift_right_logical3A_384 : vector<16xi32>
      %swap3A_386 = arith.constant 0 : index
      %swap3A_387 = tpu.vector_load %arg7[%swap3A_386] {strides = array<i32>} : memref<128xi32, #tpu.memory_space<vmem>>, vector<16xi32>,
      %swap3A_388 = vector.shape_cast %swap3A_387 : vector<16xi32> to vector<16xi32>
      %swap3A_389 = vector.shape_cast %shift_right_logical3A_385 : vector<16xi32> to vector<16xi32>
      tpu.vector_store %arg7[%swap3A_386], %swap3A_389 {strides = array<i32>} : memref<128xi32, #tpu.memory_space<vmem>>, vector<16xi32>,
      %get3A_390 = arith.index_cast %add3A_368 : i32 to index
      %get3A_391 = arith.constant 16 : index
      %get3A_392 = tpu.vector_load %arg5[%get3A_390, %get3A_391] {strides = array<i32>} : memref<41x128xi32, #tpu.memory_space<vmem>>, vector<1x16xi32>,
      %get3A_393 = vector.shape_cast %get3A_392 : vector<1x16xi32> to vector<16xi32>
      %and3A_394 = arith.constant 32767 : i32
      %and3A_395 = vector.broadcast %and3A_394 : i32 to vector<16xi32>
      %and3A_396 = arith.andi %get3A_393, %and3A_395 : vector<16xi32>
      %add3A_397 = arith.constant 0 : i32
      %add3A_398 = vector.broadcast %add3A_397 : i32 to vector<16xi32>
      %add3A_399 = arith.addi %and3A_396, %add3A_398 : vector<16xi32>
      %swap3A_400 = arith.constant 16 : index
      %swap3A_401 = tpu.vector_load %arg6[%swap3A_400] {strides = array<i32>} : memref<128xi32, #tpu.memory_space<vmem>>, vector<16xi32>,
      %swap3A_402 = vector.shape_cast %swap3A_401 : vector<16xi32> to vector<16xi32>
      %swap3A_403 = vector.shape_cast %add3A_399 : vector<16xi32> to vector<16xi32>
      tpu.vector_store %arg6[%swap3A_400], %swap3A_403 {strides = array<i32>} : memref<128xi32, #tpu.memory_space<vmem>>, vector<16xi32>,
      %shift_right_logical3A_404 = arith.constant 15 : i32
      %shift_right_logical3A_405 = vector.broadcast %shift_right_logical3A_404 : i32 to vector<16xi32>
      %shift_right_logical3A_406 = arith.shrui %get3A_393, %shift_right_logical3A_405 : vector<16xi32>
      %swap3A_407 = arith.constant 16 : index
      %swap3A_408 = tpu.vector_load %arg7[%swap3A_407] {strides = array<i32>} : memref<128xi32, #tpu.memory_space<vmem>>, vector<16xi32>,
      %swap3A_409 = vector.shape_cast %swap3A_408 : vector<16xi32> to vector<16xi32>
      %swap3A_410 = vector.shape_cast %shift_right_logical3A_406 : vector<16xi32> to vector<16xi32>
      tpu.vector_store %arg7[%swap3A_407], %swap3A_410 {strides = array<i32>} : memref<128xi32, #tpu.memory_space<vmem>>, vector<16xi32>,
      %get3A_411 = arith.index_cast %add3A_368 : i32 to index
      %get3A_412 = arith.constant 32 : index
      %get3A_413 = tpu.vector_load %arg5[%get3A_411, %get3A_412] {strides = array<i32>} : memref<41x128xi32, #tpu.memory_space<vmem>>, vector<1x16xi32>,
      %get3A_414 = vector.shape_cast %get3A_413 : vector<1x16xi32> to vector<16xi32>
      %and3A_415 = arith.constant 32767 : i32
      %and3A_416 = vector.broadcast %and3A_415 : i32 to vector<16xi32>
      %and3A_417 = arith.andi %get3A_414, %and3A_416 : vector<16xi32>
      %add3A_418 = arith.constant 0 : i32
      %add3A_419 = vector.broadcast %add3A_418 : i32 to vector<16xi32>
      %add3A_420 = arith.addi %and3A_417, %add3A_419 : vector<16xi32>
      %swap3A_421 = arith.constant 32 : index
      %swap3A_422 = tpu.vector_load %arg6[%swap3A_421] {strides = array<i32>} : memref<128xi32, #tpu.memory_space<vmem>>, vector<16xi32>,
      %swap3A_423 = vector.shape_cast %swap3A_422 : vector<16xi32> to vector<16xi32>
      %swap3A_424 = vector.shape_cast %add3A_420 : vector<16xi32> to vector<16xi32>
      tpu.vector_store %arg6[%swap3A_421], %swap3A_424 {strides = array<i32>} : memref<128xi32, #tpu.memory_space<vmem>>, vector<16xi32>,
      %shift_right_logical3A_425 = arith.constant 15 : i32
      %shift_right_logical3A_426 = vector.broadcast %shift_right_logical3A_425 : i32 to vector<16xi32>
      %shift_right_logical3A_427 = arith.shrui %get3A_414, %shift_right_logical3A_426 : vector<16xi32>
      %swap3A_428 = arith.constant 32 : index
      %swap3A_429 = tpu.vector_load %arg7[%swap3A_428] {strides = array<i32>} : memref<128xi32, #tpu.memory_space<vmem>>, vector<16xi32>,
      %swap3A_430 = vector.shape_cast %swap3A_429 : vector<16xi32> to vector<16xi32>
      %swap3A_431 = vector.shape_cast %shift_right_logical3A_427 : vector<16xi32> to vector<16xi32>
      tpu.vector_store %arg7[%swap3A_428], %swap3A_431 {strides = array<i32>} : memref<128xi32, #tpu.memory_space<vmem>>, vector<16xi32>,
      %get3A_432 = arith.index_cast %add3A_368 : i32 to index
      %get3A_433 = arith.constant 48 : index
      %get3A_434 = tpu.vector_load %arg5[%get3A_432, %get3A_433] {strides = array<i32>} : memref<41x128xi32, #tpu.memory_space<vmem>>, vector<1x16xi32>,
      %get3A_435 = vector.shape_cast %get3A_434 : vector<1x16xi32> to vector<16xi32>
      %and3A_436 = arith.constant 32767 : i32
      %and3A_437 = vector.broadcast %and3A_436 : i32 to vector<16xi32>
      %and3A_438 = arith.andi %get3A_435, %and3A_437 : vector<16xi32>
      %add3A_439 = arith.constant 0 : i32
      %add3A_440 = vector.broadcast %add3A_439 : i32 to vector<16xi32>
      %add3A_441 = arith.addi %and3A_438, %add3A_440 : vector<16xi32>
      %swap3A_442 = arith.constant 48 : index
      %swap3A_443 = tpu.vector_load %arg6[%swap3A_442] {strides = array<i32>} : memref<128xi32, #tpu.memory_space<vmem>>, vector<16xi32>,
      %swap3A_444 = vector.shape_cast %swap3A_443 : vector<16xi32> to vector<16xi32>
      %swap3A_445 = vector.shape_cast %add3A_441 : vector<16xi32> to vector<16xi32>
      tpu.vector_store %arg6[%swap3A_442], %swap3A_445 {strides = array<i32>} : memref<128xi32, #tpu.memory_space<vmem>>, vector<16xi32>,
      %shift_right_logical3A_446 = arith.constant 15 : i32
      %shift_right_logical3A_447 = vector.broadcast %shift_right_logical3A_446 : i32 to vector<16xi32>
      %shift_right_logical3A_448 = arith.shrui %get3A_435, %shift_right_logical3A_447 : vector<16xi32>
      %swap3A_449 = arith.constant 48 : index
      %swap3A_450 = tpu.vector_load %arg7[%swap3A_449] {strides = array<i32>} : memref<128xi32, #tpu.memory_space<vmem>>, vector<16xi32>,
      %swap3A_451 = vector.shape_cast %swap3A_450 : vector<16xi32> to vector<16xi32>
      %swap3A_452 = vector.shape_cast %shift_right_logical3A_448 : vector<16xi32> to vector<16xi32>
      tpu.vector_store %arg7[%swap3A_449], %swap3A_452 {strides = array<i32>} : memref<128xi32, #tpu.memory_space<vmem>>, vector<16xi32>,
      %get3A_453 = arith.index_cast %add3A_368 : i32 to index
      %get3A_454 = arith.constant 64 : index
      %get3A_455 = tpu.vector_load %arg5[%get3A_453, %get3A_454] {strides = array<i32>} : memref<41x128xi32, #tpu.memory_space<vmem>>, vector<1x16xi32>,
      %get3A_456 = vector.shape_cast %get3A_455 : vector<1x16xi32> to vector<16xi32>
      %and3A_457 = arith.constant 32767 : i32
      %and3A_458 = vector.broadcast %and3A_457 : i32 to vector<16xi32>
      %and3A_459 = arith.andi %get3A_456, %and3A_458 : vector<16xi32>
      %add3A_460 = arith.constant 0 : i32
      %add3A_461 = vector.broadcast %add3A_460 : i32 to vector<16xi32>
      %add3A_462 = arith.addi %and3A_459, %add3A_461 : vector<16xi32>
      %swap3A_463 = arith.constant 64 : index
      %swap3A_464 = tpu.vector_load %arg6[%swap3A_463] {strides = array<i32>} : memref<128xi32, #tpu.memory_space<vmem>>, vector<16xi32>,
      %swap3A_465 = vector.shape_cast %swap3A_464 : vector<16xi32> to vector<16xi32>
      %swap3A_466 = vector.shape_cast %add3A_462 : vector<16xi32> to vector<16xi32>
      tpu.vector_store %arg6[%swap3A_463], %swap3A_466 {strides = array<i32>} : memref<128xi32, #tpu.memory_space<vmem>>, vector<16xi32>,
      %shift_right_logical3A_467 = arith.constant 15 : i32
      %shift_right_logical3A_468 = vector.broadcast %shift_right_logical3A_467 : i32 to vector<16xi32>
      %shift_right_logical3A_469 = arith.shrui %get3A_456, %shift_right_logical3A_468 : vector<16xi32>
      %swap3A_470 = arith.constant 64 : index
      %swap3A_471 = tpu.vector_load %arg7[%swap3A_470] {strides = array<i32>} : memref<128xi32, #tpu.memory_space<vmem>>, vector<16xi32>,
      %swap3A_472 = vector.shape_cast %swap3A_471 : vector<16xi32> to vector<16xi32>
      %swap3A_473 = vector.shape_cast %shift_right_logical3A_469 : vector<16xi32> to vector<16xi32>
      tpu.vector_store %arg7[%swap3A_470], %swap3A_473 {strides = array<i32>} : memref<128xi32, #tpu.memory_space<vmem>>, vector<16xi32>,
      %get3A_474 = arith.index_cast %add3A_368 : i32 to index
      %get3A_475 = arith.constant 80 : index
      %get3A_476 = tpu.vector_load %arg5[%get3A_474, %get3A_475] {strides = array<i32>} : memref<41x128xi32, #tpu.memory_space<vmem>>, vector<1x16xi32>,
      %get3A_477 = vector.shape_cast %get3A_476 : vector<1x16xi32> to vector<16xi32>
      %and3A_478 = arith.constant 32767 : i32
      %and3A_479 = vector.broadcast %and3A_478 : i32 to vector<16xi32>
      %and3A_480 = arith.andi %get3A_477, %and3A_479 : vector<16xi32>
      %add3A_481 = arith.constant 0 : i32
      %add3A_482 = vector.broadcast %add3A_481 : i32 to vector<16xi32>
      %add3A_483 = arith.addi %and3A_480, %add3A_482 : vector<16xi32>
      %swap3A_484 = arith.constant 80 : index
      %swap3A_485 = tpu.vector_load %arg6[%swap3A_484] {strides = array<i32>} : memref<128xi32, #tpu.memory_space<vmem>>, vector<16xi32>,
      %swap3A_486 = vector.shape_cast %swap3A_485 : vector<16xi32> to vector<16xi32>
      %swap3A_487 = vector.shape_cast %add3A_483 : vector<16xi32> to vector<16xi32>
      tpu.vector_store %arg6[%swap3A_484], %swap3A_487 {strides = array<i32>} : memref<128xi32, #tpu.memory_space<vmem>>, vector<16xi32>,
      %shift_right_logical3A_488 = arith.constant 15 : i32
      %shift_right_logical3A_489 = vector.broadcast %shift_right_logical3A_488 : i32 to vector<16xi32>
      %shift_right_logical3A_490 = arith.shrui %get3A_477, %shift_right_logical3A_489 : vector<16xi32>
      %swap3A_491 = arith.constant 80 : index
      %swap3A_492 = tpu.vector_load %arg7[%swap3A_491] {strides = array<i32>} : memref<128xi32, #tpu.memory_space<vmem>>, vector<16xi32>,
      %swap3A_493 = vector.shape_cast %swap3A_492 : vector<16xi32> to vector<16xi32>
      %swap3A_494 = vector.shape_cast %shift_right_logical3A_490 : vector<16xi32> to vector<16xi32>
      tpu.vector_store %arg7[%swap3A_491], %swap3A_494 {strides = array<i32>} : memref<128xi32, #tpu.memory_space<vmem>>, vector<16xi32>,
      %get3A_495 = arith.index_cast %add3A_368 : i32 to index
      %get3A_496 = arith.constant 96 : index
      %get3A_497 = tpu.vector_load %arg5[%get3A_495, %get3A_496] {strides = array<i32>} : memref<41x128xi32, #tpu.memory_space<vmem>>, vector<1x16xi32>,
      %get3A_498 = vector.shape_cast %get3A_497 : vector<1x16xi32> to vector<16xi32>
      %and3A_499 = arith.constant 32767 : i32
      %and3A_500 = vector.broadcast %and3A_499 : i32 to vector<16xi32>
      %and3A_501 = arith.andi %get3A_498, %and3A_500 : vector<16xi32>
      %add3A_502 = arith.constant 0 : i32
      %add3A_503 = vector.broadcast %add3A_502 : i32 to vector<16xi32>
      %add3A_504 = arith.addi %and3A_501, %add3A_503 : vector<16xi32>
      %swap3A_505 = arith.constant 96 : index
      %swap3A_506 = tpu.vector_load %arg6[%swap3A_505] {strides = array<i32>} : memref<128xi32, #tpu.memory_space<vmem>>, vector<16xi32>,
      %swap3A_507 = vector.shape_cast %swap3A_506 : vector<16xi32> to vector<16xi32>
      %swap3A_508 = vector.shape_cast %add3A_504 : vector<16xi32> to vector<16xi32>
      tpu.vector_store %arg6[%swap3A_505], %swap3A_508 {strides = array<i32>} : memref<128xi32, #tpu.memory_space<vmem>>, vector<16xi32>,
      %shift_right_logical3A_509 = arith.constant 15 : i32
      %shift_right_logical3A_510 = vector.broadcast %shift_right_logical3A_509 : i32 to vector<16xi32>
      %shift_right_logical3A_511 = arith.shrui %get3A_498, %shift_right_logical3A_510 : vector<16xi32>
      %swap3A_512 = arith.constant 96 : index
      %swap3A_513 = tpu.vector_load %arg7[%swap3A_512] {strides = array<i32>} : memref<128xi32, #tpu.memory_space<vmem>>, vector<16xi32>,
      %swap3A_514 = vector.shape_cast %swap3A_513 : vector<16xi32> to vector<16xi32>
      %swap3A_515 = vector.shape_cast %shift_right_logical3A_511 : vector<16xi32> to vector<16xi32>
      tpu.vector_store %arg7[%swap3A_512], %swap3A_515 {strides = array<i32>} : memref<128xi32, #tpu.memory_space<vmem>>, vector<16xi32>,
      %get3A_516 = arith.index_cast %add3A_368 : i32 to index
      %get3A_517 = arith.constant 112 : index
      %get3A_518 = tpu.vector_load %arg5[%get3A_516, %get3A_517] {strides = array<i32>} : memref<41x128xi32, #tpu.memory_space<vmem>>, vector<1x16xi32>,
      %get3A_519 = vector.shape_cast %get3A_518 : vector<1x16xi32> to vector<16xi32>
      %and3A_520 = arith.constant 32767 : i32
      %and3A_521 = vector.broadcast %and3A_520 : i32 to vector<16xi32>
      %and3A_522 = arith.andi %get3A_519, %and3A_521 : vector<16xi32>
      %add3A_523 = arith.constant 0 : i32
      %add3A_524 = vector.broadcast %add3A_523 : i32 to vector<16xi32>
      %add3A_525 = arith.addi %and3A_522, %add3A_524 : vector<16xi32>
      %swap3A_526 = arith.constant 112 : index
      %swap3A_527 = tpu.vector_load %arg6[%swap3A_526] {strides = array<i32>} : memref<128xi32, #tpu.memory_space<vmem>>, vector<16xi32>,
      %swap3A_528 = vector.shape_cast %swap3A_527 : vector<16xi32> to vector<16xi32>
      %swap3A_529 = vector.shape_cast %add3A_525 : vector<16xi32> to vector<16xi32>
      tpu.vector_store %arg6[%swap3A_526], %swap3A_529 {strides = array<i32>} : memref<128xi32, #tpu.memory_space<vmem>>, vector<16xi32>,
      %shift_right_logical3A_530 = arith.constant 15 : i32
      %shift_right_logical3A_531 = vector.broadcast %shift_right_logical3A_530 : i32 to vector<16xi32>
      %shift_right_logical3A_532 = arith.shrui %get3A_519, %shift_right_logical3A_531 : vector<16xi32>
      %swap3A_533 = arith.constant 112 : index
      %swap3A_534 = tpu.vector_load %arg7[%swap3A_533] {strides = array<i32>} : memref<128xi32, #tpu.memory_space<vmem>>, vector<16xi32>,
      %swap3A_535 = vector.shape_cast %swap3A_534 : vector<16xi32> to vector<16xi32>
      %swap3A_536 = vector.shape_cast %shift_right_logical3A_532 : vector<16xi32> to vector<16xi32>
      tpu.vector_store %arg7[%swap3A_533], %swap3A_536 {strides = array<i32>} : memref<128xi32, #tpu.memory_space<vmem>>, vector<16xi32>,
      %dma_start3A_537 = arith.constant 0 : i32
      %dma_start3A_538 = arith.constant 0 : i32
      %dma_start3A_539 = tpu.memref_slice %arg2[%dma_start3A_537, %dma_start3A_538] : memref<10240x128xf32, #tpu.memory_space<hbm>> -> memref<10240x128xf32, #tpu.memory_space<hbm>>
      tpu.enqueue_indirect_dma source(%dma_start3A_539 : memref<10240x128xf32, #tpu.memory_space<hbm>>) target(%arg10 : memref<128x128xf32, #tpu.memory_space<vmem>>) offsets(%arg6 : memref<128xi32, #tpu.memory_space<vmem>>) semaphore(%arg13 : memref<!tpu.dma_semaphore, #tpu.memory_space<semaphore_mem>>)
      %dma_wait3A_540 = arith.constant 0 : i32
      %dma_wait3A_541 = arith.constant 0 : i32
      %dma_wait3A_542 = tpu.memref_slice %arg2[%dma_wait3A_540, %dma_wait3A_541] : memref<10240x128xf32, #tpu.memory_space<hbm>> -> memref<10240x128xf32, #tpu.memory_space<hbm>>
      tpu.wait_indirect_dma semaphore(%arg14 : memref<!tpu.dma_semaphore, #tpu.memory_space<semaphore_mem>>) src(%dma_wait3A_542 : memref<10240x128xf32, #tpu.memory_space<hbm>>) dst(%arg11 : memref<128x128xf32, #tpu.memory_space<vmem>>)
      "tpu.region"() ({
        %run_scoped3A = tpu.sem_alloc : memref<!tpu.dma_semaphore, #tpu.memory_space<semaphore_mem>>
        %dma_start3A_543 = arith.constant 0 : i32
        %dma_start3A_544 = arith.constant 0 : i32
        %dma_start3A_545 = tpu.memref_slice %arg12[%dma_start3A_543, %dma_start3A_544] : memref<10240x128xf32, #tpu.memory_space<vmem_shared>> -> memref<10240x128xf32, #tpu.memory_space<vmem_shared>>
        tpu.enqueue_indirect_dma source(%arg11 : memref<128x128xf32, #tpu.memory_space<vmem>>) target(%dma_start3A_545 : memref<10240x128xf32, #tpu.memory_space<vmem_shared>>) offsets(%arg9 : memref<128xi32, #tpu.memory_space<vmem>>) semaphore(%run_scoped3A : memref<!tpu.dma_semaphore, #tpu.memory_space<semaphore_mem>>) {add = true}
        %dma_wait3A_546 = arith.constant 0 : i32
        %dma_wait3A_547 = arith.constant 0 : i32
        %dma_wait3A_548 = tpu.memref_slice %arg12[%dma_wait3A_546, %dma_wait3A_547] : memref<10240x128xf32, #tpu.memory_space<vmem_shared>> -> memref<10240x128xf32, #tpu.memory_space<vmem_shared>>
        tpu.wait_indirect_dma semaphore(%run_scoped3A : memref<!tpu.dma_semaphore, #tpu.memory_space<semaphore_mem>>) src(%arg11 : memref<128x128xf32, #tpu.memory_space<vmem>>) dst(%dma_wait3A_548 : memref<10240x128xf32, #tpu.memory_space<vmem_shared>>)
        tpu.yield
      }) : () -> ()
    }
    %scan3A_180 = arith.constant 20 : i32
    %dma_wait3A = arith.constant 0 : i32
    %dma_wait3A_181 = arith.constant 0 : i32
    %dma_wait3A_182 = tpu.memref_slice %arg2[%dma_wait3A, %dma_wait3A_181] : memref<10240x128xf32, #tpu.memory_space<hbm>> -> memref<10240x128xf32, #tpu.memory_space<hbm>>
    tpu.wait_indirect_dma semaphore(%arg13 : memref<!tpu.dma_semaphore, #tpu.memory_space<semaphore_mem>>) src(%dma_wait3A_182 : memref<10240x128xf32, #tpu.memory_space<hbm>>) dst(%arg10 : memref<128x128xf32, #tpu.memory_space<vmem>>)
    "tpu.region"() ({
      %run_scoped3A = tpu.sem_alloc : memref<!tpu.dma_semaphore, #tpu.memory_space<semaphore_mem>>
      %dma_start3A_188 = arith.constant 0 : i32
      %dma_start3A_189 = arith.constant 0 : i32
      %dma_start3A_190 = tpu.memref_slice %arg12[%dma_start3A_188, %dma_start3A_189] : memref<10240x128xf32, #tpu.memory_space<vmem_shared>> -> memref<10240x128xf32, #tpu.memory_space<vmem_shared>>
      tpu.enqueue_indirect_dma source(%arg10 : memref<128x128xf32, #tpu.memory_space<vmem>>) target(%dma_start3A_190 : memref<10240x128xf32, #tpu.memory_space<vmem_shared>>) offsets(%arg7 : memref<128xi32, #tpu.memory_space<vmem>>) semaphore(%run_scoped3A : memref<!tpu.dma_semaphore, #tpu.memory_space<semaphore_mem>>) {add = true}
      %dma_wait3A_191 = arith.constant 0 : i32
      %dma_wait3A_192 = arith.constant 0 : i32
      %dma_wait3A_193 = tpu.memref_slice %arg12[%dma_wait3A_191, %dma_wait3A_192] : memref<10240x128xf32, #tpu.memory_space<vmem_shared>> -> memref<10240x128xf32, #tpu.memory_space<vmem_shared>>
      tpu.wait_indirect_dma semaphore(%run_scoped3A : memref<!tpu.dma_semaphore, #tpu.memory_space<semaphore_mem>>) src(%arg10 : memref<128x128xf32, #tpu.memory_space<vmem>>) dst(%dma_wait3A_193 : memref<10240x128xf32, #tpu.memory_space<vmem_shared>>)
      tpu.yield
    }) : () -> ()
    %barrier3A_183 = arith.constant 0 : index
    tpu.barrier barrier_id(%barrier3A_183)
    %mul3A_184 = arith.constant 640 : i32
    %mul3A_185 = arith.muli %arg1, %mul3A_184 : i32
    %mul3A_186 = arith.constant 640 : i32
    %mul3A_187 = arith.muli %arg1, %mul3A_186 : i32
    "tpu.region"() ({
      %run_scoped3A = tpu.sem_alloc : memref<!tpu.dma_semaphore, #tpu.memory_space<semaphore_mem>>
      %dma_start3A_188 = arith.constant 0 : i32
      %dma_start3A_189 = tpu.memref_slice %arg4[%arg0, %mul3A_187, %dma_start3A_188] : memref<2x10240x128xf32, #tpu.memory_space<hbm>> -> memref<1x640x128xf32, #tpu.memory_space<hbm>>
      %dma_start3A_190 = tpu.memref_squeeze %dma_start3A_189 : memref<1x640x128xf32, #tpu.memory_space<hbm>> -> memref<640x128xf32, #tpu.memory_space<hbm>>
      %dma_start3A_191 = arith.constant 0 : i32
      %dma_start3A_192 = tpu.memref_slice %arg12[%mul3A_185, %dma_start3A_191] : memref<10240x128xf32, #tpu.memory_space<vmem_shared>> -> memref<640x128xf32, #tpu.memory_space<vmem_shared>>
      tpu.enqueue_dma source(%dma_start3A_192 : memref<640x128xf32, #tpu.memory_space<vmem_shared>>) target(%dma_start3A_190 : memref<640x128xf32, #tpu.memory_space<hbm>>) target_semaphore(%run_scoped3A : memref<!tpu.dma_semaphore, #tpu.memory_space<semaphore_mem>>)
      %dma_wait3A_193 = arith.constant 0 : i32
      %dma_wait3A_194 = tpu.memref_slice %arg4[%arg0, %mul3A_187, %dma_wait3A_193] : memref<2x10240x128xf32, #tpu.memory_space<hbm>> -> memref<1x640x128xf32, #tpu.memory_space<hbm>>
      %dma_wait3A_195 = tpu.memref_squeeze %dma_wait3A_194 : memref<1x640x128xf32, #tpu.memory_space<hbm>> -> memref<640x128xf32, #tpu.memory_space<hbm>>
      %dma_wait3A_196 = arith.constant 0 : i32
      %dma_wait3A_197 = tpu.memref_slice %arg12[%mul3A_185, %dma_wait3A_196] : memref<10240x128xf32, #tpu.memory_space<vmem_shared>> -> memref<640x128xf32, #tpu.memory_space<vmem_shared>>
      tpu.wait_dma2 semaphore(%run_scoped3A : memref<!tpu.dma_semaphore, #tpu.memory_space<semaphore_mem>>) src(%dma_wait3A_197 : memref<640x128xf32, #tpu.memory_space<vmem_shared>>) dst(%dma_wait3A_195 : memref<640x128xf32, #tpu.memory_space<hbm>>)
      tpu.yield
    }) : () -> ()
    return
  }
}

module attributes {stable_mosaic.version = 14 : i64} {
  func.func @body(%arg0: i32, %arg1: memref<2x1x5120xf32, #tpu.memory_space<vmem>>, %arg2: memref<5120x256xf32, #tpu.memory_space<vmem>>, %arg3: memref<2x5120x128xf32, #tpu.memory_space<vmem>>, %arg4: memref<5120x1xf32, #tpu.memory_space<vmem>>) attributes {dimension_semantics = [#tpu.dimension_semantics<arbitrary>], iteration_bounds = array<i64: 2>, scalar_prefetch = 0 : i64, scratch_operands = 0 : i64, tpu.core_type = #tpu.core_type<tc>, window_params = [{transform_indices = @transform_0, window_bounds = array<i64: 2, 1, 5120>}, {transform_indices = @transform_1, window_bounds = array<i64: 5120, 256>}, {transform_indices = @transform_2, window_bounds = array<i64: 2, 5120, 128>}, {transform_indices = @transform_3, window_bounds = array<i64: 5120, 1>}]} {
    %get3A = arith.constant 0 : index
    %get3A_0 = arith.constant 0 : index
    %get3A_1 = arith.constant 0 : index
    %get3A_2 = vector.load %arg1[%get3A, %get3A_0, %get3A_1] : memref<2x1x5120xf32, #tpu.memory_space<vmem>>, vector<1x1x5120xf32>
    %get3A_3 = vector.shape_cast %get3A_2 : vector<1x1x5120xf32> to vector<1x5120xf32>
    %get3A_4 = arith.constant 1 : index
    %get3A_5 = arith.constant 0 : index
    %get3A_6 = arith.constant 0 : index
    %get3A_7 = vector.load %arg1[%get3A_4, %get3A_5, %get3A_6] : memref<2x1x5120xf32, #tpu.memory_space<vmem>>, vector<1x1x5120xf32>
    %get3A_8 = vector.shape_cast %get3A_7 : vector<1x1x5120xf32> to vector<1x5120xf32>
    %add3A = arith.addf %get3A_3, %get3A_8 : vector<1x5120xf32>
    %add3A_9 = arith.constant 1.000000e+00 : f32
    %add3A_10 = vector.broadcast %add3A_9 : f32 to vector<1x5120xf32>
    %add3A_11 = arith.addf %add3A, %add3A_10 : vector<1x5120xf32>
    %rsqrt3A = math.rsqrt %add3A_11 : vector<1x5120xf32>
    %transpose3A = tpu.transpose %rsqrt3A, [1, 0] : vector<1x5120xf32> -> vector<5120x1xf32>
    %get3A_12 = arith.constant 0 : index
    %get3A_13 = arith.constant 0 : index
    %get3A_14 = vector.load %arg2[%get3A_12, %get3A_13] : memref<5120x256xf32, #tpu.memory_space<vmem>>, vector<5120x256xf32>
    %mul3A = vector.broadcast %transpose3A : vector<5120x1xf32> to vector<5120x256xf32>
    %mul3A_15 = arith.mulf %get3A_14, %mul3A : vector<5120x256xf32>
    %slice3A = vector.extract_strided_slice %mul3A_15 {offsets = [0, 0], sizes = [5120, 128], strides = [1, 1]} : vector<5120x256xf32> to vector<5120x128xf32>
    %swap3A = arith.constant 0 : index
    %swap3A_16 = arith.constant 0 : index
    %swap3A_17 = arith.constant 0 : index
    %swap3A_18 = vector.load %arg3[%swap3A, %swap3A_16, %swap3A_17] : memref<2x5120x128xf32, #tpu.memory_space<vmem>>, vector<1x5120x128xf32>
    %swap3A_19 = vector.shape_cast %swap3A_18 : vector<1x5120x128xf32> to vector<5120x128xf32>
    %swap3A_20 = vector.shape_cast %slice3A : vector<5120x128xf32> to vector<1x5120x128xf32>
    tpu.vector_store %arg3[%swap3A, %swap3A_16, %swap3A_17], %swap3A_20 {strides = array<i32>} : memref<2x5120x128xf32, #tpu.memory_space<vmem>>, vector<1x5120x128xf32>,
    %slice3A_21 = vector.extract_strided_slice %mul3A_15 {offsets = [0, 128], sizes = [5120, 128], strides = [1, 1]} : vector<5120x256xf32> to vector<5120x128xf32>
    %swap3A_22 = arith.constant 1 : index
    %swap3A_23 = arith.constant 0 : index
    %swap3A_24 = arith.constant 0 : index
    %swap3A_25 = vector.load %arg3[%swap3A_22, %swap3A_23, %swap3A_24] : memref<2x5120x128xf32, #tpu.memory_space<vmem>>, vector<1x5120x128xf32>
    %swap3A_26 = vector.shape_cast %swap3A_25 : vector<1x5120x128xf32> to vector<5120x128xf32>
    %swap3A_27 = vector.shape_cast %slice3A_21 : vector<5120x128xf32> to vector<1x5120x128xf32>
    tpu.vector_store %arg3[%swap3A_22, %swap3A_23, %swap3A_24], %swap3A_27 {strides = array<i32>} : memref<2x5120x128xf32, #tpu.memory_space<vmem>>, vector<1x5120x128xf32>,
    %swap3A_28 = arith.constant 0 : index
    %swap3A_29 = arith.constant 0 : index
    %swap3A_30 = vector.load %arg4[%swap3A_28, %swap3A_29] : memref<5120x1xf32, #tpu.memory_space<vmem>>, vector<5120x1xf32>
    tpu.vector_store %arg4[%swap3A_28, %swap3A_29], %transpose3A {strides = array<i32>} : memref<5120x1xf32, #tpu.memory_space<vmem>>, vector<5120x1xf32>,
    return
  }
  func.func @transform_0(%arg0: i32) -> (i32, i32, i32) {
    %c0_i32 = arith.constant 0 : i32
    %c0_i32_0 = arith.constant 0 : i32
    %c0_i32_1 = arith.constant 0 : i32
    return %c0_i32, %c0_i32_0, %arg0 : i32, i32, i32
  }
  func.func @transform_1(%arg0: i32) -> (i32, i32) {
    %c0_i32 = arith.constant 0 : i32
    %c0_i32_0 = arith.constant 0 : i32
    return %arg0, %c0_i32 : i32, i32
  }
  func.func @transform_2(%arg0: i32) -> (i32, i32, i32) {
    %c0_i32 = arith.constant 0 : i32
    %c0_i32_0 = arith.constant 0 : i32
    %c0_i32_1 = arith.constant 0 : i32
    return %c0_i32, %arg0, %c0_i32_0 : i32, i32, i32
  }
  func.func @transform_3(%arg0: i32) -> (i32, i32) {
    %c0_i32 = arith.constant 0 : i32
    %c0_i32_0 = arith.constant 0 : i32
    return %arg0, %c0_i32 : i32, i32
  }
}

module attributes {stable_mosaic.version = 14 : i64} {
  func.func @body(%arg0: i32, %arg1: memref<2x5120x128xf32, #tpu.memory_space<vmem>>, %arg2: memref<5120x128xf32, #tpu.memory_space<vmem>>, %arg3: memref<5120x1xf32, #tpu.memory_space<vmem>>, %arg4: memref<1x128xf32, #tpu.memory_space<vmem>>, %arg5: memref<5120x128xf32, #tpu.memory_space<vmem>>) attributes {dimension_semantics = [#tpu.dimension_semantics<arbitrary>], iteration_bounds = array<i64: 2>, scalar_prefetch = 0 : i64, scratch_operands = 0 : i64, tpu.core_type = #tpu.core_type<tc>, window_params = [{transform_indices = @transform_0, window_bounds = array<i64: 2, 5120, 128>}, {transform_indices = @transform_1, window_bounds = array<i64: 5120, 128>}, {transform_indices = @transform_2, window_bounds = array<i64: 5120, 1>}, {pipeline_mode = #tpu.pipeline_mode<synchronous>, transform_indices = @transform_3, window_bounds = array<i64: 1, 128>}, {transform_indices = @transform_4, window_bounds = array<i64: 5120, 128>}]} {
    %get3A = arith.constant 0 : index
    %get3A_0 = arith.constant 0 : index
    %get3A_1 = vector.load %arg3[%get3A, %get3A_0] : memref<5120x1xf32, #tpu.memory_space<vmem>>, vector<5120x1xf32>
    %get3A_2 = arith.constant 0 : index
    %get3A_3 = arith.constant 0 : index
    %get3A_4 = arith.constant 0 : index
    %get3A_5 = vector.load %arg1[%get3A_2, %get3A_3, %get3A_4] : memref<2x5120x128xf32, #tpu.memory_space<vmem>>, vector<1x5120x128xf32>
    %get3A_6 = vector.shape_cast %get3A_5 : vector<1x5120x128xf32> to vector<5120x128xf32>
    %get3A_7 = arith.constant 1 : index
    %get3A_8 = arith.constant 0 : index
    %get3A_9 = arith.constant 0 : index
    %get3A_10 = vector.load %arg1[%get3A_7, %get3A_8, %get3A_9] : memref<2x5120x128xf32, #tpu.memory_space<vmem>>, vector<1x5120x128xf32>
    %get3A_11 = vector.shape_cast %get3A_10 : vector<1x5120x128xf32> to vector<5120x128xf32>
    %add3A = arith.addf %get3A_6, %get3A_11 : vector<5120x128xf32>
    %get3A_12 = arith.constant 0 : index
    %get3A_13 = arith.constant 0 : index
    %get3A_14 = vector.load %arg2[%get3A_12, %get3A_13] : memref<5120x128xf32, #tpu.memory_space<vmem>>, vector<5120x128xf32>
    %sub3A = arith.subf %add3A, %get3A_14 : vector<5120x128xf32>
    %mul3A = vector.broadcast %get3A_1 : vector<5120x1xf32> to vector<5120x128xf32>
    %mul3A_15 = arith.mulf %sub3A, %mul3A : vector<5120x128xf32>
    %get3A_16 = arith.constant 0 : index
    %get3A_17 = arith.constant 0 : index
    %get3A_18 = vector.load %arg4[%get3A_16, %get3A_17] : memref<1x128xf32, #tpu.memory_space<vmem>>, vector<1x128xf32>
    %add3A_19 = vector.broadcast %get3A_18 : vector<1x128xf32> to vector<5120x128xf32>
    %add3A_20 = arith.addf %mul3A_15, %add3A_19 : vector<5120x128xf32>
    %swap3A = arith.constant 0 : index
    %swap3A_21 = arith.constant 0 : index
    %swap3A_22 = vector.load %arg5[%swap3A, %swap3A_21] : memref<5120x128xf32, #tpu.memory_space<vmem>>, vector<5120x128xf32>
    tpu.vector_store %arg5[%swap3A, %swap3A_21], %add3A_20 {strides = array<i32>} : memref<5120x128xf32, #tpu.memory_space<vmem>>, vector<5120x128xf32>,
    return
  }
  func.func @transform_0(%arg0: i32) -> (i32, i32, i32) {
    %c0_i32 = arith.constant 0 : i32
    %c0_i32_0 = arith.constant 0 : i32
    %c0_i32_1 = arith.constant 0 : i32
    return %c0_i32, %arg0, %c0_i32_0 : i32, i32, i32
  }
  func.func @transform_1(%arg0: i32) -> (i32, i32) {
    %c0_i32 = arith.constant 0 : i32
    %c0_i32_0 = arith.constant 0 : i32
    return %arg0, %c0_i32 : i32, i32
  }
  func.func @transform_2(%arg0: i32) -> (i32, i32) {
    %c0_i32 = arith.constant 0 : i32
    %c0_i32_0 = arith.constant 0 : i32
    return %arg0, %c0_i32 : i32, i32
  }
  func.func @transform_3(%arg0: i32) -> (i32, i32) {
    %c0_i32 = arith.constant 0 : i32
    %c0_i32_0 = arith.constant 0 : i32
    %c0_i32_1 = arith.constant 0 : i32
    return %c0_i32, %c0_i32_0 : i32, i32
  }
  func.func @transform_4(%arg0: i32) -> (i32, i32) {
    %c0_i32 = arith.constant 0 : i32
    %c0_i32_0 = arith.constant 0 : i32
    return %arg0, %c0_i32 : i32, i32
  }
}

module attributes {stable_mosaic.version = 14 : i64} {
  func.func @body(%arg0: i32, %arg1: memref<2x5120x128xf32, #tpu.memory_space<vmem>>, %arg2: memref<5120x1xf32, #tpu.memory_space<vmem>>, %arg3: memref<256x512xf32, #tpu.memory_space<vmem>>, %arg4: memref<1x512xf32, #tpu.memory_space<vmem>>, %arg5: memref<512x128xf32, #tpu.memory_space<vmem>>, %arg6: memref<5120x128xf32, #tpu.memory_space<vmem>>) attributes {dimension_semantics = [#tpu.dimension_semantics<arbitrary>], iteration_bounds = array<i64: 2>, scalar_prefetch = 0 : i64, scratch_operands = 0 : i64, tpu.core_type = #tpu.core_type<tc>, window_params = [{transform_indices = @transform_0, window_bounds = array<i64: 2, 5120, 128>}, {transform_indices = @transform_1, window_bounds = array<i64: 5120, 1>}, {pipeline_mode = #tpu.pipeline_mode<synchronous>, transform_indices = @transform_2, window_bounds = array<i64: 256, 512>}, {pipeline_mode = #tpu.pipeline_mode<synchronous>, transform_indices = @transform_3, window_bounds = array<i64: 1, 512>}, {pipeline_mode = #tpu.pipeline_mode<synchronous>, transform_indices = @transform_4, window_bounds = array<i64: 512, 128>}, {transform_indices = @transform_5, window_bounds = array<i64: 5120, 128>}]} {
    %get3A = arith.constant 0 : index
    %get3A_0 = arith.constant 0 : index
    %get3A_1 = vector.load %arg2[%get3A, %get3A_0] : memref<5120x1xf32, #tpu.memory_space<vmem>>, vector<5120x1xf32>
    %get3A_2 = arith.constant 0 : index
    %get3A_3 = arith.constant 0 : index
    %get3A_4 = arith.constant 0 : index
    %get3A_5 = vector.load %arg1[%get3A_2, %get3A_3, %get3A_4] : memref<2x5120x128xf32, #tpu.memory_space<vmem>>, vector<1x5120x128xf32>
    %get3A_6 = vector.shape_cast %get3A_5 : vector<1x5120x128xf32> to vector<5120x128xf32>
    %mul3A = vector.broadcast %get3A_1 : vector<5120x1xf32> to vector<5120x128xf32>
    %mul3A_7 = arith.mulf %get3A_6, %mul3A : vector<5120x128xf32>
    %convert_element_type3A = arith.truncf %mul3A_7 : vector<5120x128xf32> to vector<5120x128xbf16>
    %get3A_8 = arith.constant 1 : index
    %get3A_9 = arith.constant 0 : index
    %get3A_10 = arith.constant 0 : index
    %get3A_11 = vector.load %arg1[%get3A_8, %get3A_9, %get3A_10] : memref<2x5120x128xf32, #tpu.memory_space<vmem>>, vector<1x5120x128xf32>
    %get3A_12 = vector.shape_cast %get3A_11 : vector<1x5120x128xf32> to vector<5120x128xf32>
    %mul3A_13 = vector.broadcast %get3A_1 : vector<5120x1xf32> to vector<5120x128xf32>
    %mul3A_14 = arith.mulf %get3A_12, %mul3A_13 : vector<5120x128xf32>
    %convert_element_type3A_15 = arith.truncf %mul3A_14 : vector<5120x128xf32> to vector<5120x128xbf16>
    %get3A_16 = arith.constant 0 : index
    %get3A_17 = arith.constant 0 : index
    %get3A_18 = vector.load %arg3[%get3A_16, %get3A_17] : memref<256x512xf32, #tpu.memory_space<vmem>>, vector<256x512xf32>
    %convert_element_type3A_19 = arith.truncf %get3A_18 : vector<256x512xf32> to vector<256x512xbf16>
    %slice3A = vector.extract_strided_slice %convert_element_type3A_19 {offsets = [0, 0], sizes = [128, 512], strides = [1, 1]} : vector<256x512xbf16> to vector<128x512xbf16>
    %dot_general3A = arith.constant dense<0.000000e+00> : vector<5120x512xf32>
    %dot_general3A_20 = tpu.matmul %convert_element_type3A, %slice3A, %dot_general3A {dimension_numbers = #tpu.dot_dimension_numbers<[1], [0], [0], [1], [0, 0, 1, 1], [], []>, transpose_lhs_hint = false} : vector<5120x128xbf16>, vector<128x512xbf16>, vector<5120x512xf32> -> vector<5120x512xf32>
    %slice3A_21 = vector.extract_strided_slice %convert_element_type3A_19 {offsets = [128, 0], sizes = [128, 512], strides = [1, 1]} : vector<256x512xbf16> to vector<128x512xbf16>
    %dot_general3A_22 = arith.constant dense<0.000000e+00> : vector<5120x512xf32>
    %dot_general3A_23 = tpu.matmul %convert_element_type3A_15, %slice3A_21, %dot_general3A_22 {dimension_numbers = #tpu.dot_dimension_numbers<[1], [0], [0], [1], [0, 0, 1, 1], [], []>, transpose_lhs_hint = false} : vector<5120x128xbf16>, vector<128x512xbf16>, vector<5120x512xf32> -> vector<5120x512xf32>
    %add3A = arith.addf %dot_general3A_20, %dot_general3A_23 : vector<5120x512xf32>
    %get3A_24 = arith.constant 0 : index
    %get3A_25 = arith.constant 0 : index
    %get3A_26 = vector.load %arg4[%get3A_24, %get3A_25] : memref<1x512xf32, #tpu.memory_space<vmem>>, vector<1x512xf32>
    %add3A_27 = vector.broadcast %get3A_26 : vector<1x512xf32> to vector<5120x512xf32>
    %add3A_28 = arith.addf %add3A, %add3A_27 : vector<5120x512xf32>
    %max3A = arith.constant 0.000000e+00 : f32
    %max3A_29 = vector.broadcast %max3A : f32 to vector<5120x512xf32>
    %max3A_30 = arith.maximumf %add3A_28, %max3A_29 : vector<5120x512xf32>
    %convert_element_type3A_31 = arith.truncf %max3A_30 : vector<5120x512xf32> to vector<5120x512xbf16>
    %get3A_32 = arith.constant 0 : index
    %get3A_33 = arith.constant 0 : index
    %get3A_34 = vector.load %arg5[%get3A_32, %get3A_33] : memref<512x128xf32, #tpu.memory_space<vmem>>, vector<512x128xf32>
    %convert_element_type3A_35 = arith.truncf %get3A_34 : vector<512x128xf32> to vector<512x128xbf16>
    %dot_general3A_36 = arith.constant dense<0.000000e+00> : vector<5120x128xf32>
    %dot_general3A_37 = tpu.matmul %convert_element_type3A_31, %convert_element_type3A_35, %dot_general3A_36 {dimension_numbers = #tpu.dot_dimension_numbers<[1], [0], [0], [1], [0, 0, 1, 1], [], []>, transpose_lhs_hint = false} : vector<5120x512xbf16>, vector<512x128xbf16>, vector<5120x128xf32> -> vector<5120x128xf32>
    %mul3A_38 = vector.broadcast %get3A_1 : vector<5120x1xf32> to vector<5120x128xf32>
    %mul3A_39 = arith.mulf %dot_general3A_37, %mul3A_38 : vector<5120x128xf32>
    %swap3A = arith.constant 0 : index
    %swap3A_40 = arith.constant 0 : index
    %swap3A_41 = vector.load %arg6[%swap3A, %swap3A_40] : memref<5120x128xf32, #tpu.memory_space<vmem>>, vector<5120x128xf32>
    tpu.vector_store %arg6[%swap3A, %swap3A_40], %mul3A_39 {strides = array<i32>} : memref<5120x128xf32, #tpu.memory_space<vmem>>, vector<5120x128xf32>,
    return
  }
  func.func @transform_0(%arg0: i32) -> (i32, i32, i32) {
    %c0_i32 = arith.constant 0 : i32
    %c0_i32_0 = arith.constant 0 : i32
    %c0_i32_1 = arith.constant 0 : i32
    return %c0_i32, %arg0, %c0_i32_0 : i32, i32, i32
  }
  func.func @transform_1(%arg0: i32) -> (i32, i32) {
    %c0_i32 = arith.constant 0 : i32
    %c0_i32_0 = arith.constant 0 : i32
    return %arg0, %c0_i32 : i32, i32
  }
  func.func @transform_2(%arg0: i32) -> (i32, i32) {
    %c0_i32 = arith.constant 0 : i32
    %c0_i32_0 = arith.constant 0 : i32
    %c0_i32_1 = arith.constant 0 : i32
    return %c0_i32, %c0_i32_0 : i32, i32
  }
  func.func @transform_3(%arg0: i32) -> (i32, i32) {
    %c0_i32 = arith.constant 0 : i32
    %c0_i32_0 = arith.constant 0 : i32
    %c0_i32_1 = arith.constant 0 : i32
    return %c0_i32, %c0_i32_0 : i32, i32
  }
  func.func @transform_4(%arg0: i32) -> (i32, i32) {
    %c0_i32 = arith.constant 0 : i32
    %c0_i32_0 = arith.constant 0 : i32
    %c0_i32_1 = arith.constant 0 : i32
    return %c0_i32, %c0_i32_0 : i32, i32
  }
  func.func @transform_5(%arg0: i32) -> (i32, i32) {
    %c0_i32 = arith.constant 0 : i32
    %c0_i32_0 = arith.constant 0 : i32
    return %arg0, %c0_i32 : i32, i32
  }
}

</mosaic_0001>

<sc_bundles>
// kernel: kernel.11.cloned.1.call-start
scs
__scs_entry_jumppad:
0x0: {  	(pc) =	sbr.rel $0x88, $3  }
0x1: {  	(tag) =	ssettag $0x0;
	lr =	simm.s32 $0x1  }
0x2: {  	[smem:$0x3F9B] =	sst lr;
	_ =	strace $0xD0000000  }
0x3: {  	_ = 	snop  }
0x4: {  	_ = 	snop  }
0x5: {  	_ = 	snop  }
0x6: {  	_ = 	snop  }
0x7: {  	_ = 	snop  }
__scs_overlays_trampoline_lowered:
0x8: {  	[smem:$0x3FAA] =	sst s0  }
0x9: {  	[smem:$0x3FAB] =	sst s1  }
0xa: {  	[smem:$0x3FAC] =	sst s2  }
0xb: {  	[smem:$0x3FAD] =	sst s3  }
0xc: {  	[smem:$0x3FAE] =	sst s4  }
0xd: {  	[smem:$0x3FAF] =	sst s5  }
0xe: {  	[smem:$0x3FB0] =	sst s6  }
0xf: {  	[smem:$0x3FB1] =	sst s7  }
0x10: {  	[smem:$0x3FB2] =	sst s8  }
0x11: {  	[smem:$0x3FB3] =	sst s9;
	s0 =	simm.s32 @!p0 $0x0  }
0x12: {  	s1 =	sld [smem:$0x3F99];
	s0 =	simm.s32 @p0 $0x1  }
0x13: {  	[smem:$0x3FB4] =	sst s0;
	s0 =	simm.s32 @!p1 $0x0  }
0x14: {  	s2 =	sld [smem:$0x3F98];
	s0 =	simm.s32 @p1 $0x1  }
0x15: {  	[smem:$0x3FB5] =	sst s0;
	s0 =	simm.s32 @!p2 $0x0  }
0x16: {  	s3 =	sld [smem:$0x3FDB];
	s0 =	simm.s32 @p2 $0x1  }
0x17: {  	s4 =	simm.s32 $0x1BF5;
	[smem:$0x3FB7] =	sst s0  }
0x18: {  	s0 =	sld [smem:$0x3F9A];
	_ =	swait.ge [sflag:s4], $0x0  }
0x19: {  	s7 =	sld [smem:$0x3F9B]  }
0x1a: {  	s8 =	sadd.s32 $0xFFFFE003, lr  }
0x1b: {  	s9 =	sadd.s32 $0xFFFFFEF7, lr;
	s5 =	simm.s32 $0xFFFFFFFF;
	p2 =	slt.u32 s8, $0xFFFFF086  }
0x1c: {  	p1 =	slt.u32 s9, $0xF7A;
	s5 =	simm.s32 @!p2 $0x0  }
0x1d: {  	s5 =	simm.s32 @p1 $0x1;
	p0 =	seq.s32 s7, s2  }
0x1e: {  	s7 =	smul.u32 @!p0 $0xF7A, s2;
	p2 =	seq.s32 @!p0 s5, $0x0  }
0x1f: {  	s9 =	smul.u32 $0xF7A, s1;
	s8 =	simm.s32 @!p0 $0x1BF5;
	p2 =	por !p2, p0  }
0x20: {  	[sflag:s8] =	ssyncset.s32 @!p0 $0xFFFFF086;
	s6 =	sadd.s32 @!p0 s3, s7;
	s7 =	simm.s32 @!p0 $0x108  }
0x21: {  	s3 =	sadd.s32 s3, s9;
	s6 =	sadd.s32 @!p0 $0x88, s6;
	s7 =	simm.s32 @p2 $0x1082  }
0x22: {  	[simem:s7], [sflag:s8] =	dma.local @!p0 [hbm:s6], $0xF7A  }
0x23: {  	s9 =	sor.u32 $0xD0000000, s2;
	s6 =	simm.s32 $0x108;
	_ =	swait.ge @!p0 [sflag:s8], $0x0  }
0x24: {  	s3 =	sadd.s32 $0x88, s3;
	s6 =	simm.s32 @!p1 $0x1082;
	[sflag:s4] =	ssyncset.s32 $0xFFFFF086  }
0x25: {  	[simem:s6], [sflag:s4] =	dma.local [hbm:s3], $0xF7A  }
0x26: {  	[smem:$0x3F9B] =	sst s1;
	(tag) =	ssettag s2;
	_ =	strace s9  }
0x27: {  	s1 =	sld [smem:$0x3FAB]  }
0x28: {  	s2 =	sld [smem:$0x3FAC]  }
0x29: {  	s4 =	sld [smem:$0x3FAE]  }
0x2a: {  	p0 =	seq.s32 s5, $0x0;
	s5 =	sld [smem:$0x3FAF]  }
0x2b: {  	s6 =	sld [smem:$0x3FB0]  }
0x2c: {  	s7 =	sld [smem:$0x3FB1]  }
0x2d: {  	s3 =	simm.s32 $0x108;
	s8 =	sld [smem:$0x3FB2]  }
0x2e: {  	s3 =	simm.s32 @!p0 $0x1082;
	s9 =	sld [smem:$0x3FB3]  }
0x2f: {  	lr =	sadd.s32 s0, s3;
	s0 =	sld [smem:$0x3FAA]  }
0x30: {  	s3 =	sld [smem:$0x3FAD]  }
0x31: {  	[smem:$0x3FB6] =	sst s10  }
0x32: {  	s10 =	sld [smem:$0x3FB4];
	_ =	sdelay $0x3  }
0x33: {  	p0 =	seq.s32 s10, $0x1;
	s10 =	sld [smem:$0x3FB6];
	_ =	sdelay $0x3  }
0x34: {  	[smem:$0x3FB6] =	sst s10  }
0x35: {  	s10 =	sld [smem:$0x3FB5];
	_ =	sdelay $0x3  }
0x36: {  	p1 =	seq.s32 s10, $0x1;
	s10 =	sld [smem:$0x3FB6];
	_ =	sdelay $0x3  }
0x37: {  	[smem:$0x3FB6] =	sst s10  }
0x38: {  	s10 =	sld [smem:$0x3FB7]  }
0x39: {  	_ = 	snop;
	(pc) =	sbr.ind lr, $3  }
0x3a: {  	_ = 	snop  }
0x3b: {  	_ = 	snop  }
0x3c: {  	p2 =	seq.s32 s10, $0x1;
	s10 =	sld [smem:$0x3FB6]  }
0x3d: {  	_ =	shalt  }
0x3e: {  	_ =	shalt  }
0x3f: {  	_ =	shalt  }
0x40: {  	_ =	shalt  }
0x41: {  	_ =	shalt  }
0x42: {  	_ =	shalt  }
0x43: {  	_ =	shalt  }
0x44: {  	_ =	shalt  }
0x45: {  	_ =	shalt  }
0x46: {  	_ =	shalt  }
0x47: {  	_ =	shalt  }
0x48: {  	_ =	shalt  }
0x49: {  	_ =	shalt  }
0x4a: {  	_ =	shalt  }
0x4b: {  	_ =	shalt  }
0x4c: {  	_ =	shalt  }
0x4d: {  	_ =	shalt  }
0x4e: {  	_ =	shalt  }
0x4f: {  	_ =	shalt  }
0x50: {  	_ =	shalt  }
0x51: {  	_ =	shalt  }
0x52: {  	_ =	shalt  }
0x53: {  	_ =	shalt  }
0x54: {  	_ =	shalt  }
0x55: {  	_ =	shalt  }
0x56: {  	_ =	shalt  }
0x57: {  	_ =	shalt  }
0x58: {  	_ =	shalt  }
0x59: {  	_ =	shalt  }
0x5a: {  	_ =	shalt  }
0x5b: {  	_ =	shalt  }
0x5c: {  	_ =	shalt  }
0x5d: {  	_ =	shalt  }
0x5e: {  	_ =	shalt  }
0x5f: {  	_ =	shalt  }
0x60: {  	_ =	shalt  }
0x61: {  	_ =	shalt  }
0x62: {  	_ =	shalt  }
0x63: {  	_ =	shalt  }
0x64: {  	_ =	shalt  }
0x65: {  	_ =	shalt  }
0x66: {  	_ =	shalt  }
0x67: {  	_ =	shalt  }
0x68: {  	_ =	shalt  }
0x69: {  	_ =	shalt  }
0x6a: {  	_ =	shalt  }
0x6b: {  	_ =	shalt  }
0x6c: {  	_ =	shalt  }
0x6d: {  	_ =	shalt  }
0x6e: {  	_ =	shalt  }
0x6f: {  	_ =	shalt  }
0x70: {  	_ =	shalt  }
0x71: {  	_ =	shalt  }
0x72: {  	_ =	shalt  }
0x73: {  	_ =	shalt  }
0x74: {  	_ =	shalt  }
0x75: {  	_ =	shalt  }
0x76: {  	_ =	shalt  }
0x77: {  	_ =	shalt  }
0x78: {  	_ =	shalt  }
0x79: {  	_ =	shalt  }
0x7a: {  	_ =	shalt  }
0x7b: {  	_ =	shalt  }
0x7c: {  	_ =	shalt  }
0x7d: {  	_ =	shalt  }
0x7e: {  	_ =	shalt  }
0x7f: {  	_ =	shalt  }
0x80: {  	_ =	shalt  }
0x81: {  	_ =	shalt  }
0x82: {  	_ =	shalt  }
0x83: {  	_ =	shalt  }
0x84: {  	_ =	shalt  }
0x85: {  	_ =	shalt  }
0x86: {  	_ =	shalt  }
0x87: {  	_ =	shalt  }
.Lfunc_end0:
.L_simem_size_0:
called_computation.1_lowered:
.L_overlay_start_0:
0x88: {  	s2 =	sld [smem:$0x3FD9]  }
0x89: {  	s3 =	sld [smem:$0x3FFE];
	_ =	sdelay $0x1  }
0x8a: {  	s1 =	srdreg.scid  }
0x8b: {  	s0 =	sand.u32 $0x1, s1  }
0x8c: {  	s16 =	sshll.u32 s0, $0xA;
	s2 =	sadd.s32 s3, s2  }
0x8d: {  	s2 =	sadd.s32 s2, s16  }
0x8e: {  	[smem:$0x3FC2] =	sst s2  }
0x8f: {  	_ = 	snop  }
0x90: {  	(tm) =	ssettm $0x1  }
0x91: {  	s17 =	sld [smem:$0x3FFB];
	_ =	sdelay $0x3  }
0x92: {  	_ =	strace s17  }
0x93: {  	s2 =	sld [smem:$0x3FFC];
	_ =	sdelay $0x3  }
0x94: {  	_ =	strace s2  }
0x95: {  	s2 =	sld [smem:$0x3FFD];
	_ =	sdelay $0x3  }
0x96: {  	_ =	strace s2  }
0x97: {  	_ =	strace $0x8FFFFFFF  }
0x98: {  	s18 =	sld [smem:$0x3FDB];
	_ =	sdelay $0x1  }
0x99: {  	s19 =	simm.s32 $_scs_section_size  }
0x9a: {  	s4 =	simm.s32 $_size__tile_overlayer_lowered;
	s5 =	simm.s32 $_tile_overlayer_lowered  }
0x9b: {  	s22 =	simm.s32 $0x1BFF;
	s21 =	sshll.u32 s5, $0x1;
	s2 =	sadd.s32 s19, s18  }
0x9c: {  	s6 =	simm.s32 $0x0;
	s20 =	sshll.u32 s4, $0x1;
	s4 =	sadd.s32 s21, s2  }
0x9d: {  	[timem:s6], [sflag:s22] =	dma.local [hbm:s4], s20  }
0x9e: {  	_ =	swait.ge [sflag:s22], s20  }
0x9f: {  	s3 =	ssub.s32 $0x0, s20;
	[sflag:s22] =	ssyncset.done $0x0  }
0xa0: {  	[sflag:s22] =	ssyncadd.s32 s3;
	_ =	sdelay $0x1  }
0xa1: {  	s23 =	simm.s32 $0x1B8B  }
0xa2: {  	_ =	swait.ge [sflag:s23], $0x1  }
0xa3: {  	[sflag:s23] =	ssyncset.done $0x0  }
0xa4: {  	s25 =	simm.s32 $0x1B8E;
	s24 =	sld [smem:$0x3FFE];
	[sflag:s23] =	ssyncadd.s32 $0xFFFFFFFF  }
0xa5: {  	s26 =	simm.s32 $execute0_lowered;
	[smem:$0x3FD2] =	sst s25  }
0xa6: {  	s4 =	sshll.u32 s26, $0x1;
	_ =	strace $0x80000049;
	[dreg:$0x1] =	wrdreg $0xFFFFFFFF  }
0xa7: {  	s28 =	simm.s32 $_size_execute0_lowered;
	s2 =	sadd.s32 s2, s4;
	[dreg:$0x0] =	wrdreg $0x0  }
0xa8: {  	s4 =	sshll.u32 s28, $0x1;
	[dreg:$0x2] =	wrdreg s2  }
0xa9: {  	[dreg:$0x3] =	wrdreg s4  }
0xaa: {  	[dreg:$0x4] =	wrdreg $0xC0  }
0xab: {  	_ =	task [dreg:s6], $0x5FFFF  }
0xac: {  	[dreg:$0x1] =	wrdreg $0xFFFFFFFF  }
0xad: {  	[dreg:$0x0] =	wrdreg $0x60  }
0xae: {  	[dreg:$0x2] =	wrdreg s24  }
0xaf: {  	[dreg:$0x3] =	wrdreg $0xAA000  }
0xb0: {  	[dreg:$0x4] =	wrdreg $0x9  }
0xb1: {  	_ =	task.clear_ibuf [dreg:s6], $0x5FFFF;
	_ =	strace $0x90000049  }
0xb2: {  	s29 =	simm.s32 $0x9;
	_ =	strace $0x8000004B  }
0xb3: {  	_ =	swait.ge [sflag:s29], $0x1  }
0xb4: {  	[sflag:s29] =	ssyncadd.s32 $0xFFFFFFFF  }
0xb5: {  	_ =	strace $0x9000004B  }
0xb6: {  	_ =	sfence  }
0xb7: {  	s30 =	sld [smem:$0x0];
	_ =	sdelay $0x2  }
0xb8: {  	s31 =	sshll.u32 s1, $0xD;
	s1 =	sshrl.u32 s1, $0x2  }
0xb9: {  	s3 =	sand.u32 $0x4000, s31;
	s1 =	sadd.s32 s1, s30  }
0xba: {  	s0 =	sor.u32 s3, s0;
	s1 =	sshll.u32 s1, $0x11  }
0xbb: {  	s0 =	sor.u32 s1, s0  }
0xbc: {  	s0 =	sadd.s32 $0x8F2B, s0  }
0xbd: {  	[sflag:s0] =	ssyncadd.remote.s32 $0x1  }
0xbe: {  	_ =	sfence.sel $0xFFFF  }
0xbf: {  	[dreg:$0x0] =	wrdreg $0xFFFFFFFF;
	(pc) =	sbr.abs _section_cstart, $3  }
0xc0: {  	[dreg:$0x1] =	wrdreg $0xFFFFFFFF  }
0xc1: {  	_ =	task.clear_ibuf [dreg:s6], $0x2FFFF;
	_ =	strace $0x9FFFFFFF  }
0xc2: {  	(tm) =	ssettm $0x7FFFFFFF  }
0xc3: {  	_ =	shalt  }
tec
execute0_lowered:
.L_overlay_start_1:
0x0: {  	(tag) =	ssettag $0x1  }
0x1: {  	s5 =	rddreg [dreg:$0x0]  }
0x2: {  	s2 =	rddreg [dreg:$0x1]  }
0x3: {  	s0 =	rddreg [dreg:$0x2]  }
0x4: {  	s1 =	stileid.u32;
	s4 =	srdreg.scid;
	s3 =	simm.s32 $0x0  }
0x5: {  	s12 =	simm.s32 $0x80;
	s13 =	simm.s32 $0x2800;
	s14 =	simm.s32 $0x2A00  }
0x6: {  	s15 =	simm.s32 $0x2900;
	s16 =	simm.s32 $0x6A00;
	s6 =	smul.u32 $0x500, s1  }
0x7: {  	s17 =	simm.s32 $0x1;
	s18 =	simm.s32 $0x2880;
	s9 =	smul.u32 $0x14000, s1  }
0x8: {  	s20 =	simm.s32 $0x2980;
	s21 =	simm.s32 $0x0;
	s28 =	smul.u32 $0x280, s1  }
0x9: {  	s7 =	sand.u32 $0x1, s4;
	[smem:$0x7FF] =	sst s3;
	s11 =	smul.u32 $0x50000, s1  }
0xa: {  	s4 =	sadd.s32 $0x7800, s5;
	s31 =	sshll.u32 s1, $0x6;
	s8 =	smul.u32 $0x140000, s7  }
0xb: {  	_ =	strace $0x8000004A;
	s19 =	smul.u32 $0x2800, s7;
	s7 =	ssub.s32 $0x2, s7  }
0xc: {  	s6 =	sadd.s32 s6, s5;
	s10 =	sshrl.u32 s7, $0x1;
	s30 =	sshrl.u32 s11, $0x2  }
0xd: {  	s8 =	sadd.s32 s9, s8;
	s10 =	ssub.s32 s7, s10;
	s29 =	sadd.s32 s28, s19  }
0xe: {  	s11 =	sadd.s32 s30, s2;
	s9 =	simm.s32 $0x3;
	v0 =	vmov s19;
	s19 =	simm.s32 $0x2  }
0xf: {  	s8 =	sshrl.u32 s8, $0x3;
	s7 =	sshll.u32 s29, $0x4;
	s11 =	sshrl.u32 s11, $0x3  }
0x10: {  	s8 =	sadd.s32 s8, s5;
	s5 =	sadd.s32 $0x2800, s6;
	s6 =	sadd.s32 s4, s7  }
0x11: {  	s7 =	sadd.s32 $0x57800, s8;
	s8 =	smax.u32 s10, $0x1;
	s10 =	sor.u32 $0x1C03, s31  }
.LBB2_1:
0x12: {  	[tilespmem:s3], [sflag:$0x3] =	stream.linear.gather [hbm4b:s5+s3], $0x2780, $0x38;
	[tilespmem:$0x1EA00] =	vst v63  }
0x13: {  	_ =	swait.ge [sflag:s9], $0x2780  }
0x14: {  	[sflag:s9] =	ssyncset.done $0x0  }
0x15: {  	[sflag:s9] =	ssyncadd.s32 $0xFFFFD880  }
0x16: {  	[spmem:s11], [sflag:s10] =	dma.local [hbm:s6], $0x2800  }
0x17: {  	_ =	swait.ge [sflag:s9], $0x2800  }
0x18: {  	[sflag:s9] =	ssyncset.done $0x0  }
0x19: {  	[sflag:s9] =	ssyncadd.s32 $0xFFFFD800  }
0x1a: {  	[bflag:$0x0] =	sbarrier.arrive $0xFFFF  }
0x1b: {  	v1 =	vld [tilespmem:$0x0]  }
0x1c: {  	v2 =	vld [tilespmem:$0x10];
	_ =	sdelay $0x1  }
0x1d: {  	v3 =	vld [tilespmem:$0x20];
	_ =	sdelay $0x1  }
0x1e: {  	v5 =	vld [tilespmem:$0x30];
	v4 =	vand.u32 $0x7FFF, v1;
	v1 =	vshrl.u32 v1, $0xF  }
0x1f: {  	v59 =	vand.u32 $0x7FFF, v2;
	v4 =	vadd.s32 v0, v4;
	[tilespmem:$0x2880] =	vst v1  }
0x20: {  	v60 =	vld [tilespmem:$0x40];
	v1 =	vadd.s32 v0, v59;
	[tilespmem:$0x2800] =	vst v4  }
0x21: {  	[tilespmem:$0x2810] =	vst v1;
	v1 =	vshrl.u32 v2, $0xF;
	v2 =	vand.u32 $0x7FFF, v3  }
0x22: {  	[tilespmem:$0x2890] =	vst v1;
	v1 =	vadd.s32 v0, v2;
	v2 =	vld [tilespmem:$0x50]  }
0x23: {  	[tilespmem:$0x2820] =	vst v1;
	v1 =	vshrl.u32 v3, $0xF;
	v3 =	vand.u32 $0x7FFF, v5  }
0x24: {  	[tilespmem:$0x28A0] =	vst v1;
	v1 =	vadd.s32 v0, v3;
	v3 =	vld [tilespmem:$0x60]  }
0x25: {  	v61 =	vand.u32 $0x7FFF, v60;
	[tilespmem:$0x2830] =	vst v1;
	v1 =	vshrl.u32 v5, $0xF  }
0x26: {  	v62 =	vld [tilespmem:$0x70];
	[tilespmem:$0x28B0] =	vst v1;
	v1 =	vadd.s32 v0, v61  }
0x27: {  	[tilespmem:$0x2840] =	vst v1;
	v1 =	vshrl.u32 v60, $0xF;
	v63 =	vand.u32 $0x7FFF, v2  }
0x28: {  	[tilespmem:$0x28C0] =	vst v1;
	v1 =	vadd.s32 v0, v63  }
0x29: {  	[tilespmem:$0x2850] =	vst v1;
	v1 =	vshrl.u32 v2, $0xF;
	v2 =	vand.u32 $0x7FFF, v3  }
0x2a: {  	[tilespmem:$0x28D0] =	vst v1;
	v1 =	vadd.s32 v0, v2  }
0x2b: {  	v2 =	vand.u32 $0x7FFF, v62;
	[tilespmem:$0x2860] =	vst v1;
	v1 =	vshrl.u32 v3, $0xF  }
0x2c: {  	[tilespmem:$0x28E0] =	vst v1;
	v1 =	vadd.s32 v0, v2  }
0x2d: {  	[tilespmem:$0x2870] =	vst v1;
	v1 =	vshrl.u32 v62, $0xF  }
0x2e: {  	s22 =	simm.s32 $0x0;
	[tilespmem:$0x28F0] =	vst v1  }
0x2f: {  	[tilespmem:s14], [sflag:$0x1] =	stream.indirect.gather [hbm4b:s4+s12], $0x80, s13, s12, $0xb8;
	[tilespmem:$0x1EA00] =	vst v63  }
0x30: {  	v1 =	vld [tilespmem:s22+$0x80];
	_ =	sdelay $0x4  }
0x31: {  	v2 =	vand.u32 $0x7FFF, v1;
	v1 =	vshrl.u32 v1, $0xF  }
0x32: {  	v2 =	vadd.s32 v0, v2;
	[tilespmem:$0x2980] =	vst v1  }
0x33: {  	[tilespmem:$0x2900] =	vst v2  }
0x34: {  	v1 =	vld [tilespmem:s22+$0x90];
	_ =	sdelay $0x4  }
0x35: {  	v2 =	vand.u32 $0x7FFF, v1;
	v1 =	vshrl.u32 v1, $0xF  }
0x36: {  	v2 =	vadd.s32 v0, v2;
	[tilespmem:$0x2990] =	vst v1  }
0x37: {  	[tilespmem:$0x2910] =	vst v2  }
0x38: {  	v1 =	vld [tilespmem:s22+$0xA0];
	_ =	sdelay $0x4  }
0x39: {  	v2 =	vand.u32 $0x7FFF, v1;
	v1 =	vshrl.u32 v1, $0xF  }
0x3a: {  	v2 =	vadd.s32 v0, v2;
	[tilespmem:$0x29A0] =	vst v1  }
0x3b: {  	[tilespmem:$0x2920] =	vst v2  }
0x3c: {  	v1 =	vld [tilespmem:s22+$0xB0];
	_ =	sdelay $0x4  }
0x3d: {  	v2 =	vand.u32 $0x7FFF, v1;
	v1 =	vshrl.u32 v1, $0xF  }
0x3e: {  	v2 =	vadd.s32 v0, v2;
	[tilespmem:$0x29B0] =	vst v1  }
0x3f: {  	[tilespmem:$0x2930] =	vst v2  }
0x40: {  	v1 =	vld [tilespmem:s22+$0xC0];
	_ =	sdelay $0x4  }
0x41: {  	v2 =	vand.u32 $0x7FFF, v1;
	v1 =	vshrl.u32 v1, $0xF  }
0x42: {  	v2 =	vadd.s32 v0, v2;
	[tilespmem:$0x29C0] =	vst v1  }
0x43: {  	[tilespmem:$0x2940] =	vst v2  }
0x44: {  	v1 =	vld [tilespmem:s22+$0xD0];
	_ =	sdelay $0x4  }
0x45: {  	v2 =	vand.u32 $0x7FFF, v1;
	v1 =	vshrl.u32 v1, $0xF  }
0x46: {  	v2 =	vadd.s32 v0, v2;
	[tilespmem:$0x29D0] =	vst v1  }
0x47: {  	[tilespmem:$0x2950] =	vst v2  }
0x48: {  	v1 =	vld [tilespmem:s22+$0xE0];
	_ =	sdelay $0x4  }
0x49: {  	v2 =	vand.u32 $0x7FFF, v1;
	v1 =	vshrl.u32 v1, $0xF  }
0x4a: {  	v2 =	vadd.s32 v0, v2;
	[tilespmem:$0x29E0] =	vst v1  }
0x4b: {  	[tilespmem:$0x2960] =	vst v2  }
0x4c: {  	v1 =	vld [tilespmem:s22+$0xF0];
	_ =	sdelay $0x4  }
0x4d: {  	v2 =	vand.u32 $0x7FFF, v1;
	v1 =	vshrl.u32 v1, $0xF  }
0x4e: {  	v2 =	vadd.s32 v0, v2;
	[tilespmem:$0x29F0] =	vst v1  }
0x4f: {  	[tilespmem:$0x2970] =	vst v2  }
0x50: {  	[tilespmem:s16], [sflag:$0x2] =	stream.indirect.gather [hbm4b:s4+s12], $0x80, s15, s12, $0xb8;
	[tilespmem:$0x1EA00] =	vst v63  }
0x51: {  	_ =	swait.ge [sflag:s17], $0x4000  }
0x52: {  	[sflag:s17] =	ssyncset.done $0x0  }
0x53: {  	[sflag:s17] =	ssyncadd.s32 $0xFFFFC000  }
0x54: {  	[spmem:s2] =	stream.indirect.scatter.add.f32 [tilespmem:s14], [sflag:$0x3], $0x80, s18, s12, $0xb8;
	[tilespmem:$0x1EA00] =	vst v63  }
0x55: {  	_ =	swait.ge [sflag:s9], $0x4000  }
0x56: {  	[sflag:s9] =	ssyncset.done $0x0  }
0x57: {  	[sflag:s9] =	ssyncadd.s32 $0xFFFFC000  }
0x58: {  	v1 =	vld [tilespmem:s22+$0x100];
	_ =	sdelay $0x4  }
0x59: {  	v2 =	vand.u32 $0x7FFF, v1;
	v1 =	vshrl.u32 v1, $0xF  }
0x5a: {  	v2 =	vadd.s32 v0, v2;
	[tilespmem:$0x2880] =	vst v1  }
0x5b: {  	[tilespmem:$0x2800] =	vst v2  }
0x5c: {  	v1 =	vld [tilespmem:s22+$0x110];
	_ =	sdelay $0x4  }
0x5d: {  	v2 =	vand.u32 $0x7FFF, v1;
	v1 =	vshrl.u32 v1, $0xF  }
0x5e: {  	v2 =	vadd.s32 v0, v2;
	[tilespmem:$0x2890] =	vst v1  }
0x5f: {  	[tilespmem:$0x2810] =	vst v2  }
0x60: {  	v1 =	vld [tilespmem:s22+$0x120];
	_ =	sdelay $0x4  }
0x61: {  	v2 =	vand.u32 $0x7FFF, v1;
	v1 =	vshrl.u32 v1, $0xF  }
0x62: {  	v2 =	vadd.s32 v0, v2;
	[tilespmem:$0x28A0] =	vst v1  }
0x63: {  	[tilespmem:$0x2820] =	vst v2  }
0x64: {  	v1 =	vld [tilespmem:s22+$0x130];
	_ =	sdelay $0x4  }
0x65: {  	v2 =	vand.u32 $0x7FFF, v1;
	v1 =	vshrl.u32 v1, $0xF  }
0x66: {  	v2 =	vadd.s32 v0, v2;
	[tilespmem:$0x28B0] =	vst v1  }
0x67: {  	[tilespmem:$0x2830] =	vst v2  }
0x68: {  	v1 =	vld [tilespmem:s22+$0x140];
	_ =	sdelay $0x4  }
0x69: {  	v2 =	vand.u32 $0x7FFF, v1;
	v1 =	vshrl.u32 v1, $0xF  }
0x6a: {  	v2 =	vadd.s32 v0, v2;
	[tilespmem:$0x28C0] =	vst v1  }
0x6b: {  	[tilespmem:$0x2840] =	vst v2  }
0x6c: {  	v1 =	vld [tilespmem:s22+$0x150];
	_ =	sdelay $0x4  }
0x6d: {  	v2 =	vand.u32 $0x7FFF, v1;
	v1 =	vshrl.u32 v1, $0xF  }
0x6e: {  	v2 =	vadd.s32 v0, v2;
	[tilespmem:$0x28D0] =	vst v1  }
0x6f: {  	[tilespmem:$0x2850] =	vst v2  }
0x70: {  	v1 =	vld [tilespmem:s22+$0x160];
	_ =	sdelay $0x4  }
0x71: {  	v2 =	vand.u32 $0x7FFF, v1;
	v1 =	vshrl.u32 v1, $0xF  }
0x72: {  	v2 =	vadd.s32 v0, v2;
	[tilespmem:$0x28E0] =	vst v1  }
0x73: {  	[tilespmem:$0x2860] =	vst v2  }
0x74: {  	v1 =	vld [tilespmem:s22+$0x170];
	_ =	sdelay $0x4  }
0x75: {  	v2 =	vand.u32 $0x7FFF, v1;
	v1 =	vshrl.u32 v1, $0xF  }
0x76: {  	v2 =	vadd.s32 v0, v2;
	[tilespmem:$0x28F0] =	vst v1  }
0x77: {  	[tilespmem:$0x2870] =	vst v2  }
0x78: {  	[tilespmem:s14], [sflag:$0x1] =	stream.indirect.gather [hbm4b:s4+s12], $0x80, s13, s12, $0xb8;
	[tilespmem:$0x1EA00] =	vst v63  }
0x79: {  	_ =	swait.ge [sflag:s19], $0x4000  }
0x7a: {  	[sflag:s19] =	ssyncset.done $0x0  }
0x7b: {  	[sflag:s19] =	ssyncadd.s32 $0xFFFFC000  }
0x7c: {  	[spmem:s2] =	stream.indirect.scatter.add.f32 [tilespmem:s16], [sflag:$0x3], $0x80, s20, s12, $0xb8;
	[tilespmem:$0x1EA00] =	vst v63  }
0x7d: {  	_ =	swait.ge [sflag:s9], $0x4000  }
0x7e: {  	s25 =	simm.s32 $0x800;
	s22 =	simm.s32 $0x400;
	[sflag:s9] =	ssyncset.done $0x0  }
.LBB2_2:
0x7f: {  	s24 =	sshra.s32 s22, $0x2  }
0x80: {  	[sflag:s9] =	ssyncadd.s32 $0xFFFFC000;
	s22 =	smov.u32 s25;
	s23 =	sadd.s32 $0x400, s25  }
0x81: {  	p0 =	sne.s32 s25, $0x9800;
	v1 =	vld [tilespmem:s24+$0x80];
	_ =	sdelay $0x4  }
0x82: {  	v2 =	vand.u32 $0x7FFF, v1;
	v1 =	vshrl.u32 v1, $0xF  }
0x83: {  	v2 =	vadd.s32 v0, v2;
	[tilespmem:$0x2980] =	vst v1  }
0x84: {  	[tilespmem:$0x2900] =	vst v2  }
0x85: {  	v1 =	vld [tilespmem:s24+$0x90];
	_ =	sdelay $0x4  }
0x86: {  	v2 =	vand.u32 $0x7FFF, v1;
	v1 =	vshrl.u32 v1, $0xF  }
0x87: {  	v2 =	vadd.s32 v0, v2;
	[tilespmem:$0x2990] =	vst v1  }
0x88: {  	[tilespmem:$0x2910] =	vst v2  }
0x89: {  	v1 =	vld [tilespmem:s24+$0xA0];
	_ =	sdelay $0x4  }
0x8a: {  	v2 =	vand.u32 $0x7FFF, v1;
	v1 =	vshrl.u32 v1, $0xF  }
0x8b: {  	v2 =	vadd.s32 v0, v2;
	[tilespmem:$0x29A0] =	vst v1  }
0x8c: {  	[tilespmem:$0x2920] =	vst v2  }
0x8d: {  	v1 =	vld [tilespmem:s24+$0xB0];
	_ =	sdelay $0x4  }
0x8e: {  	v2 =	vand.u32 $0x7FFF, v1;
	v1 =	vshrl.u32 v1, $0xF  }
0x8f: {  	v2 =	vadd.s32 v0, v2;
	[tilespmem:$0x29B0] =	vst v1  }
0x90: {  	[tilespmem:$0x2930] =	vst v2  }
0x91: {  	v1 =	vld [tilespmem:s24+$0xC0];
	_ =	sdelay $0x4  }
0x92: {  	v2 =	vand.u32 $0x7FFF, v1;
	v1 =	vshrl.u32 v1, $0xF  }
0x93: {  	v2 =	vadd.s32 v0, v2;
	[tilespmem:$0x29C0] =	vst v1  }
0x94: {  	[tilespmem:$0x2940] =	vst v2  }
0x95: {  	v1 =	vld [tilespmem:s24+$0xD0];
	_ =	sdelay $0x4  }
0x96: {  	v2 =	vand.u32 $0x7FFF, v1;
	v1 =	vshrl.u32 v1, $0xF  }
0x97: {  	v2 =	vadd.s32 v0, v2;
	[tilespmem:$0x29D0] =	vst v1  }
0x98: {  	[tilespmem:$0x2950] =	vst v2  }
0x99: {  	v1 =	vld [tilespmem:s24+$0xE0];
	_ =	sdelay $0x4  }
0x9a: {  	v2 =	vand.u32 $0x7FFF, v1;
	v1 =	vshrl.u32 v1, $0xF  }
0x9b: {  	v2 =	vadd.s32 v0, v2;
	[tilespmem:$0x29E0] =	vst v1  }
0x9c: {  	[tilespmem:$0x2960] =	vst v2  }
0x9d: {  	v1 =	vld [tilespmem:s24+$0xF0];
	_ =	sdelay $0x4  }
0x9e: {  	v2 =	vand.u32 $0x7FFF, v1;
	v1 =	vshrl.u32 v1, $0xF  }
0x9f: {  	v2 =	vadd.s32 v0, v2;
	[tilespmem:$0x29F0] =	vst v1  }
0xa0: {  	[tilespmem:$0x2970] =	vst v2  }
0xa1: {  	[tilespmem:s16], [sflag:$0x2] =	stream.indirect.gather [hbm4b:s4+s12], $0x80, s15, s12, $0xb8;
	[tilespmem:$0x1EA00] =	vst v63  }
0xa2: {  	_ =	swait.ge [sflag:s17], $0x4000  }
0xa3: {  	[sflag:s17] =	ssyncset.done $0x0  }
0xa4: {  	[sflag:s17] =	ssyncadd.s32 $0xFFFFC000  }
0xa5: {  	[spmem:s2] =	stream.indirect.scatter.add.f32 [tilespmem:s14], [sflag:$0x3], $0x80, s18, s12, $0xb8;
	[tilespmem:$0x1EA00] =	vst v63  }
0xa6: {  	_ =	swait.ge [sflag:s9], $0x4000  }
0xa7: {  	[sflag:s9] =	ssyncset.done $0x0  }
0xa8: {  	[sflag:s9] =	ssyncadd.s32 $0xFFFFC000  }
0xa9: {  	v1 =	vld [tilespmem:s24+$0x100];
	_ =	sdelay $0x4  }
0xaa: {  	v2 =	vand.u32 $0x7FFF, v1;
	v1 =	vshrl.u32 v1, $0xF  }
0xab: {  	v2 =	vadd.s32 v0, v2;
	[tilespmem:$0x2880] =	vst v1  }
0xac: {  	[tilespmem:$0x2800] =	vst v2  }
0xad: {  	v1 =	vld [tilespmem:s24+$0x110];
	_ =	sdelay $0x4  }
0xae: {  	v2 =	vand.u32 $0x7FFF, v1;
	v1 =	vshrl.u32 v1, $0xF  }
0xaf: {  	v2 =	vadd.s32 v0, v2;
	[tilespmem:$0x2890] =	vst v1  }
0xb0: {  	[tilespmem:$0x2810] =	vst v2  }
0xb1: {  	v1 =	vld [tilespmem:s24+$0x120];
	_ =	sdelay $0x4  }
0xb2: {  	v2 =	vand.u32 $0x7FFF, v1;
	v1 =	vshrl.u32 v1, $0xF  }
0xb3: {  	v2 =	vadd.s32 v0, v2;
	[tilespmem:$0x28A0] =	vst v1  }
0xb4: {  	[tilespmem:$0x2820] =	vst v2  }
0xb5: {  	v1 =	vld [tilespmem:s24+$0x130];
	_ =	sdelay $0x4  }
0xb6: {  	v2 =	vand.u32 $0x7FFF, v1;
	v1 =	vshrl.u32 v1, $0xF  }
0xb7: {  	v2 =	vadd.s32 v0, v2;
	[tilespmem:$0x28B0] =	vst v1  }
0xb8: {  	[tilespmem:$0x2830] =	vst v2  }
0xb9: {  	v1 =	vld [tilespmem:s24+$0x140];
	_ =	sdelay $0x4  }
0xba: {  	v2 =	vand.u32 $0x7FFF, v1;
	v1 =	vshrl.u32 v1, $0xF  }
0xbb: {  	v2 =	vadd.s32 v0, v2;
	[tilespmem:$0x28C0] =	vst v1  }
0xbc: {  	[tilespmem:$0x2840] =	vst v2  }
0xbd: {  	v1 =	vld [tilespmem:s24+$0x150];
	_ =	sdelay $0x4  }
0xbe: {  	v2 =	vand.u32 $0x7FFF, v1;
	v1 =	vshrl.u32 v1, $0xF  }
0xbf: {  	v2 =	vadd.s32 v0, v2;
	[tilespmem:$0x28D0] =	vst v1  }
0xc0: {  	[tilespmem:$0x2850] =	vst v2  }
0xc1: {  	v1 =	vld [tilespmem:s24+$0x160];
	_ =	sdelay $0x4  }
0xc2: {  	v2 =	vand.u32 $0x7FFF, v1;
	v1 =	vshrl.u32 v1, $0xF  }
0xc3: {  	v2 =	vadd.s32 v0, v2;
	[tilespmem:$0x28E0] =	vst v1  }
0xc4: {  	[tilespmem:$0x2860] =	vst v2  }
0xc5: {  	v1 =	vld [tilespmem:s24+$0x170];
	_ =	sdelay $0x4  }
0xc6: {  	v2 =	vand.u32 $0x7FFF, v1;
	v1 =	vshrl.u32 v1, $0xF  }
0xc7: {  	v2 =	vadd.s32 v0, v2;
	[tilespmem:$0x28F0] =	vst v1  }
0xc8: {  	[tilespmem:$0x2870] =	vst v2  }
0xc9: {  	[tilespmem:s14], [sflag:$0x1] =	stream.indirect.gather [hbm4b:s4+s12], $0x80, s13, s12, $0xb8;
	[tilespmem:$0x1EA00] =	vst v63  }
0xca: {  	_ =	swait.ge [sflag:s19], $0x4000  }
.Ltmp0:
0xcb: {  	[sflag:s19] =	ssyncset.done $0x0;
	(pc) =	sbr.rel @p0 .LBB2_2-.Ltmp0, $4  }
0xcc: {  	[sflag:s19] =	ssyncadd.s32 $0xFFFFC000  }
0xcd: {  	[spmem:s2] =	stream.indirect.scatter.add.f32 [tilespmem:s16], [sflag:$0x3], $0x80, s20, s12, $0xb8;
	[tilespmem:$0x1EA00] =	vst v63  }
0xce: {  	_ =	swait.ge [sflag:s9], $0x4000  }
0xcf: {  	s25 =	smov.u32 s23;
	[sflag:s9] =	ssyncset.done $0x0  }
0xd0: {  	s22 =	sshra.s32 s22, $0x2;
	[sflag:s9] =	ssyncadd.s32 $0xFFFFC000  }
0xd1: {  	v1 =	vld [tilespmem:s22+$0x80];
	_ =	sdelay $0x4  }
0xd2: {  	v2 =	vand.u32 $0x7FFF, v1;
	v1 =	vshrl.u32 v1, $0xF  }
0xd3: {  	v2 =	vadd.s32 v0, v2;
	[tilespmem:$0x2980] =	vst v1  }
0xd4: {  	[tilespmem:$0x2900] =	vst v2  }
0xd5: {  	v1 =	vld [tilespmem:s22+$0x90];
	_ =	sdelay $0x4  }
0xd6: {  	v2 =	vand.u32 $0x7FFF, v1;
	v1 =	vshrl.u32 v1, $0xF  }
0xd7: {  	v2 =	vadd.s32 v0, v2;
	[tilespmem:$0x2990] =	vst v1  }
0xd8: {  	[tilespmem:$0x2910] =	vst v2  }
0xd9: {  	v1 =	vld [tilespmem:s22+$0xA0];
	_ =	sdelay $0x4  }
0xda: {  	v2 =	vand.u32 $0x7FFF, v1;
	v1 =	vshrl.u32 v1, $0xF  }
0xdb: {  	v2 =	vadd.s32 v0, v2;
	[tilespmem:$0x29A0] =	vst v1  }
0xdc: {  	[tilespmem:$0x2920] =	vst v2  }
0xdd: {  	v1 =	vld [tilespmem:s22+$0xB0];
	_ =	sdelay $0x4  }
0xde: {  	v2 =	vand.u32 $0x7FFF, v1;
	v1 =	vshrl.u32 v1, $0xF  }
0xdf: {  	v2 =	vadd.s32 v0, v2;
	[tilespmem:$0x29B0] =	vst v1  }
0xe0: {  	[tilespmem:$0x2930] =	vst v2  }
0xe1: {  	v1 =	vld [tilespmem:s22+$0xC0];
	_ =	sdelay $0x4  }
0xe2: {  	v2 =	vand.u32 $0x7FFF, v1;
	v1 =	vshrl.u32 v1, $0xF  }
0xe3: {  	v2 =	vadd.s32 v0, v2;
	[tilespmem:$0x29C0] =	vst v1  }
0xe4: {  	[tilespmem:$0x2940] =	vst v2  }
0xe5: {  	v1 =	vld [tilespmem:s22+$0xD0];
	_ =	sdelay $0x4  }
0xe6: {  	v2 =	vand.u32 $0x7FFF, v1;
	v1 =	vshrl.u32 v1, $0xF  }
0xe7: {  	v2 =	vadd.s32 v0, v2;
	[tilespmem:$0x29D0] =	vst v1  }
0xe8: {  	[tilespmem:$0x2950] =	vst v2  }
0xe9: {  	v1 =	vld [tilespmem:s22+$0xE0];
	_ =	sdelay $0x4  }
0xea: {  	v2 =	vand.u32 $0x7FFF, v1;
	v1 =	vshrl.u32 v1, $0xF  }
0xeb: {  	v2 =	vadd.s32 v0, v2;
	[tilespmem:$0x29E0] =	vst v1  }
0xec: {  	[tilespmem:$0x2960] =	vst v2  }
0xed: {  	v1 =	vld [tilespmem:s22+$0xF0];
	_ =	sdelay $0x4  }
0xee: {  	v2 =	vand.u32 $0x7FFF, v1;
	v1 =	vshrl.u32 v1, $0xF  }
0xef: {  	v2 =	vadd.s32 v0, v2;
	[tilespmem:$0x29F0] =	vst v1  }
0xf0: {  	[tilespmem:$0x2970] =	vst v2  }
0xf1: {  	[tilespmem:s16], [sflag:$0x2] =	stream.indirect.gather [hbm4b:s4+s12], $0x80, s15, s12, $0xb8;
	[tilespmem:$0x1EA00] =	vst v63  }
0xf2: {  	_ =	swait.ge [sflag:s17], $0x4000  }
0xf3: {  	[sflag:s17] =	ssyncset.done $0x0  }
0xf4: {  	[sflag:s17] =	ssyncadd.s32 $0xFFFFC000  }
0xf5: {  	[spmem:s2] =	stream.indirect.scatter.add.f32 [tilespmem:s14], [sflag:$0x3], $0x80, s18, s12, $0xb8;
	[tilespmem:$0x1EA00] =	vst v63  }
0xf6: {  	_ =	swait.ge [sflag:s9], $0x4000  }
0xf7: {  	[sflag:s9] =	ssyncset.done $0x0  }
0xf8: {  	[sflag:s9] =	ssyncadd.s32 $0xFFFFC000  }
0xf9: {  	v1 =	vld [tilespmem:s22+$0x100];
	_ =	sdelay $0x4  }
0xfa: {  	v2 =	vand.u32 $0x7FFF, v1;
	v1 =	vshrl.u32 v1, $0xF  }
0xfb: {  	v2 =	vadd.s32 v0, v2;
	[tilespmem:$0x2880] =	vst v1  }
0xfc: {  	[tilespmem:$0x2800] =	vst v2  }
0xfd: {  	v1 =	vld [tilespmem:s22+$0x110];
	_ =	sdelay $0x4  }
0xfe: {  	v2 =	vand.u32 $0x7FFF, v1;
	v1 =	vshrl.u32 v1, $0xF  }
0xff: {  	v2 =	vadd.s32 v0, v2;
	[tilespmem:$0x2890] =	vst v1  }
0x100: {  	[tilespmem:$0x2810] =	vst v2  }
0x101: {  	v1 =	vld [tilespmem:s22+$0x120];
	_ =	sdelay $0x4  }
0x102: {  	v2 =	vand.u32 $0x7FFF, v1;
	v1 =	vshrl.u32 v1, $0xF  }
0x103: {  	v2 =	vadd.s32 v0, v2;
	[tilespmem:$0x28A0] =	vst v1  }
0x104: {  	[tilespmem:$0x2820] =	vst v2  }
0x105: {  	v1 =	vld [tilespmem:s22+$0x130];
	_ =	sdelay $0x4  }
0x106: {  	v2 =	vand.u32 $0x7FFF, v1;
	v1 =	vshrl.u32 v1, $0xF  }
0x107: {  	v2 =	vadd.s32 v0, v2;
	[tilespmem:$0x28B0] =	vst v1  }
0x108: {  	[tilespmem:$0x2830] =	vst v2  }
0x109: {  	v1 =	vld [tilespmem:s22+$0x140];
	_ =	sdelay $0x4  }
0x10a: {  	v2 =	vand.u32 $0x7FFF, v1;
	v1 =	vshrl.u32 v1, $0xF  }
0x10b: {  	v2 =	vadd.s32 v0, v2;
	[tilespmem:$0x28C0] =	vst v1  }
0x10c: {  	[tilespmem:$0x2840] =	vst v2  }
0x10d: {  	v1 =	vld [tilespmem:s22+$0x150];
	_ =	sdelay $0x4  }
0x10e: {  	v2 =	vand.u32 $0x7FFF, v1;
	v1 =	vshrl.u32 v1, $0xF  }
0x10f: {  	v2 =	vadd.s32 v0, v2;
	[tilespmem:$0x28D0] =	vst v1  }
0x110: {  	[tilespmem:$0x2850] =	vst v2  }
0x111: {  	v1 =	vld [tilespmem:s22+$0x160];
	_ =	sdelay $0x4  }
0x112: {  	v2 =	vand.u32 $0x7FFF, v1;
	v1 =	vshrl.u32 v1, $0xF  }
0x113: {  	v2 =	vadd.s32 v0, v2;
	[tilespmem:$0x28E0] =	vst v1  }
0x114: {  	[tilespmem:$0x2860] =	vst v2  }
0x115: {  	v1 =	vld [tilespmem:s22+$0x170];
	_ =	sdelay $0x4  }
0x116: {  	v2 =	vand.u32 $0x7FFF, v1;
	v1 =	vshrl.u32 v1, $0xF  }
0x117: {  	v2 =	vadd.s32 v0, v2;
	[tilespmem:$0x28F0] =	vst v1  }
0x118: {  	[tilespmem:$0x2870] =	vst v2  }
0x119: {  	[tilespmem:s14], [sflag:$0x1] =	stream.indirect.gather [hbm4b:s4+s12], $0x80, s13, s12, $0xb8;
	[tilespmem:$0x1EA00] =	vst v63  }
0x11a: {  	_ =	swait.ge [sflag:s19], $0x4000  }
0x11b: {  	[sflag:s19] =	ssyncset.done $0x0  }
0x11c: {  	[sflag:s19] =	ssyncadd.s32 $0xFFFFC000  }
0x11d: {  	[spmem:s2] =	stream.indirect.scatter.add.f32 [tilespmem:s16], [sflag:$0x3], $0x80, s20, s12, $0xb8;
	[tilespmem:$0x1EA00] =	vst v63  }
0x11e: {  	_ =	swait.ge [sflag:s9], $0x4000  }
0x11f: {  	[sflag:s9] =	ssyncset.done $0x0  }
0x120: {  	[sflag:s9] =	ssyncadd.s32 $0xFFFFC000  }
0x121: {  	_ =	swait.ge [sflag:s17], $0x4000  }
0x122: {  	[sflag:s17] =	ssyncset.done $0x0  }
0x123: {  	[sflag:s17] =	ssyncadd.s32 $0xFFFFC000  }
0x124: {  	[spmem:s2] =	stream.indirect.scatter.add.f32 [tilespmem:s14], [sflag:$0x3], $0x80, s18, s12, $0xb8;
	[tilespmem:$0x1EA00] =	vst v63  }
0x125: {  	_ =	swait.ge [sflag:s9], $0x4000  }
0x126: {  	s21 =	sadd.s32 $0x1, s21;
	[sflag:s9] =	ssyncset.done $0x0  }
0x127: {  	p0 =	sne.s32 s21, s8;
	[sflag:s9] =	ssyncadd.s32 $0xFFFFC000  }
.Ltmp1:
0x128: {  	[bflag:$0x0] =	sbarrier.arrive $0xFFFF;
	(pc) =	sbr.rel @p0 .LBB2_1-.Ltmp1, $4  }
0x129: {  	[hbm:s7], [sflag:s10] =	dma.local [spmem:s11], $0x2800  }
0x12a: {  	_ =	swait.ge [sflag:s9], $0x2800  }
0x12b: {  	[sflag:s9] =	ssyncset.done $0x0  }
0x12c: {  	[sflag:s9] =	ssyncadd.s32 $0xFFFFD800  }
0x12d: {  	_ =	sfence.sel $0x180000  }
0x12e: {  	[bflag:$0x0] =	sbarrier.arrive $0xFFFF  }
0x12f: {  	p0 =	sne.s32 s1, $0x0;
	_ =	strace $0x9000004A  }
0x130: {  	s0 =	sadd.s32 @!p0 $0x100000, s0;
	[bflag:$0x2] =	sbarrier.arrive $0xFFFF  }
0x131: {  	[sflag:s0] =	ssyncadd.tile.s32 @!p0 $0x1;
	_ =	shalt  }
.Lfunc_end2:
_tile_overlayer_lowered:
.L_overlay_start_2:
0x132: {  	(tag) =	ssettag $0x2  }
0x133: {  	s0 =	rddreg [dreg:$0x0];
	s2 =	stileid.u32  }
0x134: {  	s1 =	rddreg [dreg:$0x1];
	p0 =	sne.s32 s2, $0x0  }
0x135: {  	s3 =	rddreg [dreg:$0x2];
	[bflag:$0x3] =	sbarrier.arrive $0xFFFF;
	s2 =	simm.s32 @!p0 $0x1C03  }
0x136: {  	[timem:s3], [sflag:s2] =	dma.local @!p0 [hbm:s0], s1  }
0x137: {  	s0 =	simm.s32 @!p0 $0x3  }
0x138: {  	_ =	swait.ge @!p0 [sflag:s0], s1  }
0x139: {  	s1 =	ssub.s32 @!p0 $0x0, s1;
	[sflag:s0] =	ssyncset.done @!p0 $0x0  }
0x13a: {  	[sflag:s0] =	ssyncadd.s32 @!p0 s1  }
0x13b: {  	[bflag:$0x3] =	sbarrier.arrive $0xFFFF  }
0x13c: {  	_ =	shalt  }

// kernel: kernel.14.cloned.1.call-start
scs
__scs_entry_jumppad:
0x0: {  	(pc) =	sbr.rel $0x88, $3  }
0x1: {  	(tag) =	ssettag $0x0;
	lr =	simm.s32 $0x1  }
0x2: {  	[smem:$0x3F9B] =	sst lr;
	_ =	strace $0xD0000000  }
0x3: {  	_ = 	snop  }
0x4: {  	_ = 	snop  }
0x5: {  	_ = 	snop  }
0x6: {  	_ = 	snop  }
0x7: {  	_ = 	snop  }
__scs_overlays_trampoline_lowered:
0x8: {  	[smem:$0x3FAA] =	sst s0  }
0x9: {  	[smem:$0x3FAB] =	sst s1  }
0xa: {  	[smem:$0x3FAC] =	sst s2  }
0xb: {  	[smem:$0x3FAD] =	sst s3  }
0xc: {  	[smem:$0x3FAE] =	sst s4  }
0xd: {  	[smem:$0x3FAF] =	sst s5  }
0xe: {  	[smem:$0x3FB0] =	sst s6  }
0xf: {  	[smem:$0x3FB1] =	sst s7  }
0x10: {  	[smem:$0x3FB2] =	sst s8  }
0x11: {  	[smem:$0x3FB3] =	sst s9;
	s0 =	simm.s32 @!p0 $0x0  }
0x12: {  	s1 =	sld [smem:$0x3F99];
	s0 =	simm.s32 @p0 $0x1  }
0x13: {  	[smem:$0x3FB4] =	sst s0;
	s0 =	simm.s32 @!p1 $0x0  }
0x14: {  	s2 =	sld [smem:$0x3F98];
	s0 =	simm.s32 @p1 $0x1  }
0x15: {  	[smem:$0x3FB5] =	sst s0;
	s0 =	simm.s32 @!p2 $0x0  }
0x16: {  	s3 =	sld [smem:$0x3FDB];
	s0 =	simm.s32 @p2 $0x1  }
0x17: {  	s4 =	simm.s32 $0x1BF5;
	[smem:$0x3FB7] =	sst s0  }
0x18: {  	s0 =	sld [smem:$0x3F9A];
	_ =	swait.ge [sflag:s4], $0x0  }
0x19: {  	s7 =	sld [smem:$0x3F9B]  }
0x1a: {  	s8 =	sadd.s32 $0xFFFFE003, lr  }
0x1b: {  	s9 =	sadd.s32 $0xFFFFFEF7, lr;
	s5 =	simm.s32 $0xFFFFFFFF;
	p2 =	slt.u32 s8, $0xFFFFF086  }
0x1c: {  	p1 =	slt.u32 s9, $0xF7A;
	s5 =	simm.s32 @!p2 $0x0  }
0x1d: {  	s5 =	simm.s32 @p1 $0x1;
	p0 =	seq.s32 s7, s2  }
0x1e: {  	s7 =	smul.u32 @!p0 $0xF7A, s2;
	p2 =	seq.s32 @!p0 s5, $0x0  }
0x1f: {  	s9 =	smul.u32 $0xF7A, s1;
	s8 =	simm.s32 @!p0 $0x1BF5;
	p2 =	por !p2, p0  }
0x20: {  	[sflag:s8] =	ssyncset.s32 @!p0 $0xFFFFF086;
	s6 =	sadd.s32 @!p0 s3, s7;
	s7 =	simm.s32 @!p0 $0x108  }
0x21: {  	s3 =	sadd.s32 s3, s9;
	s6 =	sadd.s32 @!p0 $0x88, s6;
	s7 =	simm.s32 @p2 $0x1082  }
0x22: {  	[simem:s7], [sflag:s8] =	dma.local @!p0 [hbm:s6], $0xF7A  }
0x23: {  	s9 =	sor.u32 $0xD0000000, s2;
	s6 =	simm.s32 $0x108;
	_ =	swait.ge @!p0 [sflag:s8], $0x0  }
0x24: {  	s3 =	sadd.s32 $0x88, s3;
	s6 =	simm.s32 @!p1 $0x1082;
	[sflag:s4] =	ssyncset.s32 $0xFFFFF086  }
0x25: {  	[simem:s6], [sflag:s4] =	dma.local [hbm:s3], $0xF7A  }
0x26: {  	[smem:$0x3F9B] =	sst s1;
	(tag) =	ssettag s2;
	_ =	strace s9  }
0x27: {  	s1 =	sld [smem:$0x3FAB]  }
0x28: {  	s2 =	sld [smem:$0x3FAC]  }
0x29: {  	s4 =	sld [smem:$0x3FAE]  }
0x2a: {  	p0 =	seq.s32 s5, $0x0;
	s5 =	sld [smem:$0x3FAF]  }
0x2b: {  	s6 =	sld [smem:$0x3FB0]  }
0x2c: {  	s7 =	sld [smem:$0x3FB1]  }
0x2d: {  	s3 =	simm.s32 $0x108;
	s8 =	sld [smem:$0x3FB2]  }
0x2e: {  	s3 =	simm.s32 @!p0 $0x1082;
	s9 =	sld [smem:$0x3FB3]  }
0x2f: {  	lr =	sadd.s32 s0, s3;
	s0 =	sld [smem:$0x3FAA]  }
0x30: {  	s3 =	sld [smem:$0x3FAD]  }
0x31: {  	[smem:$0x3FB6] =	sst s10  }
0x32: {  	s10 =	sld [smem:$0x3FB4];
	_ =	sdelay $0x3  }
0x33: {  	p0 =	seq.s32 s10, $0x1;
	s10 =	sld [smem:$0x3FB6];
	_ =	sdelay $0x3  }
0x34: {  	[smem:$0x3FB6] =	sst s10  }
0x35: {  	s10 =	sld [smem:$0x3FB5];
	_ =	sdelay $0x3  }
0x36: {  	p1 =	seq.s32 s10, $0x1;
	s10 =	sld [smem:$0x3FB6];
	_ =	sdelay $0x3  }
0x37: {  	[smem:$0x3FB6] =	sst s10  }
0x38: {  	s10 =	sld [smem:$0x3FB7]  }
0x39: {  	_ = 	snop;
	(pc) =	sbr.ind lr, $3  }
0x3a: {  	_ = 	snop  }
0x3b: {  	_ = 	snop  }
0x3c: {  	p2 =	seq.s32 s10, $0x1;
	s10 =	sld [smem:$0x3FB6]  }
0x3d: {  	_ =	shalt  }
0x3e: {  	_ =	shalt  }
0x3f: {  	_ =	shalt  }
0x40: {  	_ =	shalt  }
0x41: {  	_ =	shalt  }
0x42: {  	_ =	shalt  }
0x43: {  	_ =	shalt  }
0x44: {  	_ =	shalt  }
0x45: {  	_ =	shalt  }
0x46: {  	_ =	shalt  }
0x47: {  	_ =	shalt  }
0x48: {  	_ =	shalt  }
0x49: {  	_ =	shalt  }
0x4a: {  	_ =	shalt  }
0x4b: {  	_ =	shalt  }
0x4c: {  	_ =	shalt  }
0x4d: {  	_ =	shalt  }
0x4e: {  	_ =	shalt  }
0x4f: {  	_ =	shalt  }
0x50: {  	_ =	shalt  }
0x51: {  	_ =	shalt  }
0x52: {  	_ =	shalt  }
0x53: {  	_ =	shalt  }
0x54: {  	_ =	shalt  }
0x55: {  	_ =	shalt  }
0x56: {  	_ =	shalt  }
0x57: {  	_ =	shalt  }
0x58: {  	_ =	shalt  }
0x59: {  	_ =	shalt  }
0x5a: {  	_ =	shalt  }
0x5b: {  	_ =	shalt  }
0x5c: {  	_ =	shalt  }
0x5d: {  	_ =	shalt  }
0x5e: {  	_ =	shalt  }
0x5f: {  	_ =	shalt  }
0x60: {  	_ =	shalt  }
0x61: {  	_ =	shalt  }
0x62: {  	_ =	shalt  }
0x63: {  	_ =	shalt  }
0x64: {  	_ =	shalt  }
0x65: {  	_ =	shalt  }
0x66: {  	_ =	shalt  }
0x67: {  	_ =	shalt  }
0x68: {  	_ =	shalt  }
0x69: {  	_ =	shalt  }
0x6a: {  	_ =	shalt  }
0x6b: {  	_ =	shalt  }
0x6c: {  	_ =	shalt  }
0x6d: {  	_ =	shalt  }
0x6e: {  	_ =	shalt  }
0x6f: {  	_ =	shalt  }
0x70: {  	_ =	shalt  }
0x71: {  	_ =	shalt  }
0x72: {  	_ =	shalt  }
0x73: {  	_ =	shalt  }
0x74: {  	_ =	shalt  }
0x75: {  	_ =	shalt  }
0x76: {  	_ =	shalt  }
0x77: {  	_ =	shalt  }
0x78: {  	_ =	shalt  }
0x79: {  	_ =	shalt  }
0x7a: {  	_ =	shalt  }
0x7b: {  	_ =	shalt  }
0x7c: {  	_ =	shalt  }
0x7d: {  	_ =	shalt  }
0x7e: {  	_ =	shalt  }
0x7f: {  	_ =	shalt  }
0x80: {  	_ =	shalt  }
0x81: {  	_ =	shalt  }
0x82: {  	_ =	shalt  }
0x83: {  	_ =	shalt  }
0x84: {  	_ =	shalt  }
0x85: {  	_ =	shalt  }
0x86: {  	_ =	shalt  }
0x87: {  	_ =	shalt  }
.Lfunc_end0:
.L_simem_size_0:
called_computation.2_lowered:
.L_overlay_start_0:
0x88: {  	s2 =	sld [smem:$0x3FD9]  }
0x89: {  	s3 =	sld [smem:$0x3FFE];
	_ =	sdelay $0x1  }
0x8a: {  	s1 =	srdreg.scid  }
0x8b: {  	s0 =	sand.u32 $0x1, s1  }
0x8c: {  	s17 =	sshll.u32 s0, $0xA;
	s2 =	sadd.s32 s3, s2  }
0x8d: {  	s2 =	sadd.s32 s2, s17  }
0x8e: {  	[smem:$0x3FC2] =	sst s2  }
0x8f: {  	_ = 	snop  }
0x90: {  	s2 =	sld [smem:$0x3FD0];
	(tm) =	ssettm $0x1  }
0x91: {  	s18 =	sld [smem:$0x3FFB];
	_ =	sdelay $0x3  }
0x92: {  	_ =	strace s18  }
0x93: {  	s3 =	sld [smem:$0x3FFC];
	_ =	sdelay $0x3  }
0x94: {  	_ =	strace s3  }
0x95: {  	s3 =	sld [smem:$0x3FFD];
	_ =	sdelay $0x3  }
0x96: {  	_ =	strace s3  }
0x97: {  	_ =	strace $0x8FFFFFFF  }
0x98: {  	s19 =	sld [smem:$0x3FDB];
	_ =	sdelay $0x1  }
0x99: {  	s4 =	simm.s32 $_scs_section_size  }
0x9a: {  	s5 =	simm.s32 $_size__tile_overlayer_lowered;
	s6 =	simm.s32 $_tile_overlayer_lowered  }
0x9b: {  	s22 =	simm.s32 $0x1BFF;
	s21 =	sshll.u32 s6, $0x1;
	s3 =	sadd.s32 s4, s19  }
0x9c: {  	s7 =	simm.s32 $0x0;
	s20 =	sshll.u32 s5, $0x1;
	s5 =	sadd.s32 s21, s3  }
0x9d: {  	[timem:s7], [sflag:s22] =	dma.local [hbm:s5], s20  }
0x9e: {  	_ =	swait.ge [sflag:s22], s20  }
0x9f: {  	s4 =	ssub.s32 $0x0, s20;
	[sflag:s22] =	ssyncset.done $0x0  }
0xa0: {  	[sflag:s22] =	ssyncadd.s32 s4;
	_ =	sdelay $0x1  }
0xa1: {  	s23 =	simm.s32 $0x1B8B  }
0xa2: {  	_ =	swait.ge [sflag:s23], $0x1  }
0xa3: {  	[sflag:s23] =	ssyncset.done $0x0  }
0xa4: {  	s25 =	simm.s32 $0x1B8E;
	s24 =	sld [smem:$0x3FFE];
	[sflag:s23] =	ssyncadd.s32 $0xFFFFFFFF  }
0xa5: {  	s26 =	simm.s32 $execute0_lowered;
	[smem:$0x3FD2] =	sst s25  }
0xa6: {  	s5 =	sshll.u32 s26, $0x1;
	_ =	strace $0x8000004C;
	[dreg:$0x1] =	wrdreg $0xFFFFFFFF  }
0xa7: {  	s28 =	simm.s32 $_size_execute0_lowered;
	s3 =	sadd.s32 s3, s5;
	[dreg:$0x0] =	wrdreg $0x0  }
0xa8: {  	s5 =	sshll.u32 s28, $0x1;
	[dreg:$0x2] =	wrdreg s3  }
0xa9: {  	[dreg:$0x3] =	wrdreg s5  }
0xaa: {  	[dreg:$0x4] =	wrdreg $0xC0  }
0xab: {  	_ =	task [dreg:s7], $0x5FFFF  }
0xac: {  	[dreg:$0x1] =	wrdreg $0xFFFFFFFF  }
0xad: {  	[dreg:$0x0] =	wrdreg $0x60  }
0xae: {  	[dreg:$0x2] =	wrdreg s24  }
0xaf: {  	[dreg:$0x3] =	wrdreg s2  }
0xb0: {  	[dreg:$0x4] =	wrdreg $0x9A000  }
0xb1: {  	[dreg:$0x5] =	wrdreg $0x9  }
0xb2: {  	_ =	task.clear_ibuf [dreg:s7], $0x6FFFF;
	_ =	strace $0x9000004C  }
0xb3: {  	s29 =	simm.s32 $0x9;
	_ =	strace $0x8000004E  }
0xb4: {  	_ =	swait.ge [sflag:s29], $0x1  }
0xb5: {  	[sflag:s29] =	ssyncadd.s32 $0xFFFFFFFF  }
0xb6: {  	_ =	strace $0x9000004E  }
0xb7: {  	_ =	sfence  }
0xb8: {  	s30 =	sld [smem:$0x0];
	_ =	sdelay $0x2  }
0xb9: {  	s31 =	sshll.u32 s1, $0xD;
	s1 =	sshrl.u32 s1, $0x2  }
0xba: {  	s3 =	sand.u32 $0x4000, s31;
	s1 =	sadd.s32 s1, s30  }
0xbb: {  	s0 =	sor.u32 s3, s0;
	s1 =	sshll.u32 s1, $0x11  }
0xbc: {  	s0 =	sor.u32 s1, s0  }
0xbd: {  	s0 =	sadd.s32 $0x8F2B, s0  }
0xbe: {  	[sflag:s0] =	ssyncadd.remote.s32 $0x1  }
0xbf: {  	_ =	sfence.sel $0xFFFF  }
0xc0: {  	[dreg:$0x0] =	wrdreg $0xFFFFFFFF;
	(pc) =	sbr.abs _section_cstart, $3  }
0xc1: {  	[dreg:$0x1] =	wrdreg $0xFFFFFFFF  }
0xc2: {  	_ =	task.clear_ibuf [dreg:s7], $0x2FFFF;
	_ =	strace $0x9FFFFFFF  }
0xc3: {  	(tm) =	ssettm $0x7FFFFFFF  }
tec
execute0_lowered:
.L_overlay_start_1:
0x0: {  	(tag) =	ssettag $0x1  }
0x1: {  	s5 =	rddreg [dreg:$0x0]  }
0x2: {  	s6 =	rddreg [dreg:$0x1];
	s1 =	srdreg.scid  }
0x3: {  	s0 =	stileid.u32;
	s2 =	rddreg [dreg:$0x2];
	s3 =	simm.s32 $0x0  }
0x4: {  	s13 =	simm.s32 $0x1800;
	s14 =	simm.s32 $0x1A00;
	s15 =	simm.s32 $0x1900  }
0x5: {  	s16 =	simm.s32 $0x5A00;
	s17 =	simm.s32 $0x1;
	s8 =	smul.u32 $0x14000, s0  }
0x6: {  	s18 =	simm.s32 $0x1880;
	s19 =	simm.s32 $0x2;
	s11 =	smul.u32 $0x1800, s0  }
0x7: {  	s20 =	simm.s32 $0x1980;
	s7 =	sand.u32 $0x1, s1;
	s26 =	smul.u32 $0x50000, s0  }
0x8: {  	s21 =	simm.s32 $0x0;
	s1 =	rddreg [dreg:$0x3];
	s4 =	smul.u32 $0x140000, s7  }
0x9: {  	[smem:$0x7FF] =	sst s3;
	s9 =	smul.u32 $0x18000, s7;
	s7 =	ssub.s32 $0x2, s7  }
0xa: {  	s31 =	sshll.u32 s0, $0x6;
	_ =	strace $0x8000004D;
	s12 =	sshrl.u32 s7, $0x1  }
0xb: {  	s29 =	sshrl.u32 s26, $0x2;
	s30 =	sshrl.u32 s8, $0x3;
	s10 =	sadd.s32 s8, s4  }
0xc: {  	s4 =	sadd.s32 $0x1E00, s5;
	s9 =	sadd.s32 s11, s9;
	s12 =	ssub.s32 s7, s12  }
0xd: {  	s11 =	sadd.s32 s29, s2;
	s10 =	sshrl.u32 s10, $0x3;
	s28 =	sshrl.u32 s9, $0x3  }
0xe: {  	s8 =	smax.u32 s12, $0x1;
	s9 =	simm.s32 $0x3;
	s11 =	sshrl.u32 s11, $0x3  }
0xf: {  	s12 =	simm.s32 $0x80;
	s10 =	sadd.s32 s10, s5;
	s5 =	sadd.s32 s6, s28  }
0x10: {  	s6 =	sadd.s32 s4, s30;
	s7 =	sadd.s32 $0x29E00, s10;
	s10 =	sor.u32 $0x1C03, s31  }
.LBB2_1:
0x11: {  	[tilespmem:s3], [sflag:$0x3] =	stream.linear.gather [hbm4b:s5+s3], $0x1480, $0x38;
	[tilespmem:$0x1DA00] =	vst v63  }
0x12: {  	_ =	swait.ge [sflag:s9], $0x1480  }
0x13: {  	[sflag:s9] =	ssyncset.done $0x0  }
0x14: {  	[sflag:s9] =	ssyncadd.s32 $0xFFFFEB80  }
0x15: {  	[spmem:s11], [sflag:s10] =	dma.local [hbm:s6], $0x2800  }
0x16: {  	_ =	swait.ge [sflag:s9], $0x2800  }
0x17: {  	[sflag:s9] =	ssyncset.done $0x0  }
0x18: {  	[sflag:s9] =	ssyncadd.s32 $0xFFFFD800  }
0x19: {  	[bflag:$0x0] =	sbarrier.arrive $0xFFFF  }
0x1a: {  	v0 =	vld [tilespmem:$0x0];
	_ =	sdelay $0x1  }
0x1b: {  	v1 =	vld [tilespmem:$0x10];
	_ =	sdelay $0x1  }
0x1c: {  	v2 =	vld [tilespmem:$0x20]  }
0x1d: {  	v3 =	vand.u32 $0x7FFF, v0  }
0x1e: {  	v0 =	vshrl.u32 v0, $0xF;
	[tilespmem:$0x1800] =	vst v3;
	v3 =	vld [tilespmem:$0x30]  }
0x1f: {  	[tilespmem:$0x1880] =	vst v0;
	v0 =	vand.u32 $0x7FFF, v1  }
0x20: {  	[tilespmem:$0x1810] =	vst v0;
	v0 =	vshrl.u32 v1, $0xF;
	v1 =	vld [tilespmem:$0x40]  }
0x21: {  	[tilespmem:$0x1890] =	vst v0;
	v0 =	vand.u32 $0x7FFF, v2  }
0x22: {  	[tilespmem:$0x1820] =	vst v0;
	v0 =	vshrl.u32 v2, $0xF;
	v2 =	vld [tilespmem:$0x50]  }
0x23: {  	[tilespmem:$0x18A0] =	vst v0;
	v0 =	vand.u32 $0x7FFF, v3  }
0x24: {  	[tilespmem:$0x1830] =	vst v0;
	v0 =	vshrl.u32 v3, $0xF;
	v3 =	vld [tilespmem:$0x60]  }
0x25: {  	[tilespmem:$0x18B0] =	vst v0;
	v0 =	vand.u32 $0x7FFF, v1  }
0x26: {  	[tilespmem:$0x1840] =	vst v0;
	v0 =	vshrl.u32 v1, $0xF;
	v1 =	vld [tilespmem:$0x70]  }
0x27: {  	[tilespmem:$0x18C0] =	vst v0;
	v0 =	vand.u32 $0x7FFF, v2  }
0x28: {  	[tilespmem:$0x1850] =	vst v0;
	v0 =	vshrl.u32 v2, $0xF  }
0x29: {  	[tilespmem:$0x18D0] =	vst v0;
	v0 =	vand.u32 $0x7FFF, v3  }
0x2a: {  	[tilespmem:$0x1860] =	vst v0;
	v0 =	vshrl.u32 v3, $0xF  }
0x2b: {  	[tilespmem:$0x18E0] =	vst v0;
	v0 =	vand.u32 $0x7FFF, v1  }
0x2c: {  	[tilespmem:$0x1870] =	vst v0;
	v0 =	vshrl.u32 v1, $0xF  }
0x2d: {  	s22 =	simm.s32 $0x0;
	[tilespmem:$0x18F0] =	vst v0  }
0x2e: {  	[tilespmem:s14], [sflag:$0x1] =	stream.indirect.gather [hbm4b:s4+s12], $0x80, s13, s12, $0xb8;
	[tilespmem:$0x1DA00] =	vst v63  }
0x2f: {  	v0 =	vld [tilespmem:s22+$0x80];
	_ =	sdelay $0x4  }
0x30: {  	v1 =	vand.u32 $0x7FFF, v0  }
0x31: {  	v0 =	vshrl.u32 v0, $0xF;
	[tilespmem:$0x1900] =	vst v1  }
0x32: {  	[tilespmem:$0x1980] =	vst v0  }
0x33: {  	v0 =	vld [tilespmem:s22+$0x90];
	_ =	sdelay $0x4  }
0x34: {  	v1 =	vand.u32 $0x7FFF, v0  }
0x35: {  	v0 =	vshrl.u32 v0, $0xF;
	[tilespmem:$0x1910] =	vst v1  }
0x36: {  	[tilespmem:$0x1990] =	vst v0  }
0x37: {  	v0 =	vld [tilespmem:s22+$0xA0];
	_ =	sdelay $0x4  }
0x38: {  	v1 =	vand.u32 $0x7FFF, v0  }
0x39: {  	v0 =	vshrl.u32 v0, $0xF;
	[tilespmem:$0x1920] =	vst v1  }
0x3a: {  	[tilespmem:$0x19A0] =	vst v0  }
0x3b: {  	v0 =	vld [tilespmem:s22+$0xB0];
	_ =	sdelay $0x4  }
0x3c: {  	v1 =	vand.u32 $0x7FFF, v0  }
0x3d: {  	v0 =	vshrl.u32 v0, $0xF;
	[tilespmem:$0x1930] =	vst v1  }
0x3e: {  	[tilespmem:$0x19B0] =	vst v0  }
0x3f: {  	v0 =	vld [tilespmem:s22+$0xC0];
	_ =	sdelay $0x4  }
0x40: {  	v1 =	vand.u32 $0x7FFF, v0  }
0x41: {  	v0 =	vshrl.u32 v0, $0xF;
	[tilespmem:$0x1940] =	vst v1  }
0x42: {  	[tilespmem:$0x19C0] =	vst v0  }
0x43: {  	v0 =	vld [tilespmem:s22+$0xD0];
	_ =	sdelay $0x4  }
0x44: {  	v1 =	vand.u32 $0x7FFF, v0  }
0x45: {  	v0 =	vshrl.u32 v0, $0xF;
	[tilespmem:$0x1950] =	vst v1  }
0x46: {  	[tilespmem:$0x19D0] =	vst v0  }
0x47: {  	v0 =	vld [tilespmem:s22+$0xE0];
	_ =	sdelay $0x4  }
0x48: {  	v1 =	vand.u32 $0x7FFF, v0  }
0x49: {  	v0 =	vshrl.u32 v0, $0xF;
	[tilespmem:$0x1960] =	vst v1  }
0x4a: {  	[tilespmem:$0x19E0] =	vst v0  }
0x4b: {  	v0 =	vld [tilespmem:s22+$0xF0];
	_ =	sdelay $0x4  }
0x4c: {  	v1 =	vand.u32 $0x7FFF, v0  }
0x4d: {  	v0 =	vshrl.u32 v0, $0xF;
	[tilespmem:$0x1970] =	vst v1  }
0x4e: {  	[tilespmem:$0x19F0] =	vst v0  }
0x4f: {  	[tilespmem:s16], [sflag:$0x2] =	stream.indirect.gather [hbm4b:s4+s12], $0x80, s15, s12, $0xb8;
	[tilespmem:$0x1DA00] =	vst v63  }
0x50: {  	_ =	swait.ge [sflag:s17], $0x4000  }
0x51: {  	[sflag:s17] =	ssyncset.done $0x0  }
0x52: {  	[sflag:s17] =	ssyncadd.s32 $0xFFFFC000  }
0x53: {  	[spmem:s2] =	stream.indirect.scatter.add.f32 [tilespmem:s14], [sflag:$0x3], $0x80, s18, s12, $0xb8;
	[tilespmem:$0x1DA00] =	vst v63  }
0x54: {  	_ =	swait.ge [sflag:s9], $0x4000  }
0x55: {  	[sflag:s9] =	ssyncset.done $0x0  }
0x56: {  	[sflag:s9] =	ssyncadd.s32 $0xFFFFC000  }
0x57: {  	v0 =	vld [tilespmem:s22+$0x100];
	_ =	sdelay $0x4  }
0x58: {  	v1 =	vand.u32 $0x7FFF, v0  }
0x59: {  	v0 =	vshrl.u32 v0, $0xF;
	[tilespmem:$0x1800] =	vst v1  }
0x5a: {  	[tilespmem:$0x1880] =	vst v0  }
0x5b: {  	v0 =	vld [tilespmem:s22+$0x110];
	_ =	sdelay $0x4  }
0x5c: {  	v1 =	vand.u32 $0x7FFF, v0  }
0x5d: {  	v0 =	vshrl.u32 v0, $0xF;
	[tilespmem:$0x1810] =	vst v1  }
0x5e: {  	[tilespmem:$0x1890] =	vst v0  }
0x5f: {  	v0 =	vld [tilespmem:s22+$0x120];
	_ =	sdelay $0x4  }
0x60: {  	v1 =	vand.u32 $0x7FFF, v0  }
0x61: {  	v0 =	vshrl.u32 v0, $0xF;
	[tilespmem:$0x1820] =	vst v1  }
0x62: {  	[tilespmem:$0x18A0] =	vst v0  }
0x63: {  	v0 =	vld [tilespmem:s22+$0x130];
	_ =	sdelay $0x4  }
0x64: {  	v1 =	vand.u32 $0x7FFF, v0  }
0x65: {  	v0 =	vshrl.u32 v0, $0xF;
	[tilespmem:$0x1830] =	vst v1  }
0x66: {  	[tilespmem:$0x18B0] =	vst v0  }
0x67: {  	v0 =	vld [tilespmem:s22+$0x140];
	_ =	sdelay $0x4  }
0x68: {  	v1 =	vand.u32 $0x7FFF, v0  }
0x69: {  	v0 =	vshrl.u32 v0, $0xF;
	[tilespmem:$0x1840] =	vst v1  }
0x6a: {  	[tilespmem:$0x18C0] =	vst v0  }
0x6b: {  	v0 =	vld [tilespmem:s22+$0x150];
	_ =	sdelay $0x4  }
0x6c: {  	v1 =	vand.u32 $0x7FFF, v0  }
0x6d: {  	v0 =	vshrl.u32 v0, $0xF;
	[tilespmem:$0x1850] =	vst v1  }
0x6e: {  	[tilespmem:$0x18D0] =	vst v0  }
0x6f: {  	v0 =	vld [tilespmem:s22+$0x160];
	_ =	sdelay $0x4  }
0x70: {  	v1 =	vand.u32 $0x7FFF, v0  }
0x71: {  	s23 =	simm.s32 $0x400;
	v0 =	vshrl.u32 v0, $0xF;
	[tilespmem:$0x1860] =	vst v1  }
.LBB2_2:
0x72: {  	p0 =	sne.s32 s23, $0x4C00;
	[tilespmem:$0x18E0] =	vst v0;
	s24 =	smov.u32 s23;
	s23 =	sadd.s32 $0x400, s23  }
0x73: {  	v0 =	vld [tilespmem:s22+$0x170];
	_ =	sdelay $0x4  }
0x74: {  	v1 =	vand.u32 $0x7FFF, v0;
	v0 =	vshrl.u32 v0, $0xF  }
0x75: {  	[tilespmem:$0x1870] =	vst v1  }
0x76: {  	[tilespmem:$0x18F0] =	vst v0  }
0x77: {  	[tilespmem:s14], [sflag:$0x1] =	stream.indirect.gather [hbm4b:s4+s12], $0x80, s13, s12, $0xb8;
	[tilespmem:$0x1DA00] =	vst v63  }
0x78: {  	_ =	swait.ge [sflag:s19], $0x4000  }
0x79: {  	[sflag:s19] =	ssyncset.done $0x0  }
0x7a: {  	[sflag:s19] =	ssyncadd.s32 $0xFFFFC000  }
0x7b: {  	[spmem:s2] =	stream.indirect.scatter.add.f32 [tilespmem:s16], [sflag:$0x3], $0x80, s20, s12, $0xb8;
	[tilespmem:$0x1DA00] =	vst v63  }
0x7c: {  	_ =	swait.ge [sflag:s9], $0x4000  }
0x7d: {  	[sflag:s9] =	ssyncset.done $0x0  }
0x7e: {  	s22 =	sshra.s32 s24, $0x2;
	[sflag:s9] =	ssyncadd.s32 $0xFFFFC000  }
0x7f: {  	v0 =	vld [tilespmem:s22+$0x80];
	_ =	sdelay $0x4  }
0x80: {  	v1 =	vand.u32 $0x7FFF, v0;
	v0 =	vshrl.u32 v0, $0xF  }
0x81: {  	[tilespmem:$0x1900] =	vst v1  }
0x82: {  	[tilespmem:$0x1980] =	vst v0  }
0x83: {  	v0 =	vld [tilespmem:s22+$0x90];
	_ =	sdelay $0x4  }
0x84: {  	v1 =	vand.u32 $0x7FFF, v0;
	v0 =	vshrl.u32 v0, $0xF  }
0x85: {  	[tilespmem:$0x1910] =	vst v1  }
0x86: {  	[tilespmem:$0x1990] =	vst v0  }
0x87: {  	v0 =	vld [tilespmem:s22+$0xA0];
	_ =	sdelay $0x4  }
0x88: {  	v1 =	vand.u32 $0x7FFF, v0;
	v0 =	vshrl.u32 v0, $0xF  }
0x89: {  	[tilespmem:$0x1920] =	vst v1  }
0x8a: {  	[tilespmem:$0x19A0] =	vst v0  }
0x8b: {  	v0 =	vld [tilespmem:s22+$0xB0];
	_ =	sdelay $0x4  }
0x8c: {  	v1 =	vand.u32 $0x7FFF, v0;
	v0 =	vshrl.u32 v0, $0xF  }
0x8d: {  	[tilespmem:$0x1930] =	vst v1  }
0x8e: {  	[tilespmem:$0x19B0] =	vst v0  }
0x8f: {  	v0 =	vld [tilespmem:s22+$0xC0];
	_ =	sdelay $0x4  }
0x90: {  	v1 =	vand.u32 $0x7FFF, v0;
	v0 =	vshrl.u32 v0, $0xF  }
0x91: {  	[tilespmem:$0x1940] =	vst v1  }
0x92: {  	[tilespmem:$0x19C0] =	vst v0  }
0x93: {  	v0 =	vld [tilespmem:s22+$0xD0];
	_ =	sdelay $0x4  }
0x94: {  	v1 =	vand.u32 $0x7FFF, v0;
	v0 =	vshrl.u32 v0, $0xF  }
0x95: {  	[tilespmem:$0x1950] =	vst v1  }
0x96: {  	[tilespmem:$0x19D0] =	vst v0  }
0x97: {  	v0 =	vld [tilespmem:s22+$0xE0];
	_ =	sdelay $0x4  }
0x98: {  	v1 =	vand.u32 $0x7FFF, v0;
	v0 =	vshrl.u32 v0, $0xF  }
0x99: {  	[tilespmem:$0x1960] =	vst v1  }
0x9a: {  	[tilespmem:$0x19E0] =	vst v0  }
0x9b: {  	v0 =	vld [tilespmem:s22+$0xF0];
	_ =	sdelay $0x4  }
0x9c: {  	v1 =	vand.u32 $0x7FFF, v0;
	v0 =	vshrl.u32 v0, $0xF  }
0x9d: {  	[tilespmem:$0x1970] =	vst v1  }
0x9e: {  	[tilespmem:$0x19F0] =	vst v0  }
0x9f: {  	[tilespmem:s16], [sflag:$0x2] =	stream.indirect.gather [hbm4b:s4+s12], $0x80, s15, s12, $0xb8;
	[tilespmem:$0x1DA00] =	vst v63  }
0xa0: {  	_ =	swait.ge [sflag:s17], $0x4000  }
0xa1: {  	[sflag:s17] =	ssyncset.done $0x0  }
0xa2: {  	[sflag:s17] =	ssyncadd.s32 $0xFFFFC000  }
0xa3: {  	[spmem:s2] =	stream.indirect.scatter.add.f32 [tilespmem:s14], [sflag:$0x3], $0x80, s18, s12, $0xb8;
	[tilespmem:$0x1DA00] =	vst v63  }
0xa4: {  	_ =	swait.ge [sflag:s9], $0x4000  }
0xa5: {  	[sflag:s9] =	ssyncset.done $0x0  }
0xa6: {  	[sflag:s9] =	ssyncadd.s32 $0xFFFFC000  }
0xa7: {  	v0 =	vld [tilespmem:s22+$0x100];
	_ =	sdelay $0x4  }
0xa8: {  	v1 =	vand.u32 $0x7FFF, v0;
	v0 =	vshrl.u32 v0, $0xF  }
0xa9: {  	[tilespmem:$0x1800] =	vst v1  }
0xaa: {  	[tilespmem:$0x1880] =	vst v0  }
0xab: {  	v0 =	vld [tilespmem:s22+$0x110];
	_ =	sdelay $0x4  }
0xac: {  	v1 =	vand.u32 $0x7FFF, v0;
	v0 =	vshrl.u32 v0, $0xF  }
0xad: {  	[tilespmem:$0x1810] =	vst v1  }
0xae: {  	[tilespmem:$0x1890] =	vst v0  }
0xaf: {  	v0 =	vld [tilespmem:s22+$0x120];
	_ =	sdelay $0x4  }
0xb0: {  	v1 =	vand.u32 $0x7FFF, v0;
	v0 =	vshrl.u32 v0, $0xF  }
0xb1: {  	[tilespmem:$0x1820] =	vst v1  }
0xb2: {  	[tilespmem:$0x18A0] =	vst v0  }
0xb3: {  	v0 =	vld [tilespmem:s22+$0x130];
	_ =	sdelay $0x4  }
0xb4: {  	v1 =	vand.u32 $0x7FFF, v0;
	v0 =	vshrl.u32 v0, $0xF  }
0xb5: {  	[tilespmem:$0x1830] =	vst v1  }
0xb6: {  	[tilespmem:$0x18B0] =	vst v0  }
0xb7: {  	v0 =	vld [tilespmem:s22+$0x140];
	_ =	sdelay $0x4  }
0xb8: {  	v1 =	vand.u32 $0x7FFF, v0;
	v0 =	vshrl.u32 v0, $0xF  }
0xb9: {  	[tilespmem:$0x1840] =	vst v1  }
0xba: {  	[tilespmem:$0x18C0] =	vst v0  }
0xbb: {  	v0 =	vld [tilespmem:s22+$0x150];
	_ =	sdelay $0x4  }
0xbc: {  	v1 =	vand.u32 $0x7FFF, v0;
	v0 =	vshrl.u32 v0, $0xF  }
0xbd: {  	[tilespmem:$0x1850] =	vst v1  }
0xbe: {  	[tilespmem:$0x18D0] =	vst v0  }
0xbf: {  	v0 =	vld [tilespmem:s22+$0x160];
	_ =	sdelay $0x1  }
.Ltmp0:
0xc0: {  	(pc) =	sbr.rel @p0 .LBB2_2-.Ltmp0, $3  }
0xc1: {  	_ =	sdelay $0x1  }
0xc2: {  	v1 =	vand.u32 $0x7FFF, v0;
	v0 =	vshrl.u32 v0, $0xF  }
0xc3: {  	[tilespmem:$0x1860] =	vst v1  }
0xc4: {  	[tilespmem:$0x18E0] =	vst v0  }
0xc5: {  	v0 =	vld [tilespmem:s22+$0x170];
	_ =	sdelay $0x4  }
0xc6: {  	v1 =	vand.u32 $0x7FFF, v0  }
0xc7: {  	v0 =	vshrl.u32 v0, $0xF;
	[tilespmem:$0x1870] =	vst v1  }
0xc8: {  	[tilespmem:$0x18F0] =	vst v0  }
0xc9: {  	[tilespmem:s14], [sflag:$0x1] =	stream.indirect.gather [hbm4b:s4+s12], $0x80, s13, s12, $0xb8;
	[tilespmem:$0x1DA00] =	vst v63  }
0xca: {  	_ =	swait.ge [sflag:s19], $0x4000  }
0xcb: {  	[sflag:s19] =	ssyncset.done $0x0  }
0xcc: {  	[sflag:s19] =	ssyncadd.s32 $0xFFFFC000  }
0xcd: {  	[spmem:s2] =	stream.indirect.scatter.add.f32 [tilespmem:s16], [sflag:$0x3], $0x80, s20, s12, $0xb8;
	[tilespmem:$0x1DA00] =	vst v63  }
0xce: {  	_ =	swait.ge [sflag:s9], $0x4000  }
0xcf: {  	[sflag:s9] =	ssyncset.done $0x0  }
0xd0: {  	[sflag:s9] =	ssyncadd.s32 $0xFFFFC000  }
0xd1: {  	_ =	swait.ge [sflag:s17], $0x4000  }
0xd2: {  	[sflag:s17] =	ssyncset.done $0x0  }
0xd3: {  	[sflag:s17] =	ssyncadd.s32 $0xFFFFC000  }
0xd4: {  	[spmem:s2] =	stream.indirect.scatter.add.f32 [tilespmem:s14], [sflag:$0x3], $0x80, s18, s12, $0xb8;
	[tilespmem:$0x1DA00] =	vst v63  }
0xd5: {  	_ =	swait.ge [sflag:s9], $0x4000  }
0xd6: {  	s21 =	sadd.s32 $0x1, s21;
	[sflag:s9] =	ssyncset.done $0x0  }
0xd7: {  	p0 =	sne.s32 s21, s8;
	[sflag:s9] =	ssyncadd.s32 $0xFFFFC000  }
.Ltmp1:
0xd8: {  	[bflag:$0x0] =	sbarrier.arrive $0xFFFF;
	(pc) =	sbr.rel @p0 .LBB2_1-.Ltmp1, $4  }
0xd9: {  	[hbm:s7], [sflag:s10] =	dma.local [spmem:s11], $0x2800  }
0xda: {  	_ =	swait.ge [sflag:s9], $0x2800  }
0xdb: {  	[sflag:s9] =	ssyncset.done $0x0  }
0xdc: {  	[sflag:s9] =	ssyncadd.s32 $0xFFFFD800  }
0xdd: {  	_ =	sfence.sel $0x180000  }
0xde: {  	[bflag:$0x0] =	sbarrier.arrive $0xFFFF  }
0xdf: {  	p0 =	sne.s32 s0, $0x0;
	_ =	strace $0x9000004D  }
0xe0: {  	s0 =	sadd.s32 @!p0 $0x100000, s1;
	[bflag:$0x2] =	sbarrier.arrive $0xFFFF  }
0xe1: {  	[sflag:s0] =	ssyncadd.tile.s32 @!p0 $0x1;
	_ =	shalt  }
.Lfunc_end2:
_tile_overlayer_lowered:
.L_overlay_start_2:
0xe2: {  	(tag) =	ssettag $0x2  }
0xe3: {  	s0 =	rddreg [dreg:$0x0];
	s2 =	stileid.u32  }
0xe4: {  	s1 =	rddreg [dreg:$0x1];
	p0 =	sne.s32 s2, $0x0  }
0xe5: {  	s3 =	rddreg [dreg:$0x2];
	[bflag:$0x3] =	sbarrier.arrive $0xFFFF;
	s2 =	simm.s32 @!p0 $0x1C03  }
0xe6: {  	[timem:s3], [sflag:s2] =	dma.local @!p0 [hbm:s0], s1  }
0xe7: {  	s0 =	simm.s32 @!p0 $0x3  }
0xe8: {  	_ =	swait.ge @!p0 [sflag:s0], s1  }
0xe9: {  	s1 =	ssub.s32 @!p0 $0x0, s1;
	[sflag:s0] =	ssyncset.done @!p0 $0x0  }
0xea: {  	[sflag:s0] =	ssyncadd.s32 @!p0 s1  }
0xeb: {  	[bflag:$0x3] =	sbarrier.arrive $0xFFFF  }
0xec: {  	_ =	shalt  }

// kernel: kernel.8.cloned.1.call-start
scs
__scs_entry_jumppad:
0x0: {  	(pc) =	sbr.rel $0x88, $3  }
0x1: {  	(tag) =	ssettag $0x0;
	lr =	simm.s32 $0x1  }
0x2: {  	[smem:$0x3F9B] =	sst lr;
	_ =	strace $0xD0000000  }
0x3: {  	_ = 	snop  }
0x4: {  	_ = 	snop  }
0x5: {  	_ = 	snop  }
0x6: {  	_ = 	snop  }
0x7: {  	_ = 	snop  }
__scs_overlays_trampoline_lowered:
0x8: {  	[smem:$0x3FAA] =	sst s0  }
0x9: {  	[smem:$0x3FAB] =	sst s1  }
0xa: {  	[smem:$0x3FAC] =	sst s2  }
0xb: {  	[smem:$0x3FAD] =	sst s3  }
0xc: {  	[smem:$0x3FAE] =	sst s4  }
0xd: {  	[smem:$0x3FAF] =	sst s5  }
0xe: {  	[smem:$0x3FB0] =	sst s6  }
0xf: {  	[smem:$0x3FB1] =	sst s7  }
0x10: {  	[smem:$0x3FB2] =	sst s8  }
0x11: {  	[smem:$0x3FB3] =	sst s9;
	s0 =	simm.s32 @!p0 $0x0  }
0x12: {  	s1 =	sld [smem:$0x3F99];
	s0 =	simm.s32 @p0 $0x1  }
0x13: {  	[smem:$0x3FB4] =	sst s0;
	s0 =	simm.s32 @!p1 $0x0  }
0x14: {  	s2 =	sld [smem:$0x3F98];
	s0 =	simm.s32 @p1 $0x1  }
0x15: {  	[smem:$0x3FB5] =	sst s0;
	s0 =	simm.s32 @!p2 $0x0  }
0x16: {  	s3 =	sld [smem:$0x3FDB];
	s0 =	simm.s32 @p2 $0x1  }
0x17: {  	s4 =	simm.s32 $0x1BF5;
	[smem:$0x3FB7] =	sst s0  }
0x18: {  	s0 =	sld [smem:$0x3F9A];
	_ =	swait.ge [sflag:s4], $0x0  }
0x19: {  	s7 =	sld [smem:$0x3F9B]  }
0x1a: {  	s8 =	sadd.s32 $0xFFFFE003, lr  }
0x1b: {  	s9 =	sadd.s32 $0xFFFFFEF7, lr;
	s5 =	simm.s32 $0xFFFFFFFF;
	p2 =	slt.u32 s8, $0xFFFFF086  }
0x1c: {  	p1 =	slt.u32 s9, $0xF7A;
	s5 =	simm.s32 @!p2 $0x0  }
0x1d: {  	s5 =	simm.s32 @p1 $0x1;
	p0 =	seq.s32 s7, s2  }
0x1e: {  	s7 =	smul.u32 @!p0 $0xF7A, s2;
	p2 =	seq.s32 @!p0 s5, $0x0  }
0x1f: {  	s9 =	smul.u32 $0xF7A, s1;
	s8 =	simm.s32 @!p0 $0x1BF5;
	p2 =	por !p2, p0  }
0x20: {  	[sflag:s8] =	ssyncset.s32 @!p0 $0xFFFFF086;
	s6 =	sadd.s32 @!p0 s3, s7;
	s7 =	simm.s32 @!p0 $0x108  }
0x21: {  	s3 =	sadd.s32 s3, s9;
	s6 =	sadd.s32 @!p0 $0x88, s6;
	s7 =	simm.s32 @p2 $0x1082  }
0x22: {  	[simem:s7], [sflag:s8] =	dma.local @!p0 [hbm:s6], $0xF7A  }
0x23: {  	s9 =	sor.u32 $0xD0000000, s2;
	s6 =	simm.s32 $0x108;
	_ =	swait.ge @!p0 [sflag:s8], $0x0  }
0x24: {  	s3 =	sadd.s32 $0x88, s3;
	s6 =	simm.s32 @!p1 $0x1082;
	[sflag:s4] =	ssyncset.s32 $0xFFFFF086  }
0x25: {  	[simem:s6], [sflag:s4] =	dma.local [hbm:s3], $0xF7A  }
0x26: {  	[smem:$0x3F9B] =	sst s1;
	(tag) =	ssettag s2;
	_ =	strace s9  }
0x27: {  	s1 =	sld [smem:$0x3FAB]  }
0x28: {  	s2 =	sld [smem:$0x3FAC]  }
0x29: {  	s4 =	sld [smem:$0x3FAE]  }
0x2a: {  	p0 =	seq.s32 s5, $0x0;
	s5 =	sld [smem:$0x3FAF]  }
0x2b: {  	s6 =	sld [smem:$0x3FB0]  }
0x2c: {  	s7 =	sld [smem:$0x3FB1]  }
0x2d: {  	s3 =	simm.s32 $0x108;
	s8 =	sld [smem:$0x3FB2]  }
0x2e: {  	s3 =	simm.s32 @!p0 $0x1082;
	s9 =	sld [smem:$0x3FB3]  }
0x2f: {  	lr =	sadd.s32 s0, s3;
	s0 =	sld [smem:$0x3FAA]  }
0x30: {  	s3 =	sld [smem:$0x3FAD]  }
0x31: {  	[smem:$0x3FB6] =	sst s10  }
0x32: {  	s10 =	sld [smem:$0x3FB4];
	_ =	sdelay $0x3  }
0x33: {  	p0 =	seq.s32 s10, $0x1;
	s10 =	sld [smem:$0x3FB6];
	_ =	sdelay $0x3  }
0x34: {  	[smem:$0x3FB6] =	sst s10  }
0x35: {  	s10 =	sld [smem:$0x3FB5];
	_ =	sdelay $0x3  }
0x36: {  	p1 =	seq.s32 s10, $0x1;
	s10 =	sld [smem:$0x3FB6];
	_ =	sdelay $0x3  }
0x37: {  	[smem:$0x3FB6] =	sst s10  }
0x38: {  	s10 =	sld [smem:$0x3FB7]  }
0x39: {  	_ = 	snop;
	(pc) =	sbr.ind lr, $3  }
0x3a: {  	_ = 	snop  }
0x3b: {  	_ = 	snop  }
0x3c: {  	p2 =	seq.s32 s10, $0x1;
	s10 =	sld [smem:$0x3FB6]  }
0x3d: {  	_ =	shalt  }
0x3e: {  	_ =	shalt  }
0x3f: {  	_ =	shalt  }
0x40: {  	_ =	shalt  }
0x41: {  	_ =	shalt  }
0x42: {  	_ =	shalt  }
0x43: {  	_ =	shalt  }
0x44: {  	_ =	shalt  }
0x45: {  	_ =	shalt  }
0x46: {  	_ =	shalt  }
0x47: {  	_ =	shalt  }
0x48: {  	_ =	shalt  }
0x49: {  	_ =	shalt  }
0x4a: {  	_ =	shalt  }
0x4b: {  	_ =	shalt  }
0x4c: {  	_ =	shalt  }
0x4d: {  	_ =	shalt  }
0x4e: {  	_ =	shalt  }
0x4f: {  	_ =	shalt  }
0x50: {  	_ =	shalt  }
0x51: {  	_ =	shalt  }
0x52: {  	_ =	shalt  }
0x53: {  	_ =	shalt  }
0x54: {  	_ =	shalt  }
0x55: {  	_ =	shalt  }
0x56: {  	_ =	shalt  }
0x57: {  	_ =	shalt  }
0x58: {  	_ =	shalt  }
0x59: {  	_ =	shalt  }
0x5a: {  	_ =	shalt  }
0x5b: {  	_ =	shalt  }
0x5c: {  	_ =	shalt  }
0x5d: {  	_ =	shalt  }
0x5e: {  	_ =	shalt  }
0x5f: {  	_ =	shalt  }
0x60: {  	_ =	shalt  }
0x61: {  	_ =	shalt  }
0x62: {  	_ =	shalt  }
0x63: {  	_ =	shalt  }
0x64: {  	_ =	shalt  }
0x65: {  	_ =	shalt  }
0x66: {  	_ =	shalt  }
0x67: {  	_ =	shalt  }
0x68: {  	_ =	shalt  }
0x69: {  	_ =	shalt  }
0x6a: {  	_ =	shalt  }
0x6b: {  	_ =	shalt  }
0x6c: {  	_ =	shalt  }
0x6d: {  	_ =	shalt  }
0x6e: {  	_ =	shalt  }
0x6f: {  	_ =	shalt  }
0x70: {  	_ =	shalt  }
0x71: {  	_ =	shalt  }
0x72: {  	_ =	shalt  }
0x73: {  	_ =	shalt  }
0x74: {  	_ =	shalt  }
0x75: {  	_ =	shalt  }
0x76: {  	_ =	shalt  }
0x77: {  	_ =	shalt  }
0x78: {  	_ =	shalt  }
0x79: {  	_ =	shalt  }
0x7a: {  	_ =	shalt  }
0x7b: {  	_ =	shalt  }
0x7c: {  	_ =	shalt  }
0x7d: {  	_ =	shalt  }
0x7e: {  	_ =	shalt  }
0x7f: {  	_ =	shalt  }
0x80: {  	_ =	shalt  }
0x81: {  	_ =	shalt  }
0x82: {  	_ =	shalt  }
0x83: {  	_ =	shalt  }
0x84: {  	_ =	shalt  }
0x85: {  	_ =	shalt  }
0x86: {  	_ =	shalt  }
0x87: {  	_ =	shalt  }
.Lfunc_end0:
.L_simem_size_0:
called_computation_lowered:
.L_overlay_start_0:
0x88: {  	s2 =	sld [smem:$0x3FD9]  }
0x89: {  	s3 =	sld [smem:$0x3FFE];
	_ =	sdelay $0x1  }
0x8a: {  	s1 =	srdreg.scid  }
0x8b: {  	s0 =	sand.u32 $0x1, s1  }
0x8c: {  	s17 =	sshll.u32 s0, $0xA;
	s2 =	sadd.s32 s3, s2  }
0x8d: {  	s2 =	sadd.s32 s2, s17  }
0x8e: {  	[smem:$0x3FC2] =	sst s2  }
0x8f: {  	_ = 	snop  }
0x90: {  	s2 =	sld [smem:$0x3FD0];
	(tm) =	ssettm $0x1  }
0x91: {  	s18 =	sld [smem:$0x3FFB];
	_ =	sdelay $0x3  }
0x92: {  	_ =	strace s18  }
0x93: {  	s3 =	sld [smem:$0x3FFC];
	_ =	sdelay $0x3  }
0x94: {  	_ =	strace s3  }
0x95: {  	s3 =	sld [smem:$0x3FFD];
	_ =	sdelay $0x3  }
0x96: {  	_ =	strace s3  }
0x97: {  	_ =	strace $0x8FFFFFFF  }
0x98: {  	s19 =	sld [smem:$0x3FDB];
	_ =	sdelay $0x1  }
0x99: {  	s4 =	simm.s32 $_scs_section_size  }
0x9a: {  	s5 =	simm.s32 $_size__tile_overlayer_lowered;
	s6 =	simm.s32 $_tile_overlayer_lowered  }
0x9b: {  	s22 =	simm.s32 $0x1BFF;
	s21 =	sshll.u32 s6, $0x1;
	s3 =	sadd.s32 s4, s19  }
0x9c: {  	s7 =	simm.s32 $0x0;
	s20 =	sshll.u32 s5, $0x1;
	s5 =	sadd.s32 s21, s3  }
0x9d: {  	[timem:s7], [sflag:s22] =	dma.local [hbm:s5], s20  }
0x9e: {  	_ =	swait.ge [sflag:s22], s20  }
0x9f: {  	s4 =	ssub.s32 $0x0, s20;
	[sflag:s22] =	ssyncset.done $0x0  }
0xa0: {  	[sflag:s22] =	ssyncadd.s32 s4;
	_ =	sdelay $0x1  }
0xa1: {  	s23 =	simm.s32 $0x1B8B  }
0xa2: {  	_ =	swait.ge [sflag:s23], $0x1  }
0xa3: {  	[sflag:s23] =	ssyncset.done $0x0  }
0xa4: {  	s25 =	simm.s32 $0x1B8E;
	s24 =	sld [smem:$0x3FFE];
	[sflag:s23] =	ssyncadd.s32 $0xFFFFFFFF  }
0xa5: {  	s26 =	simm.s32 $execute0_lowered;
	[smem:$0x3FD2] =	sst s25  }
0xa6: {  	s5 =	sshll.u32 s26, $0x1;
	_ =	strace $0x80000046;
	[dreg:$0x1] =	wrdreg $0xFFFFFFFF  }
0xa7: {  	s28 =	simm.s32 $_size_execute0_lowered;
	s3 =	sadd.s32 s3, s5;
	[dreg:$0x0] =	wrdreg $0x0  }
0xa8: {  	s5 =	sshll.u32 s28, $0x1;
	[dreg:$0x2] =	wrdreg s3  }
0xa9: {  	[dreg:$0x3] =	wrdreg s5  }
0xaa: {  	[dreg:$0x4] =	wrdreg $0xC0  }
0xab: {  	_ =	task [dreg:s7], $0x5FFFF  }
0xac: {  	[dreg:$0x1] =	wrdreg $0xFFFFFFFF  }
0xad: {  	[dreg:$0x0] =	wrdreg $0x60  }
0xae: {  	[dreg:$0x2] =	wrdreg s2  }
0xaf: {  	[dreg:$0x3] =	wrdreg s24  }
0xb0: {  	[dreg:$0x4] =	wrdreg $0x19800  }
0xb1: {  	[dreg:$0x5] =	wrdreg $0x9  }
0xb2: {  	_ =	task.clear_ibuf [dreg:s7], $0x6FFFF;
	_ =	strace $0x90000046  }
0xb3: {  	s29 =	simm.s32 $0x9;
	_ =	strace $0x80000048  }
0xb4: {  	_ =	swait.ge [sflag:s29], $0x1  }
0xb5: {  	[sflag:s29] =	ssyncadd.s32 $0xFFFFFFFF  }
0xb6: {  	_ =	strace $0x90000048  }
0xb7: {  	_ =	sfence  }
0xb8: {  	s30 =	sld [smem:$0x0];
	_ =	sdelay $0x2  }
0xb9: {  	s31 =	sshll.u32 s1, $0xD;
	s1 =	sshrl.u32 s1, $0x2  }
0xba: {  	s3 =	sand.u32 $0x4000, s31;
	s1 =	sadd.s32 s1, s30  }
0xbb: {  	s0 =	sor.u32 s3, s0;
	s1 =	sshll.u32 s1, $0x11  }
0xbc: {  	s0 =	sor.u32 s1, s0  }
0xbd: {  	s0 =	sadd.s32 $0x8F2B, s0  }
0xbe: {  	[sflag:s0] =	ssyncadd.remote.s32 $0x1  }
0xbf: {  	_ =	sfence.sel $0xFFFF  }
0xc0: {  	[dreg:$0x0] =	wrdreg $0xFFFFFFFF;
	(pc) =	sbr.abs _section_cstart, $3  }
0xc1: {  	[dreg:$0x1] =	wrdreg $0xFFFFFFFF  }
0xc2: {  	_ =	task.clear_ibuf [dreg:s7], $0x2FFFF;
	_ =	strace $0x9FFFFFFF  }
0xc3: {  	(tm) =	ssettm $0x7FFFFFFF  }
tec
execute0_lowered:
.L_overlay_start_1:
0x0: {  	(tag) =	ssettag $0x1  }
0x1: {  	s4 =	rddreg [dreg:$0x0]  }
0x2: {  	s1 =	srdreg.scid;
	s5 =	rddreg [dreg:$0x1]  }
0x3: {  	s0 =	stileid.u32;
	s2 =	rddreg [dreg:$0x2];
	s3 =	simm.s32 $0x0  }
0x4: {  	s12 =	simm.s32 $0x1;
	s13 =	simm.s32 $0x1900;
	s14 =	simm.s32 $0x80  }
0x5: {  	s15 =	simm.s32 $0x1800;
	s16 =	simm.s32 $0x1880;
	s7 =	smul.u32 $0x280, s0  }
0x6: {  	s6 =	sand.u32 $0x1, s1;
	s1 =	rddreg [dreg:$0x3];
	s10 =	smul.u32 $0x1800, s0  }
0x7: {  	s19 =	simm.s32 $0x0;
	[smem:$0x7FF] =	sst s3;
	s8 =	smul.u32 $0x2800, s6  }
0x8: {  	s17 =	sshll.u32 s0, $0x6;
	s9 =	smul.u32 $0x18000, s6;
	s6 =	ssub.s32 $0x2, s6  }
0x9: {  	_ =	strace $0x80000047;
	s17 =	sor.u32 $0x1C01, s17;
	s30 =	sshrl.u32 s6, $0x1  }
0xa: {  	s8 =	sadd.s32 s7, s8;
	s9 =	sadd.s32 s10, s9;
	s11 =	ssub.s32 s6, s30  }
0xb: {  	s8 =	sshrl.u32 s8, $0x3;
	s31 =	sshrl.u32 s9, $0x3;
	s11 =	smax.u32 s11, $0x1  }
0xc: {  	s29 =	sadd.s32 s8, s5;
	s4 =	sadd.s32 s4, s31;
	s5 =	sadd.s32 s7, s2  }
0xd: {  	s6 =	sadd.s32 $0x80, s5;
	s7 =	sadd.s32 $0x100, s5;
	s8 =	sadd.s32 $0x180, s5  }
0xe: {  	v0 =	vimm.f32 $1.000000000e+00;
	v1 =	vimm.f32 $0.0e+00;
	s9 =	sadd.s32 $0x200, s5;
	s10 =	sadd.s32 $0x1E00, s29;
	s18 =	sshrl.u32 s5, $0x3  }
.LBB2_1:
0xf: {  	[tilespmem:s3], [sflag:$0x1] =	stream.linear.gather [hbm4b:s4+s3], $0x1480, $0x38;
	[tilespmem:$0x1C00] =	vst v63  }
0x10: {  	_ =	swait.ge [sflag:s12], $0x1480  }
0x11: {  	[sflag:s12] =	ssyncset.done $0x0  }
0x12: {  	[sflag:s12] =	ssyncadd.s32 $0xFFFFEB80  }
0x13: {  	[tilespmem:$0x1880] =	vst v0  }
0x14: {  	[tilespmem:$0x1900] =	vst v1  }
0x15: {  	[tilespmem:$0x1890] =	vst v0  }
0x16: {  	[tilespmem:$0x1910] =	vst v1  }
0x17: {  	[tilespmem:$0x18A0] =	vst v0  }
0x18: {  	[tilespmem:$0x1920] =	vst v1  }
0x19: {  	[tilespmem:$0x18B0] =	vst v0  }
0x1a: {  	[tilespmem:$0x1930] =	vst v1  }
0x1b: {  	[tilespmem:$0x18C0] =	vst v0  }
0x1c: {  	[tilespmem:$0x1940] =	vst v1  }
0x1d: {  	[tilespmem:$0x18D0] =	vst v0  }
0x1e: {  	[tilespmem:$0x1950] =	vst v1  }
0x1f: {  	[tilespmem:$0x18E0] =	vst v0  }
0x20: {  	[tilespmem:$0x1960] =	vst v1  }
0x21: {  	[tilespmem:$0x18F0] =	vst v0  }
0x22: {  	[tilespmem:$0x1970] =	vst v1  }
0x23: {  	[spmem:s5] =	stream.linear.scatter [tilespmem:s13], [sflag:$0x1], $0x80, $0x38;
	[tilespmem:$0x1C00] =	vst v63  }
0x24: {  	_ =	swait.ge [sflag:s12], $0x80  }
0x25: {  	[sflag:s12] =	ssyncset.done $0x0  }
0x26: {  	[sflag:s12] =	ssyncadd.s32 $0xFFFFFF80  }
0x27: {  	[spmem:s6] =	stream.linear.scatter [tilespmem:s13], [sflag:$0x1], $0x80, $0x38;
	[tilespmem:$0x1C00] =	vst v63  }
0x28: {  	_ =	swait.ge [sflag:s12], $0x80  }
0x29: {  	[sflag:s12] =	ssyncset.done $0x0  }
0x2a: {  	[sflag:s12] =	ssyncadd.s32 $0xFFFFFF80  }
0x2b: {  	[spmem:s7] =	stream.linear.scatter [tilespmem:s13], [sflag:$0x1], $0x80, $0x38;
	[tilespmem:$0x1C00] =	vst v63  }
0x2c: {  	_ =	swait.ge [sflag:s12], $0x80  }
0x2d: {  	[sflag:s12] =	ssyncset.done $0x0  }
0x2e: {  	[sflag:s12] =	ssyncadd.s32 $0xFFFFFF80  }
0x2f: {  	[spmem:s8] =	stream.linear.scatter [tilespmem:s13], [sflag:$0x1], $0x80, $0x38;
	[tilespmem:$0x1C00] =	vst v63  }
0x30: {  	_ =	swait.ge [sflag:s12], $0x80  }
0x31: {  	[sflag:s12] =	ssyncset.done $0x0  }
0x32: {  	[sflag:s12] =	ssyncadd.s32 $0xFFFFFF80  }
0x33: {  	[spmem:s9] =	stream.linear.scatter [tilespmem:s13], [sflag:$0x1], $0x80, $0x38;
	[tilespmem:$0x1C00] =	vst v63  }
0x34: {  	_ =	swait.ge [sflag:s12], $0x80  }
0x35: {  	[sflag:s12] =	ssyncset.done $0x0  }
0x36: {  	[sflag:s12] =	ssyncadd.s32 $0xFFFFFF80  }
0x37: {  	s20 =	simm.s32 $0x0;
	[bflag:$0x0] =	sbarrier.arrive $0xFFFF  }
0x38: {  	v2 =	vld [tilespmem:s20+$0x0];
	_ =	sdelay $0x4  }
0x39: {  	v2 =	vshrl.u32 v2, $0xF  }
0x3a: {  	[tilespmem:$0x1800] =	vst v2  }
0x3b: {  	v2 =	vld [tilespmem:s20+$0x10];
	_ =	sdelay $0x4  }
0x3c: {  	v2 =	vshrl.u32 v2, $0xF  }
0x3d: {  	[tilespmem:$0x1810] =	vst v2  }
0x3e: {  	v2 =	vld [tilespmem:s20+$0x20];
	_ =	sdelay $0x4  }
0x3f: {  	v2 =	vshrl.u32 v2, $0xF  }
0x40: {  	[tilespmem:$0x1820] =	vst v2  }
0x41: {  	v2 =	vld [tilespmem:s20+$0x30];
	_ =	sdelay $0x4  }
0x42: {  	v2 =	vshrl.u32 v2, $0xF  }
0x43: {  	[tilespmem:$0x1830] =	vst v2  }
0x44: {  	v2 =	vld [tilespmem:s20+$0x40];
	_ =	sdelay $0x4  }
0x45: {  	v2 =	vshrl.u32 v2, $0xF  }
0x46: {  	[tilespmem:$0x1840] =	vst v2  }
0x47: {  	v2 =	vld [tilespmem:s20+$0x50];
	_ =	sdelay $0x4  }
0x48: {  	v2 =	vshrl.u32 v2, $0xF  }
0x49: {  	[tilespmem:$0x1850] =	vst v2  }
0x4a: {  	v2 =	vld [tilespmem:s20+$0x60];
	_ =	sdelay $0x4  }
0x4b: {  	v2 =	vshrl.u32 v2, $0xF  }
0x4c: {  	[tilespmem:$0x1860] =	vst v2  }
0x4d: {  	v2 =	vld [tilespmem:s20+$0x70];
	_ =	sdelay $0x4  }
0x4e: {  	v2 =	vshrl.u32 v2, $0xF  }
0x4f: {  	[tilespmem:$0x1870] =	vst v2  }
0x50: {  	[spmem:s2] =	stream.indirect.scatter.add.f32 [tilespmem:s16], [sflag:$0x1], $0x1, s15, s14, $0xb8;
	[tilespmem:$0x1C00] =	vst v63  }
0x51: {  	_ =	swait.ge [sflag:s12], $0x80  }
0x52: {  	s23 =	simm.s32 $0x400;
	s20 =	simm.s32 $0x200;
	[sflag:s12] =	ssyncset.done $0x0  }
.LBB2_2:
0x53: {  	s22 =	sshra.s32 s20, $0x2  }
0x54: {  	[sflag:s12] =	ssyncadd.s32 $0xFFFFFF80;
	s20 =	smov.u32 s23;
	s21 =	sadd.s32 $0x200, s23  }
0x55: {  	p0 =	sne.s32 s23, $0x5000;
	v2 =	vld [tilespmem:s22+$0x0];
	_ =	sdelay $0x4  }
0x56: {  	v2 =	vshrl.u32 v2, $0xF  }
0x57: {  	[tilespmem:$0x1800] =	vst v2  }
0x58: {  	v2 =	vld [tilespmem:s22+$0x10];
	_ =	sdelay $0x4  }
0x59: {  	v2 =	vshrl.u32 v2, $0xF  }
0x5a: {  	[tilespmem:$0x1810] =	vst v2  }
0x5b: {  	v2 =	vld [tilespmem:s22+$0x20];
	_ =	sdelay $0x4  }
0x5c: {  	v2 =	vshrl.u32 v2, $0xF  }
0x5d: {  	[tilespmem:$0x1820] =	vst v2  }
0x5e: {  	v2 =	vld [tilespmem:s22+$0x30];
	_ =	sdelay $0x4  }
0x5f: {  	v2 =	vshrl.u32 v2, $0xF  }
0x60: {  	[tilespmem:$0x1830] =	vst v2  }
0x61: {  	v2 =	vld [tilespmem:s22+$0x40];
	_ =	sdelay $0x4  }
0x62: {  	v2 =	vshrl.u32 v2, $0xF  }
0x63: {  	[tilespmem:$0x1840] =	vst v2  }
0x64: {  	v2 =	vld [tilespmem:s22+$0x50];
	_ =	sdelay $0x4  }
0x65: {  	v2 =	vshrl.u32 v2, $0xF  }
0x66: {  	[tilespmem:$0x1850] =	vst v2  }
0x67: {  	v2 =	vld [tilespmem:s22+$0x60];
	_ =	sdelay $0x4  }
0x68: {  	v2 =	vshrl.u32 v2, $0xF  }
0x69: {  	[tilespmem:$0x1860] =	vst v2  }
0x6a: {  	v2 =	vld [tilespmem:s22+$0x70];
	_ =	sdelay $0x4  }
.Ltmp0:
0x6b: {  	v2 =	vshrl.u32 v2, $0xF;
	(pc) =	sbr.rel @p0 .LBB2_2-.Ltmp0, $4  }
0x6c: {  	[tilespmem:$0x1870] =	vst v2  }
0x6d: {  	[spmem:s2] =	stream.indirect.scatter.add.f32 [tilespmem:s16], [sflag:$0x1], $0x1, s15, s14, $0xb8;
	[tilespmem:$0x1C00] =	vst v63  }
0x6e: {  	_ =	swait.ge [sflag:s12], $0x80  }
0x6f: {  	s23 =	smov.u32 s21;
	[sflag:s12] =	ssyncset.done $0x0  }
0x70: {  	s20 =	sshra.s32 s20, $0x2;
	[sflag:s12] =	ssyncadd.s32 $0xFFFFFF80  }
0x71: {  	v2 =	vld [tilespmem:s20+$0x0];
	_ =	sdelay $0x4  }
0x72: {  	v2 =	vshrl.u32 v2, $0xF  }
0x73: {  	[tilespmem:$0x1800] =	vst v2  }
0x74: {  	v2 =	vld [tilespmem:s20+$0x10];
	_ =	sdelay $0x4  }
0x75: {  	v2 =	vshrl.u32 v2, $0xF  }
0x76: {  	[tilespmem:$0x1810] =	vst v2  }
0x77: {  	v2 =	vld [tilespmem:s20+$0x20];
	_ =	sdelay $0x4  }
0x78: {  	v2 =	vshrl.u32 v2, $0xF  }
0x79: {  	[tilespmem:$0x1820] =	vst v2  }
0x7a: {  	v2 =	vld [tilespmem:s20+$0x30];
	_ =	sdelay $0x4  }
0x7b: {  	v2 =	vshrl.u32 v2, $0xF  }
0x7c: {  	[tilespmem:$0x1830] =	vst v2  }
0x7d: {  	v2 =	vld [tilespmem:s20+$0x40];
	_ =	sdelay $0x4  }
0x7e: {  	v2 =	vshrl.u32 v2, $0xF  }
0x7f: {  	[tilespmem:$0x1840] =	vst v2  }
0x80: {  	v2 =	vld [tilespmem:s20+$0x50];
	_ =	sdelay $0x4  }
0x81: {  	v2 =	vshrl.u32 v2, $0xF  }
0x82: {  	[tilespmem:$0x1850] =	vst v2  }
0x83: {  	v2 =	vld [tilespmem:s20+$0x60];
	_ =	sdelay $0x4  }
0x84: {  	v2 =	vshrl.u32 v2, $0xF  }
0x85: {  	[tilespmem:$0x1860] =	vst v2  }
0x86: {  	v2 =	vld [tilespmem:s20+$0x70];
	_ =	sdelay $0x4  }
0x87: {  	v2 =	vshrl.u32 v2, $0xF  }
0x88: {  	[tilespmem:$0x1870] =	vst v2  }
0x89: {  	[spmem:s2] =	stream.indirect.scatter.add.f32 [tilespmem:s16], [sflag:$0x1], $0x1, s15, s14, $0xb8;
	[tilespmem:$0x1C00] =	vst v63  }
0x8a: {  	_ =	swait.ge [sflag:s12], $0x80  }
0x8b: {  	s19 =	sadd.s32 $0x1, s19;
	[sflag:s12] =	ssyncset.done $0x0  }
0x8c: {  	p0 =	sne.s32 s19, s11;
	[sflag:s12] =	ssyncadd.s32 $0xFFFFFF80  }
.Ltmp1:
0x8d: {  	[bflag:$0x0] =	sbarrier.arrive $0xFFFF;
	(pc) =	sbr.rel @p0 .LBB2_1-.Ltmp1, $4  }
0x8e: {  	[hbm:s10], [sflag:s17] =	dma.local [spmem:s18], $0x50  }
0x8f: {  	_ =	swait.ge [sflag:s12], $0x50  }
0x90: {  	[sflag:s12] =	ssyncset.done $0x0  }
0x91: {  	[sflag:s12] =	ssyncadd.s32 $0xFFFFFFB0  }
0x92: {  	_ =	sfence.sel $0x180000  }
0x93: {  	[bflag:$0x0] =	sbarrier.arrive $0xFFFF  }
0x94: {  	p0 =	sne.s32 s0, $0x0;
	_ =	strace $0x90000047  }
0x95: {  	s0 =	sadd.s32 @!p0 $0x100000, s1;
	[bflag:$0x2] =	sbarrier.arrive $0xFFFF  }
0x96: {  	[sflag:s0] =	ssyncadd.tile.s32 @!p0 $0x1;
	_ =	shalt  }
.Lfunc_end2:
_tile_overlayer_lowered:
.L_overlay_start_2:
0x97: {  	(tag) =	ssettag $0x2  }
0x98: {  	s0 =	rddreg [dreg:$0x0];
	s2 =	stileid.u32  }
0x99: {  	s1 =	rddreg [dreg:$0x1];
	p0 =	sne.s32 s2, $0x0  }
0x9a: {  	s3 =	rddreg [dreg:$0x2];
	[bflag:$0x3] =	sbarrier.arrive $0xFFFF;
	s2 =	simm.s32 @!p0 $0x1C01  }
0x9b: {  	[timem:s3], [sflag:s2] =	dma.local @!p0 [hbm:s0], s1  }
0x9c: {  	s0 =	simm.s32 @!p0 $0x1  }
0x9d: {  	_ =	swait.ge @!p0 [sflag:s0], s1  }
0x9e: {  	s1 =	ssub.s32 @!p0 $0x0, s1;
	[sflag:s0] =	ssyncset.done @!p0 $0x0  }
0x9f: {  	[sflag:s0] =	ssyncadd.s32 @!p0 s1  }
0xa0: {  	[bflag:$0x3] =	sbarrier.arrive $0xFFFF  }
0xa1: {  	_ =	shalt  }

</sc_bundles>
